<compile_context>
chip_gen: v7x
topology: tpu7x:2x2x1
jax: 0.10.2.dev20260603
libtpu: 0.0.44.dev20260713+nightly
codegen_flags: <defaults>
</compile_context>

<pallas_src>
import functools
import math

import jax
import jax.numpy as jnp
from jax import lax
from jax.experimental import pallas as pl
from jax.experimental.pallas import tpu as pltpu, tpu_sc as plsc

_L = 16


@functools.lru_cache(maxsize=None)
def _build_sc_call(B, S, D, dtype_name):
    dtype = jnp.dtype(dtype_name)
    scale = float(math.sqrt(D))
    mesh = plsc.VectorSubcoreMesh(core_axis_name="c", subcore_axis_name="s",
                                  num_cores=1)

    @functools.partial(
        pl.kernel,
        mesh=mesh,
        out_type=jax.ShapeDtypeStruct((B, D), dtype),
        scratch_types=[
            pltpu.VMEM((4, _L), jnp.int32),
            pltpu.VMEM((_L,), jnp.int32),
            pltpu.VMEM((_L,), jnp.int32),
            pltpu.VMEM((2, D), dtype),
            pltpu.VMEM((1, D), dtype),
            pltpu.VMEM((1, D), dtype),
            pltpu.SemaphoreType.DMA,
            pltpu.SemaphoreType.DMA,
            pltpu.SemaphoreType.DMA,
        ],
    )
    def sc_call(aux_hbm, x_hbm, pe_hbm, out_hbm,
                aux_v, idx0_v, idx1_v, x_v, r0_v, r1_v,
                sem_x, sem_g, sem_g2):
        s = lax.axis_index("s")
        b0 = s * 2

        cp_x = pltpu.async_copy(x_hbm.at[pl.ds(b0, 2)], x_v, sem_x)
        pltpu.sync_copy(aux_hbm.at[pl.ds(b0 * 2, 4)], aux_v)

        idx0_v[...] = aux_v[0, :] + (b0 * S - 1)
        idx1_v[...] = aux_v[2, :] + ((b0 + 1) * S - 1)
        a = lax.bitcast_convert_type(aux_v[1, :], dtype)
        cp0 = pltpu.async_copy(pe_hbm.at[idx0_v.at[pl.ds(0, 1)]], r0_v, sem_g)
        cp1 = pltpu.async_copy(pe_hbm.at[idx1_v.at[pl.ds(0, 1)]], r1_v,
                               sem_g2)
        cp_x.wait()

        cp0.wait()
        for j in range(D // _L):
            sl = pl.ds(j * _L, _L)
            x_v[0, sl] = x_v[0, sl] * scale + a * r0_v[0, sl]
        cp1.wait()
        for j in range(D // _L):
            sl = pl.ds(j * _L, _L)
            x_v[1, sl] = x_v[1, sl] * scale + a * r1_v[0, sl]

        pltpu.sync_copy(x_v, out_hbm.at[pl.ds(b0, 2)])

    return sc_call


def kernel(input_pos, x, alpha, pe):
    B, _, D = x.shape
    S = pe.shape[1]
    sc_call = _build_sc_call(B, S, D, str(x.dtype))
    alpha_bits = lax.bitcast_convert_type(alpha.astype(x.dtype), jnp.int32)
    aux = jnp.stack([
        jnp.broadcast_to(input_pos.astype(jnp.int32)[:, None], (B, _L)),
        jnp.broadcast_to(alpha_bits, (B, _L)),
    ], axis=1).reshape(2 * B, _L)
    out = sc_call(aux, x.reshape(B, D), pe.reshape(B * S, D))
    return out.reshape(B, 1, D)

# --- scband reference (transcript-rebuilt; emitter-appended) ---
"""Pipeline reference for scband-sine-positional-embedding-68083821576378 (READ-ONLY COPY).

The authoritative reference and input builder live on the scoring server;
editing this copy changes nothing except your own understanding.
"""

import math
import jax, jax.numpy as jnp
import numpy as np

MAX_BATCH = 32
MAX_SEQ = 2048
EMB_DIM = 1024


def _build_pe():
    position = jnp.arange(MAX_SEQ, dtype=jnp.float32)[:, None]
    div_term = jnp.exp(jnp.arange(0, EMB_DIM, 2, dtype=jnp.float32) * (-(math.log(10000.0) / EMB_DIM)))
    pe = jnp.zeros((MAX_SEQ, EMB_DIM), dtype=jnp.float32)
    pe = pe.at[:, 0::2].set(jnp.sin(position * div_term))
    pe = pe.at[:, 1::2].set(jnp.cos(position * div_term))
    # buffer is registered with shape [max_batch_size, max_seq_length, embedding_dim]
    return jnp.broadcast_to(pe[None, :, :], (MAX_BATCH, MAX_SEQ, EMB_DIM))


def setup_inputs(seed: int = 0) -> dict:
    key = jax.random.key(seed)
    k1, k2 = jax.random.split(key, 2)
    x = jax.random.normal(k1, (32, 1, EMB_DIM), dtype=jnp.float32)
    # input_pos in [1, MAX_SEQ] so that input_pos - 1 is a valid index
    input_pos = jax.random.randint(k2, (32,), 1, MAX_SEQ + 1, dtype=jnp.int32)
    alpha = jnp.ones((1,), dtype=jnp.float32)
    pe = _build_pe()
    return {"input_pos": input_pos, "x": x, "alpha": alpha, "pe": pe}


def reference(input_pos, x, alpha, pe):
    batch_size = x.shape[0]
    x_scale = math.sqrt(pe.shape[-1])  # scale=True
    pe_values = pe[jnp.arange(batch_size), input_pos - 1]  # [B, D]
    return x * x_scale + alpha * pe_values[:, None, :]

if __name__ == "__main__":
    import jax
    _d = setup_inputs()
    print(jax.jit(kernel)(*tuple(_d.values())))

</pallas_src>

<mosaic_0001>
#map = affine_map<(d0, d1) -> (0, 0)>
module attributes {stable_mosaic.version = 14 : i64} {
  func.func @sc_call(%arg0: i32, %arg1: i32, %arg2: memref<64x16xi32, #tpu.memory_space<hbm>>, %arg3: memref<32x1024xf32, #tpu.memory_space<hbm>>, %arg4: memref<65536x1024xf32, #tpu.memory_space<hbm>>, %arg5: memref<32x1024xf32, #tpu.memory_space<hbm>>, %arg6: memref<4x16xi32, #tpu.memory_space<vmem>>, %arg7: memref<16xi32, #tpu.memory_space<vmem>>, %arg8: memref<16xi32, #tpu.memory_space<vmem>>, %arg9: memref<2x1024xf32, #tpu.memory_space<vmem>>, %arg10: memref<1x1024xf32, #tpu.memory_space<vmem>>, %arg11: memref<1x1024xf32, #tpu.memory_space<vmem>>, %arg12: memref<!tpu.dma_semaphore, #tpu.memory_space<semaphore_mem>>, %arg13: memref<!tpu.dma_semaphore, #tpu.memory_space<semaphore_mem>>, %arg14: memref<!tpu.dma_semaphore, #tpu.memory_space<semaphore_mem>>) attributes {dimension_semantics = [#tpu.dimension_semantics<core_parallel>, #tpu.dimension_semantics<subcore_parallel>], iteration_bounds = array<i64: 1, 16>, scalar_prefetch = 0 : i64, scratch_operands = 9 : i64, tpu.core_type = #tpu.core_type<sc_vector_subcore>, window_params = [{transform_indices = #map}, {transform_indices = #map}, {transform_indices = #map}, {transform_indices = #map}]} {
    %mul3A = arith.constant 2 : i32
    %mul3A_0 = arith.muli %arg1, %mul3A : i32
    %dma_start3A = arith.constant 0 : i32
    %dma_start3A_1 = tpu.memref_slice %arg3[%mul3A_0, %dma_start3A] : memref<32x1024xf32, #tpu.memory_space<hbm>> -> memref<2x1024xf32, #tpu.memory_space<hbm>>
    %dma_start3A_2 = arith.constant 0 : i32
    %dma_start3A_3 = tpu.memref_slice %arg3[%mul3A_0, %dma_start3A_2] : memref<32x1024xf32, #tpu.memory_space<hbm>> -> memref<2x1024xf32, #tpu.memory_space<hbm>>
    tpu.enqueue_dma source(%dma_start3A_3 : memref<2x1024xf32, #tpu.memory_space<hbm>>) target(%arg9 : memref<2x1024xf32, #tpu.memory_space<vmem>>) target_semaphore(%arg12 : memref<!tpu.dma_semaphore, #tpu.memory_space<semaphore_mem>>)
    %mul3A_4 = arith.constant 2 : i32
    %mul3A_5 = arith.muli %mul3A_0, %mul3A_4 : i32
    "tpu.region"() ({
      %run_scoped3A = tpu.sem_alloc : memref<!tpu.dma_semaphore, #tpu.memory_space<semaphore_mem>>
      %dma_start3A_2750 = arith.constant 0 : i32
      %dma_start3A_2751 = tpu.memref_slice %arg2[%mul3A_5, %dma_start3A_2750] : memref<64x16xi32, #tpu.memory_space<hbm>> -> memref<4x16xi32, #tpu.memory_space<hbm>>
      %dma_start3A_2752 = arith.constant 0 : i32
      %dma_start3A_2753 = tpu.memref_slice %arg2[%mul3A_5, %dma_start3A_2752] : memref<64x16xi32, #tpu.memory_space<hbm>> -> memref<4x16xi32, #tpu.memory_space<hbm>>
      tpu.enqueue_dma source(%dma_start3A_2753 : memref<4x16xi32, #tpu.memory_space<hbm>>) target(%arg6 : memref<4x16xi32, #tpu.memory_space<vmem>>) target_semaphore(%run_scoped3A : memref<!tpu.dma_semaphore, #tpu.memory_space<semaphore_mem>>)
      %dma_wait3A_2754 = arith.constant 0 : i32
      %dma_wait3A_2755 = tpu.memref_slice %arg2[%mul3A_5, %dma_wait3A_2754] : memref<64x16xi32, #tpu.memory_space<hbm>> -> memref<4x16xi32, #tpu.memory_space<hbm>>
      %dma_wait3A_2756 = arith.constant 0 : i32
      %dma_wait3A_2757 = tpu.memref_slice %arg2[%mul3A_5, %dma_wait3A_2756] : memref<64x16xi32, #tpu.memory_space<hbm>> -> memref<4x16xi32, #tpu.memory_space<hbm>>
      tpu.wait_dma2 semaphore(%run_scoped3A : memref<!tpu.dma_semaphore, #tpu.memory_space<semaphore_mem>>) src(%dma_wait3A_2757 : memref<4x16xi32, #tpu.memory_space<hbm>>) dst(%arg6 : memref<4x16xi32, #tpu.memory_space<vmem>>)
      tpu.yield
    }) : () -> ()
    %get3A = arith.constant 0 : i32
    %get3A_6 = arith.index_cast %get3A : i32 to index
    %get3A_7 = arith.constant 0 : index
    %get3A_8 = tpu.vector_load %arg6[%get3A_6, %get3A_7] {strides = array<i32>} : memref<4x16xi32, #tpu.memory_space<vmem>>, vector<1x16xi32>,
    %get3A_9 = vector.shape_cast %get3A_8 : vector<1x16xi32> to vector<16xi32>
    %mul3A_10 = arith.constant 2048 : i32
    %mul3A_11 = arith.muli %mul3A_0, %mul3A_10 : i32
    %sub3A = arith.constant 1 : i32
    %sub3A_12 = arith.subi %mul3A_11, %sub3A : i32
    %add3A = vector.broadcast %sub3A_12 : i32 to vector<16xi32>
    %add3A_13 = arith.addi %get3A_9, %add3A : vector<16xi32>
    %swap3A = arith.constant 0 : index
    %swap3A_14 = tpu.vector_load %arg7[%swap3A] {strides = array<i32>} : memref<16xi32, #tpu.memory_space<vmem>>, vector<16xi32>,
    %swap3A_15 = vector.shape_cast %swap3A_14 : vector<16xi32> to vector<16xi32>
    %swap3A_16 = vector.shape_cast %add3A_13 : vector<16xi32> to vector<16xi32>
    tpu.vector_store %arg7[%swap3A], %swap3A_16 {strides = array<i32>} : memref<16xi32, #tpu.memory_space<vmem>>, vector<16xi32>,
    %get3A_17 = arith.constant 2 : i32
    %get3A_18 = arith.index_cast %get3A_17 : i32 to index
    %get3A_19 = arith.constant 0 : index
    %get3A_20 = tpu.vector_load %arg6[%get3A_18, %get3A_19] {strides = array<i32>} : memref<4x16xi32, #tpu.memory_space<vmem>>, vector<1x16xi32>,
    %get3A_21 = vector.shape_cast %get3A_20 : vector<1x16xi32> to vector<16xi32>
    %add3A_22 = arith.constant 1 : i32
    %add3A_23 = arith.addi %mul3A_0, %add3A_22 : i32
    %mul3A_24 = arith.constant 2048 : i32
    %mul3A_25 = arith.muli %add3A_23, %mul3A_24 : i32
    %sub3A_26 = arith.constant 1 : i32
    %sub3A_27 = arith.subi %mul3A_25, %sub3A_26 : i32
    %add3A_28 = vector.broadcast %sub3A_27 : i32 to vector<16xi32>
    %add3A_29 = arith.addi %get3A_21, %add3A_28 : vector<16xi32>
    %swap3A_30 = arith.constant 0 : index
    %swap3A_31 = tpu.vector_load %arg8[%swap3A_30] {strides = array<i32>} : memref<16xi32, #tpu.memory_space<vmem>>, vector<16xi32>,
    %swap3A_32 = vector.shape_cast %swap3A_31 : vector<16xi32> to vector<16xi32>
    %swap3A_33 = vector.shape_cast %add3A_29 : vector<16xi32> to vector<16xi32>
    tpu.vector_store %arg8[%swap3A_30], %swap3A_33 {strides = array<i32>} : memref<16xi32, #tpu.memory_space<vmem>>, vector<16xi32>,
    %get3A_34 = arith.constant 1 : i32
    %get3A_35 = arith.index_cast %get3A_34 : i32 to index
    %get3A_36 = arith.constant 0 : index
    %get3A_37 = tpu.vector_load %arg6[%get3A_35, %get3A_36] {strides = array<i32>} : memref<4x16xi32, #tpu.memory_space<vmem>>, vector<1x16xi32>,
    %get3A_38 = vector.shape_cast %get3A_37 : vector<1x16xi32> to vector<16xi32>
    %bitcast_convert_type3A = tpu.bitcast %get3A_38 : vector<16xi32> -> vector<16xf32>
    %dma_start3A_39 = arith.constant 0 : i32
    %dma_start3A_40 = tpu.memref_slice %arg7[%dma_start3A_39] : memref<16xi32, #tpu.memory_space<vmem>> -> memref<1xi32, #tpu.memory_space<vmem>>
    %dma_start3A_41 = arith.constant 0 : i32
    %dma_start3A_42 = arith.constant 0 : i32
    %dma_start3A_43 = tpu.memref_slice %arg4[%dma_start3A_41, %dma_start3A_42] : memref<65536x1024xf32, #tpu.memory_space<hbm>> -> memref<65536x1024xf32, #tpu.memory_space<hbm>>
    tpu.enqueue_indirect_dma source(%dma_start3A_43 : memref<65536x1024xf32, #tpu.memory_space<hbm>>) target(%arg10 : memref<1x1024xf32, #tpu.memory_space<vmem>>) offsets(%dma_start3A_40 : memref<1xi32, #tpu.memory_space<vmem>>) semaphore(%arg13 : memref<!tpu.dma_semaphore, #tpu.memory_space<semaphore_mem>>)
    %dma_start3A_44 = arith.constant 0 : i32
    %dma_start3A_45 = tpu.memref_slice %arg8[%dma_start3A_44] : memref<16xi32, #tpu.memory_space<vmem>> -> memref<1xi32, #tpu.memory_space<vmem>>
    %dma_start3A_46 = arith.constant 0 : i32
    %dma_start3A_47 = arith.constant 0 : i32
    %dma_start3A_48 = tpu.memref_slice %arg4[%dma_start3A_46, %dma_start3A_47] : memref<65536x1024xf32, #tpu.memory_space<hbm>> -> memref<65536x1024xf32, #tpu.memory_space<hbm>>
    tpu.enqueue_indirect_dma source(%dma_start3A_48 : memref<65536x1024xf32, #tpu.memory_space<hbm>>) target(%arg11 : memref<1x1024xf32, #tpu.memory_space<vmem>>) offsets(%dma_start3A_45 : memref<1xi32, #tpu.memory_space<vmem>>) semaphore(%arg14 : memref<!tpu.dma_semaphore, #tpu.memory_space<semaphore_mem>>)
    %dma_wait3A = arith.constant 0 : i32
    %dma_wait3A_49 = tpu.memref_slice %arg3[%mul3A_0, %dma_wait3A] : memref<32x1024xf32, #tpu.memory_space<hbm>> -> memref<2x1024xf32, #tpu.memory_space<hbm>>
    %dma_wait3A_50 = arith.constant 0 : i32
    %dma_wait3A_51 = tpu.memref_slice %arg3[%mul3A_0, %dma_wait3A_50] : memref<32x1024xf32, #tpu.memory_space<hbm>> -> memref<2x1024xf32, #tpu.memory_space<hbm>>
    tpu.wait_dma2 semaphore(%arg12 : memref<!tpu.dma_semaphore, #tpu.memory_space<semaphore_mem>>) src(%dma_wait3A_51 : memref<2x1024xf32, #tpu.memory_space<hbm>>) dst(%arg9 : memref<2x1024xf32, #tpu.memory_space<vmem>>)
    %dma_wait3A_52 = arith.constant 0 : i32
    %dma_wait3A_53 = tpu.memref_slice %arg7[%dma_wait3A_52] : memref<16xi32, #tpu.memory_space<vmem>> -> memref<1xi32, #tpu.memory_space<vmem>>
    %dma_wait3A_54 = arith.constant 0 : i32
    %dma_wait3A_55 = arith.constant 0 : i32
    %dma_wait3A_56 = tpu.memref_slice %arg4[%dma_wait3A_54, %dma_wait3A_55] : memref<65536x1024xf32, #tpu.memory_space<hbm>> -> memref<65536x1024xf32, #tpu.memory_space<hbm>>
    tpu.wait_indirect_dma semaphore(%arg13 : memref<!tpu.dma_semaphore, #tpu.memory_space<semaphore_mem>>) src(%dma_wait3A_56 : memref<65536x1024xf32, #tpu.memory_space<hbm>>) dst(%arg10 : memref<1x1024xf32, #tpu.memory_space<vmem>>)
    %get3A_57 = arith.constant 0 : i32
    %get3A_58 = arith.index_cast %get3A_57 : i32 to index
    %get3A_59 = arith.constant 0 : index
    %get3A_60 = tpu.vector_load %arg9[%get3A_58, %get3A_59] {strides = array<i32>} : memref<2x1024xf32, #tpu.memory_space<vmem>>, vector<1x16xf32>,
    %get3A_61 = vector.shape_cast %get3A_60 : vector<1x16xf32> to vector<16xf32>
    %mul3A_62 = arith.constant 3.200000e+01 : f32
    %mul3A_63 = vector.broadcast %mul3A_62 : f32 to vector<16xf32>
    %mul3A_64 = arith.mulf %get3A_61, %mul3A_63 : vector<16xf32>
    %get3A_65 = arith.constant 0 : i32
    %get3A_66 = arith.index_cast %get3A_65 : i32 to index
    %get3A_67 = arith.constant 0 : index
    %get3A_68 = tpu.vector_load %arg10[%get3A_66, %get3A_67] {strides = array<i32>} : memref<1x1024xf32, #tpu.memory_space<vmem>>, vector<1x16xf32>,
    %get3A_69 = vector.shape_cast %get3A_68 : vector<1x16xf32> to vector<16xf32>
    %mul3A_70 = arith.mulf %bitcast_convert_type3A, %get3A_69 : vector<16xf32>
    %add3A_71 = arith.addf %mul3A_64, %mul3A_70 : vector<16xf32>
    %swap3A_72 = arith.constant 0 : i32
    %swap3A_73 = arith.index_cast %swap3A_72 : i32 to index
    %swap3A_74 = arith.constant 0 : index
    %swap3A_75 = tpu.vector_load %arg9[%swap3A_73, %swap3A_74] {strides = array<i32>} : memref<2x1024xf32, #tpu.memory_space<vmem>>, vector<1x16xf32>,
    %swap3A_76 = vector.shape_cast %swap3A_75 : vector<1x16xf32> to vector<16xf32>
    %swap3A_77 = vector.shape_cast %add3A_71 : vector<16xf32> to vector<1x16xf32>
    tpu.vector_store %arg9[%swap3A_73, %swap3A_74], %swap3A_77 {strides = array<i32>} : memref<2x1024xf32, #tpu.memory_space<vmem>>, vector<1x16xf32>,
    %get3A_78 = arith.constant 0 : i32
    %get3A_79 = arith.index_cast %get3A_78 : i32 to index
    %get3A_80 = arith.constant 16 : index
    %get3A_81 = tpu.vector_load %arg9[%get3A_79, %get3A_80] {strides = array<i32>} : memref<2x1024xf32, #tpu.memory_space<vmem>>, vector<1x16xf32>,
    %get3A_82 = vector.shape_cast %get3A_81 : vector<1x16xf32> to vector<16xf32>
    %mul3A_83 = arith.constant 3.200000e+01 : f32
    %mul3A_84 = vector.broadcast %mul3A_83 : f32 to vector<16xf32>
    %mul3A_85 = arith.mulf %get3A_82, %mul3A_84 : vector<16xf32>
    %get3A_86 = arith.constant 0 : i32
    %get3A_87 = arith.index_cast %get3A_86 : i32 to index
    %get3A_88 = arith.constant 16 : index
    %get3A_89 = tpu.vector_load %arg10[%get3A_87, %get3A_88] {strides = array<i32>} : memref<1x1024xf32, #tpu.memory_space<vmem>>, vector<1x16xf32>,
    %get3A_90 = vector.shape_cast %get3A_89 : vector<1x16xf32> to vector<16xf32>
    %mul3A_91 = arith.mulf %bitcast_convert_type3A, %get3A_90 : vector<16xf32>
    %add3A_92 = arith.addf %mul3A_85, %mul3A_91 : vector<16xf32>
    %swap3A_93 = arith.constant 0 : i32
    %swap3A_94 = arith.index_cast %swap3A_93 : i32 to index
    %swap3A_95 = arith.constant 16 : index
    %swap3A_96 = tpu.vector_load %arg9[%swap3A_94, %swap3A_95] {strides = array<i32>} : memref<2x1024xf32, #tpu.memory_space<vmem>>, vector<1x16xf32>,
    %swap3A_97 = vector.shape_cast %swap3A_96 : vector<1x16xf32> to vector<16xf32>
    %swap3A_98 = vector.shape_cast %add3A_92 : vector<16xf32> to vector<1x16xf32>
    tpu.vector_store %arg9[%swap3A_94, %swap3A_95], %swap3A_98 {strides = array<i32>} : memref<2x1024xf32, #tpu.memory_space<vmem>>, vector<1x16xf32>,
    %get3A_99 = arith.constant 0 : i32
    %get3A_100 = arith.index_cast %get3A_99 : i32 to index
    %get3A_101 = arith.constant 32 : index
    %get3A_102 = tpu.vector_load %arg9[%get3A_100, %get3A_101] {strides = array<i32>} : memref<2x1024xf32, #tpu.memory_space<vmem>>, vector<1x16xf32>,
    %get3A_103 = vector.shape_cast %get3A_102 : vector<1x16xf32> to vector<16xf32>
    %mul3A_104 = arith.constant 3.200000e+01 : f32
    %mul3A_105 = vector.broadcast %mul3A_104 : f32 to vector<16xf32>
    %mul3A_106 = arith.mulf %get3A_103, %mul3A_105 : vector<16xf32>
    %get3A_107 = arith.constant 0 : i32
    %get3A_108 = arith.index_cast %get3A_107 : i32 to index
    %get3A_109 = arith.constant 32 : index
    %get3A_110 = tpu.vector_load %arg10[%get3A_108, %get3A_109] {strides = array<i32>} : memref<1x1024xf32, #tpu.memory_space<vmem>>, vector<1x16xf32>,
    %get3A_111 = vector.shape_cast %get3A_110 : vector<1x16xf32> to vector<16xf32>
    %mul3A_112 = arith.mulf %bitcast_convert_type3A, %get3A_111 : vector<16xf32>
    %add3A_113 = arith.addf %mul3A_106, %mul3A_112 : vector<16xf32>
    %swap3A_114 = arith.constant 0 : i32
    %swap3A_115 = arith.index_cast %swap3A_114 : i32 to index
    %swap3A_116 = arith.constant 32 : index
    %swap3A_117 = tpu.vector_load %arg9[%swap3A_115, %swap3A_116] {strides = array<i32>} : memref<2x1024xf32, #tpu.memory_space<vmem>>, vector<1x16xf32>,
    %swap3A_118 = vector.shape_cast %swap3A_117 : vector<1x16xf32> to vector<16xf32>
    %swap3A_119 = vector.shape_cast %add3A_113 : vector<16xf32> to vector<1x16xf32>
    tpu.vector_store %arg9[%swap3A_115, %swap3A_116], %swap3A_119 {strides = array<i32>} : memref<2x1024xf32, #tpu.memory_space<vmem>>, vector<1x16xf32>,
    %get3A_120 = arith.constant 0 : i32
    %get3A_121 = arith.index_cast %get3A_120 : i32 to index
    %get3A_122 = arith.constant 48 : index
    %get3A_123 = tpu.vector_load %arg9[%get3A_121, %get3A_122] {strides = array<i32>} : memref<2x1024xf32, #tpu.memory_space<vmem>>, vector<1x16xf32>,
    %get3A_124 = vector.shape_cast %get3A_123 : vector<1x16xf32> to vector<16xf32>
    %mul3A_125 = arith.constant 3.200000e+01 : f32
    %mul3A_126 = vector.broadcast %mul3A_125 : f32 to vector<16xf32>
    %mul3A_127 = arith.mulf %get3A_124, %mul3A_126 : vector<16xf32>
    %get3A_128 = arith.constant 0 : i32
    %get3A_129 = arith.index_cast %get3A_128 : i32 to index
    %get3A_130 = arith.constant 48 : index
    %get3A_131 = tpu.vector_load %arg10[%get3A_129, %get3A_130] {strides = array<i32>} : memref<1x1024xf32, #tpu.memory_space<vmem>>, vector<1x16xf32>,
    %get3A_132 = vector.shape_cast %get3A_131 : vector<1x16xf32> to vector<16xf32>
    %mul3A_133 = arith.mulf %bitcast_convert_type3A, %get3A_132 : vector<16xf32>
    %add3A_134 = arith.addf %mul3A_127, %mul3A_133 : vector<16xf32>
    %swap3A_135 = arith.constant 0 : i32
    %swap3A_136 = arith.index_cast %swap3A_135 : i32 to index
    %swap3A_137 = arith.constant 48 : index
    %swap3A_138 = tpu.vector_load %arg9[%swap3A_136, %swap3A_137] {strides = array<i32>} : memref<2x1024xf32, #tpu.memory_space<vmem>>, vector<1x16xf32>,
    %swap3A_139 = vector.shape_cast %swap3A_138 : vector<1x16xf32> to vector<16xf32>
    %swap3A_140 = vector.shape_cast %add3A_134 : vector<16xf32> to vector<1x16xf32>
    tpu.vector_store %arg9[%swap3A_136, %swap3A_137], %swap3A_140 {strides = array<i32>} : memref<2x1024xf32, #tpu.memory_space<vmem>>, vector<1x16xf32>,
    %get3A_141 = arith.constant 0 : i32
    %get3A_142 = arith.index_cast %get3A_141 : i32 to index
    %get3A_143 = arith.constant 64 : index
    %get3A_144 = tpu.vector_load %arg9[%get3A_142, %get3A_143] {strides = array<i32>} : memref<2x1024xf32, #tpu.memory_space<vmem>>, vector<1x16xf32>,
    %get3A_145 = vector.shape_cast %get3A_144 : vector<1x16xf32> to vector<16xf32>
    %mul3A_146 = arith.constant 3.200000e+01 : f32
    %mul3A_147 = vector.broadcast %mul3A_146 : f32 to vector<16xf32>
    %mul3A_148 = arith.mulf %get3A_145, %mul3A_147 : vector<16xf32>
    %get3A_149 = arith.constant 0 : i32
    %get3A_150 = arith.index_cast %get3A_149 : i32 to index
    %get3A_151 = arith.constant 64 : index
    %get3A_152 = tpu.vector_load %arg10[%get3A_150, %get3A_151] {strides = array<i32>} : memref<1x1024xf32, #tpu.memory_space<vmem>>, vector<1x16xf32>,
    %get3A_153 = vector.shape_cast %get3A_152 : vector<1x16xf32> to vector<16xf32>
    %mul3A_154 = arith.mulf %bitcast_convert_type3A, %get3A_153 : vector<16xf32>
    %add3A_155 = arith.addf %mul3A_148, %mul3A_154 : vector<16xf32>
    %swap3A_156 = arith.constant 0 : i32
    %swap3A_157 = arith.index_cast %swap3A_156 : i32 to index
    %swap3A_158 = arith.constant 64 : index
    %swap3A_159 = tpu.vector_load %arg9[%swap3A_157, %swap3A_158] {strides = array<i32>} : memref<2x1024xf32, #tpu.memory_space<vmem>>, vector<1x16xf32>,
    %swap3A_160 = vector.shape_cast %swap3A_159 : vector<1x16xf32> to vector<16xf32>
    %swap3A_161 = vector.shape_cast %add3A_155 : vector<16xf32> to vector<1x16xf32>
    tpu.vector_store %arg9[%swap3A_157, %swap3A_158], %swap3A_161 {strides = array<i32>} : memref<2x1024xf32, #tpu.memory_space<vmem>>, vector<1x16xf32>,
    %get3A_162 = arith.constant 0 : i32
    %get3A_163 = arith.index_cast %get3A_162 : i32 to index
    %get3A_164 = arith.constant 80 : index
    %get3A_165 = tpu.vector_load %arg9[%get3A_163, %get3A_164] {strides = array<i32>} : memref<2x1024xf32, #tpu.memory_space<vmem>>, vector<1x16xf32>,
    %get3A_166 = vector.shape_cast %get3A_165 : vector<1x16xf32> to vector<16xf32>
    %mul3A_167 = arith.constant 3.200000e+01 : f32
    %mul3A_168 = vector.broadcast %mul3A_167 : f32 to vector<16xf32>
    %mul3A_169 = arith.mulf %get3A_166, %mul3A_168 : vector<16xf32>
    %get3A_170 = arith.constant 0 : i32
    %get3A_171 = arith.index_cast %get3A_170 : i32 to index
    %get3A_172 = arith.constant 80 : index
    %get3A_173 = tpu.vector_load %arg10[%get3A_171, %get3A_172] {strides = array<i32>} : memref<1x1024xf32, #tpu.memory_space<vmem>>, vector<1x16xf32>,
    %get3A_174 = vector.shape_cast %get3A_173 : vector<1x16xf32> to vector<16xf32>
    %mul3A_175 = arith.mulf %bitcast_convert_type3A, %get3A_174 : vector<16xf32>
    %add3A_176 = arith.addf %mul3A_169, %mul3A_175 : vector<16xf32>
    %swap3A_177 = arith.constant 0 : i32
    %swap3A_178 = arith.index_cast %swap3A_177 : i32 to index
    %swap3A_179 = arith.constant 80 : index
    %swap3A_180 = tpu.vector_load %arg9[%swap3A_178, %swap3A_179] {strides = array<i32>} : memref<2x1024xf32, #tpu.memory_space<vmem>>, vector<1x16xf32>,
    %swap3A_181 = vector.shape_cast %swap3A_180 : vector<1x16xf32> to vector<16xf32>
    %swap3A_182 = vector.shape_cast %add3A_176 : vector<16xf32> to vector<1x16xf32>
    tpu.vector_store %arg9[%swap3A_178, %swap3A_179], %swap3A_182 {strides = array<i32>} : memref<2x1024xf32, #tpu.memory_space<vmem>>, vector<1x16xf32>,
    %get3A_183 = arith.constant 0 : i32
    %get3A_184 = arith.index_cast %get3A_183 : i32 to index
    %get3A_185 = arith.constant 96 : index
    %get3A_186 = tpu.vector_load %arg9[%get3A_184, %get3A_185] {strides = array<i32>} : memref<2x1024xf32, #tpu.memory_space<vmem>>, vector<1x16xf32>,
    %get3A_187 = vector.shape_cast %get3A_186 : vector<1x16xf32> to vector<16xf32>
    %mul3A_188 = arith.constant 3.200000e+01 : f32
    %mul3A_189 = vector.broadcast %mul3A_188 : f32 to vector<16xf32>
    %mul3A_190 = arith.mulf %get3A_187, %mul3A_189 : vector<16xf32>
    %get3A_191 = arith.constant 0 : i32
    %get3A_192 = arith.index_cast %get3A_191 : i32 to index
    %get3A_193 = arith.constant 96 : index
    %get3A_194 = tpu.vector_load %arg10[%get3A_192, %get3A_193] {strides = array<i32>} : memref<1x1024xf32, #tpu.memory_space<vmem>>, vector<1x16xf32>,
    %get3A_195 = vector.shape_cast %get3A_194 : vector<1x16xf32> to vector<16xf32>
    %mul3A_196 = arith.mulf %bitcast_convert_type3A, %get3A_195 : vector<16xf32>
    %add3A_197 = arith.addf %mul3A_190, %mul3A_196 : vector<16xf32>
    %swap3A_198 = arith.constant 0 : i32
    %swap3A_199 = arith.index_cast %swap3A_198 : i32 to index
    %swap3A_200 = arith.constant 96 : index
    %swap3A_201 = tpu.vector_load %arg9[%swap3A_199, %swap3A_200] {strides = array<i32>} : memref<2x1024xf32, #tpu.memory_space<vmem>>, vector<1x16xf32>,
    %swap3A_202 = vector.shape_cast %swap3A_201 : vector<1x16xf32> to vector<16xf32>
    %swap3A_203 = vector.shape_cast %add3A_197 : vector<16xf32> to vector<1x16xf32>
    tpu.vector_store %arg9[%swap3A_199, %swap3A_200], %swap3A_203 {strides = array<i32>} : memref<2x1024xf32, #tpu.memory_space<vmem>>, vector<1x16xf32>,
    %get3A_204 = arith.constant 0 : i32
    %get3A_205 = arith.index_cast %get3A_204 : i32 to index
    %get3A_206 = arith.constant 112 : index
    %get3A_207 = tpu.vector_load %arg9[%get3A_205, %get3A_206] {strides = array<i32>} : memref<2x1024xf32, #tpu.memory_space<vmem>>, vector<1x16xf32>,
    %get3A_208 = vector.shape_cast %get3A_207 : vector<1x16xf32> to vector<16xf32>
    %mul3A_209 = arith.constant 3.200000e+01 : f32
    %mul3A_210 = vector.broadcast %mul3A_209 : f32 to vector<16xf32>
    %mul3A_211 = arith.mulf %get3A_208, %mul3A_210 : vector<16xf32>
    %get3A_212 = arith.constant 0 : i32
    %get3A_213 = arith.index_cast %get3A_212 : i32 to index
    %get3A_214 = arith.constant 112 : index
    %get3A_215 = tpu.vector_load %arg10[%get3A_213, %get3A_214] {strides = array<i32>} : memref<1x1024xf32, #tpu.memory_space<vmem>>, vector<1x16xf32>,
    %get3A_216 = vector.shape_cast %get3A_215 : vector<1x16xf32> to vector<16xf32>
    %mul3A_217 = arith.mulf %bitcast_convert_type3A, %get3A_216 : vector<16xf32>
    %add3A_218 = arith.addf %mul3A_211, %mul3A_217 : vector<16xf32>
    %swap3A_219 = arith.constant 0 : i32
    %swap3A_220 = arith.index_cast %swap3A_219 : i32 to index
    %swap3A_221 = arith.constant 112 : index
    %swap3A_222 = tpu.vector_load %arg9[%swap3A_220, %swap3A_221] {strides = array<i32>} : memref<2x1024xf32, #tpu.memory_space<vmem>>, vector<1x16xf32>,
    %swap3A_223 = vector.shape_cast %swap3A_222 : vector<1x16xf32> to vector<16xf32>
    %swap3A_224 = vector.shape_cast %add3A_218 : vector<16xf32> to vector<1x16xf32>
    tpu.vector_store %arg9[%swap3A_220, %swap3A_221], %swap3A_224 {strides = array<i32>} : memref<2x1024xf32, #tpu.memory_space<vmem>>, vector<1x16xf32>,
    %get3A_225 = arith.constant 0 : i32
    %get3A_226 = arith.index_cast %get3A_225 : i32 to index
    %get3A_227 = arith.constant 128 : index
    %get3A_228 = tpu.vector_load %arg9[%get3A_226, %get3A_227] {strides = array<i32>} : memref<2x1024xf32, #tpu.memory_space<vmem>>, vector<1x16xf32>,
    %get3A_229 = vector.shape_cast %get3A_228 : vector<1x16xf32> to vector<16xf32>
    %mul3A_230 = arith.constant 3.200000e+01 : f32
    %mul3A_231 = vector.broadcast %mul3A_230 : f32 to vector<16xf32>
    %mul3A_232 = arith.mulf %get3A_229, %mul3A_231 : vector<16xf32>
    %get3A_233 = arith.constant 0 : i32
    %get3A_234 = arith.index_cast %get3A_233 : i32 to index
    %get3A_235 = arith.constant 128 : index
    %get3A_236 = tpu.vector_load %arg10[%get3A_234, %get3A_235] {strides = array<i32>} : memref<1x1024xf32, #tpu.memory_space<vmem>>, vector<1x16xf32>,
    %get3A_237 = vector.shape_cast %get3A_236 : vector<1x16xf32> to vector<16xf32>
    %mul3A_238 = arith.mulf %bitcast_convert_type3A, %get3A_237 : vector<16xf32>
    %add3A_239 = arith.addf %mul3A_232, %mul3A_238 : vector<16xf32>
    %swap3A_240 = arith.constant 0 : i32
    %swap3A_241 = arith.index_cast %swap3A_240 : i32 to index
    %swap3A_242 = arith.constant 128 : index
    %swap3A_243 = tpu.vector_load %arg9[%swap3A_241, %swap3A_242] {strides = array<i32>} : memref<2x1024xf32, #tpu.memory_space<vmem>>, vector<1x16xf32>,
    %swap3A_244 = vector.shape_cast %swap3A_243 : vector<1x16xf32> to vector<16xf32>
    %swap3A_245 = vector.shape_cast %add3A_239 : vector<16xf32> to vector<1x16xf32>
    tpu.vector_store %arg9[%swap3A_241, %swap3A_242], %swap3A_245 {strides = array<i32>} : memref<2x1024xf32, #tpu.memory_space<vmem>>, vector<1x16xf32>,
    %get3A_246 = arith.constant 0 : i32
    %get3A_247 = arith.index_cast %get3A_246 : i32 to index
    %get3A_248 = arith.constant 144 : index
    %get3A_249 = tpu.vector_load %arg9[%get3A_247, %get3A_248] {strides = array<i32>} : memref<2x1024xf32, #tpu.memory_space<vmem>>, vector<1x16xf32>,
    %get3A_250 = vector.shape_cast %get3A_249 : vector<1x16xf32> to vector<16xf32>
    %mul3A_251 = arith.constant 3.200000e+01 : f32
    %mul3A_252 = vector.broadcast %mul3A_251 : f32 to vector<16xf32>
    %mul3A_253 = arith.mulf %get3A_250, %mul3A_252 : vector<16xf32>
    %get3A_254 = arith.constant 0 : i32
    %get3A_255 = arith.index_cast %get3A_254 : i32 to index
    %get3A_256 = arith.constant 144 : index
    %get3A_257 = tpu.vector_load %arg10[%get3A_255, %get3A_256] {strides = array<i32>} : memref<1x1024xf32, #tpu.memory_space<vmem>>, vector<1x16xf32>,
    %get3A_258 = vector.shape_cast %get3A_257 : vector<1x16xf32> to vector<16xf32>
    %mul3A_259 = arith.mulf %bitcast_convert_type3A, %get3A_258 : vector<16xf32>
    %add3A_260 = arith.addf %mul3A_253, %mul3A_259 : vector<16xf32>
    %swap3A_261 = arith.constant 0 : i32
    %swap3A_262 = arith.index_cast %swap3A_261 : i32 to index
    %swap3A_263 = arith.constant 144 : index
    %swap3A_264 = tpu.vector_load %arg9[%swap3A_262, %swap3A_263] {strides = array<i32>} : memref<2x1024xf32, #tpu.memory_space<vmem>>, vector<1x16xf32>,
    %swap3A_265 = vector.shape_cast %swap3A_264 : vector<1x16xf32> to vector<16xf32>
    %swap3A_266 = vector.shape_cast %add3A_260 : vector<16xf32> to vector<1x16xf32>
    tpu.vector_store %arg9[%swap3A_262, %swap3A_263], %swap3A_266 {strides = array<i32>} : memref<2x1024xf32, #tpu.memory_space<vmem>>, vector<1x16xf32>,
    %get3A_267 = arith.constant 0 : i32
    %get3A_268 = arith.index_cast %get3A_267 : i32 to index
    %get3A_269 = arith.constant 160 : index
    %get3A_270 = tpu.vector_load %arg9[%get3A_268, %get3A_269] {strides = array<i32>} : memref<2x1024xf32, #tpu.memory_space<vmem>>, vector<1x16xf32>,
    %get3A_271 = vector.shape_cast %get3A_270 : vector<1x16xf32> to vector<16xf32>
    %mul3A_272 = arith.constant 3.200000e+01 : f32
    %mul3A_273 = vector.broadcast %mul3A_272 : f32 to vector<16xf32>
    %mul3A_274 = arith.mulf %get3A_271, %mul3A_273 : vector<16xf32>
    %get3A_275 = arith.constant 0 : i32
    %get3A_276 = arith.index_cast %get3A_275 : i32 to index
    %get3A_277 = arith.constant 160 : index
    %get3A_278 = tpu.vector_load %arg10[%get3A_276, %get3A_277] {strides = array<i32>} : memref<1x1024xf32, #tpu.memory_space<vmem>>, vector<1x16xf32>,
    %get3A_279 = vector.shape_cast %get3A_278 : vector<1x16xf32> to vector<16xf32>
    %mul3A_280 = arith.mulf %bitcast_convert_type3A, %get3A_279 : vector<16xf32>
    %add3A_281 = arith.addf %mul3A_274, %mul3A_280 : vector<16xf32>
    %swap3A_282 = arith.constant 0 : i32
    %swap3A_283 = arith.index_cast %swap3A_282 : i32 to index
    %swap3A_284 = arith.constant 160 : index
    %swap3A_285 = tpu.vector_load %arg9[%swap3A_283, %swap3A_284] {strides = array<i32>} : memref<2x1024xf32, #tpu.memory_space<vmem>>, vector<1x16xf32>,
    %swap3A_286 = vector.shape_cast %swap3A_285 : vector<1x16xf32> to vector<16xf32>
    %swap3A_287 = vector.shape_cast %add3A_281 : vector<16xf32> to vector<1x16xf32>
    tpu.vector_store %arg9[%swap3A_283, %swap3A_284], %swap3A_287 {strides = array<i32>} : memref<2x1024xf32, #tpu.memory_space<vmem>>, vector<1x16xf32>,
    %get3A_288 = arith.constant 0 : i32
    %get3A_289 = arith.index_cast %get3A_288 : i32 to index
    %get3A_290 = arith.constant 176 : index
    %get3A_291 = tpu.vector_load %arg9[%get3A_289, %get3A_290] {strides = array<i32>} : memref<2x1024xf32, #tpu.memory_space<vmem>>, vector<1x16xf32>,
    %get3A_292 = vector.shape_cast %get3A_291 : vector<1x16xf32> to vector<16xf32>
    %mul3A_293 = arith.constant 3.200000e+01 : f32
    %mul3A_294 = vector.broadcast %mul3A_293 : f32 to vector<16xf32>
    %mul3A_295 = arith.mulf %get3A_292, %mul3A_294 : vector<16xf32>
    %get3A_296 = arith.constant 0 : i32
    %get3A_297 = arith.index_cast %get3A_296 : i32 to index
    %get3A_298 = arith.constant 176 : index
    %get3A_299 = tpu.vector_load %arg10[%get3A_297, %get3A_298] {strides = array<i32>} : memref<1x1024xf32, #tpu.memory_space<vmem>>, vector<1x16xf32>,
    %get3A_300 = vector.shape_cast %get3A_299 : vector<1x16xf32> to vector<16xf32>
    %mul3A_301 = arith.mulf %bitcast_convert_type3A, %get3A_300 : vector<16xf32>
    %add3A_302 = arith.addf %mul3A_295, %mul3A_301 : vector<16xf32>
    %swap3A_303 = arith.constant 0 : i32
    %swap3A_304 = arith.index_cast %swap3A_303 : i32 to index
    %swap3A_305 = arith.constant 176 : index
    %swap3A_306 = tpu.vector_load %arg9[%swap3A_304, %swap3A_305] {strides = array<i32>} : memref<2x1024xf32, #tpu.memory_space<vmem>>, vector<1x16xf32>,
    %swap3A_307 = vector.shape_cast %swap3A_306 : vector<1x16xf32> to vector<16xf32>
    %swap3A_308 = vector.shape_cast %add3A_302 : vector<16xf32> to vector<1x16xf32>
    tpu.vector_store %arg9[%swap3A_304, %swap3A_305], %swap3A_308 {strides = array<i32>} : memref<2x1024xf32, #tpu.memory_space<vmem>>, vector<1x16xf32>,
    %get3A_309 = arith.constant 0 : i32
    %get3A_310 = arith.index_cast %get3A_309 : i32 to index
    %get3A_311 = arith.constant 192 : index
    %get3A_312 = tpu.vector_load %arg9[%get3A_310, %get3A_311] {strides = array<i32>} : memref<2x1024xf32, #tpu.memory_space<vmem>>, vector<1x16xf32>,
    %get3A_313 = vector.shape_cast %get3A_312 : vector<1x16xf32> to vector<16xf32>
    %mul3A_314 = arith.constant 3.200000e+01 : f32
    %mul3A_315 = vector.broadcast %mul3A_314 : f32 to vector<16xf32>
    %mul3A_316 = arith.mulf %get3A_313, %mul3A_315 : vector<16xf32>
    %get3A_317 = arith.constant 0 : i32
    %get3A_318 = arith.index_cast %get3A_317 : i32 to index
    %get3A_319 = arith.constant 192 : index
    %get3A_320 = tpu.vector_load %arg10[%get3A_318, %get3A_319] {strides = array<i32>} : memref<1x1024xf32, #tpu.memory_space<vmem>>, vector<1x16xf32>,
    %get3A_321 = vector.shape_cast %get3A_320 : vector<1x16xf32> to vector<16xf32>
    %mul3A_322 = arith.mulf %bitcast_convert_type3A, %get3A_321 : vector<16xf32>
    %add3A_323 = arith.addf %mul3A_316, %mul3A_322 : vector<16xf32>
    %swap3A_324 = arith.constant 0 : i32
    %swap3A_325 = arith.index_cast %swap3A_324 : i32 to index
    %swap3A_326 = arith.constant 192 : index
    %swap3A_327 = tpu.vector_load %arg9[%swap3A_325, %swap3A_326] {strides = array<i32>} : memref<2x1024xf32, #tpu.memory_space<vmem>>, vector<1x16xf32>,
    %swap3A_328 = vector.shape_cast %swap3A_327 : vector<1x16xf32> to vector<16xf32>
    %swap3A_329 = vector.shape_cast %add3A_323 : vector<16xf32> to vector<1x16xf32>
    tpu.vector_store %arg9[%swap3A_325, %swap3A_326], %swap3A_329 {strides = array<i32>} : memref<2x1024xf32, #tpu.memory_space<vmem>>, vector<1x16xf32>,
    %get3A_330 = arith.constant 0 : i32
    %get3A_331 = arith.index_cast %get3A_330 : i32 to index
    %get3A_332 = arith.constant 208 : index
    %get3A_333 = tpu.vector_load %arg9[%get3A_331, %get3A_332] {strides = array<i32>} : memref<2x1024xf32, #tpu.memory_space<vmem>>, vector<1x16xf32>,
    %get3A_334 = vector.shape_cast %get3A_333 : vector<1x16xf32> to vector<16xf32>
    %mul3A_335 = arith.constant 3.200000e+01 : f32
    %mul3A_336 = vector.broadcast %mul3A_335 : f32 to vector<16xf32>
    %mul3A_337 = arith.mulf %get3A_334, %mul3A_336 : vector<16xf32>
    %get3A_338 = arith.constant 0 : i32
    %get3A_339 = arith.index_cast %get3A_338 : i32 to index
    %get3A_340 = arith.constant 208 : index
    %get3A_341 = tpu.vector_load %arg10[%get3A_339, %get3A_340] {strides = array<i32>} : memref<1x1024xf32, #tpu.memory_space<vmem>>, vector<1x16xf32>,
    %get3A_342 = vector.shape_cast %get3A_341 : vector<1x16xf32> to vector<16xf32>
    %mul3A_343 = arith.mulf %bitcast_convert_type3A, %get3A_342 : vector<16xf32>
    %add3A_344 = arith.addf %mul3A_337, %mul3A_343 : vector<16xf32>
    %swap3A_345 = arith.constant 0 : i32
    %swap3A_346 = arith.index_cast %swap3A_345 : i32 to index
    %swap3A_347 = arith.constant 208 : index
    %swap3A_348 = tpu.vector_load %arg9[%swap3A_346, %swap3A_347] {strides = array<i32>} : memref<2x1024xf32, #tpu.memory_space<vmem>>, vector<1x16xf32>,
    %swap3A_349 = vector.shape_cast %swap3A_348 : vector<1x16xf32> to vector<16xf32>
    %swap3A_350 = vector.shape_cast %add3A_344 : vector<16xf32> to vector<1x16xf32>
    tpu.vector_store %arg9[%swap3A_346, %swap3A_347], %swap3A_350 {strides = array<i32>} : memref<2x1024xf32, #tpu.memory_space<vmem>>, vector<1x16xf32>,
    %get3A_351 = arith.constant 0 : i32
    %get3A_352 = arith.index_cast %get3A_351 : i32 to index
    %get3A_353 = arith.constant 224 : index
    %get3A_354 = tpu.vector_load %arg9[%get3A_352, %get3A_353] {strides = array<i32>} : memref<2x1024xf32, #tpu.memory_space<vmem>>, vector<1x16xf32>,
    %get3A_355 = vector.shape_cast %get3A_354 : vector<1x16xf32> to vector<16xf32>
    %mul3A_356 = arith.constant 3.200000e+01 : f32
    %mul3A_357 = vector.broadcast %mul3A_356 : f32 to vector<16xf32>
    %mul3A_358 = arith.mulf %get3A_355, %mul3A_357 : vector<16xf32>
    %get3A_359 = arith.constant 0 : i32
    %get3A_360 = arith.index_cast %get3A_359 : i32 to index
    %get3A_361 = arith.constant 224 : index
    %get3A_362 = tpu.vector_load %arg10[%get3A_360, %get3A_361] {strides = array<i32>} : memref<1x1024xf32, #tpu.memory_space<vmem>>, vector<1x16xf32>,
    %get3A_363 = vector.shape_cast %get3A_362 : vector<1x16xf32> to vector<16xf32>
    %mul3A_364 = arith.mulf %bitcast_convert_type3A, %get3A_363 : vector<16xf32>
    %add3A_365 = arith.addf %mul3A_358, %mul3A_364 : vector<16xf32>
    %swap3A_366 = arith.constant 0 : i32
    %swap3A_367 = arith.index_cast %swap3A_366 : i32 to index
    %swap3A_368 = arith.constant 224 : index
    %swap3A_369 = tpu.vector_load %arg9[%swap3A_367, %swap3A_368] {strides = array<i32>} : memref<2x1024xf32, #tpu.memory_space<vmem>>, vector<1x16xf32>,
    %swap3A_370 = vector.shape_cast %swap3A_369 : vector<1x16xf32> to vector<16xf32>
    %swap3A_371 = vector.shape_cast %add3A_365 : vector<16xf32> to vector<1x16xf32>
    tpu.vector_store %arg9[%swap3A_367, %swap3A_368], %swap3A_371 {strides = array<i32>} : memref<2x1024xf32, #tpu.memory_space<vmem>>, vector<1x16xf32>,
    %get3A_372 = arith.constant 0 : i32
    %get3A_373 = arith.index_cast %get3A_372 : i32 to index
    %get3A_374 = arith.constant 240 : index
    %get3A_375 = tpu.vector_load %arg9[%get3A_373, %get3A_374] {strides = array<i32>} : memref<2x1024xf32, #tpu.memory_space<vmem>>, vector<1x16xf32>,
    %get3A_376 = vector.shape_cast %get3A_375 : vector<1x16xf32> to vector<16xf32>
    %mul3A_377 = arith.constant 3.200000e+01 : f32
    %mul3A_378 = vector.broadcast %mul3A_377 : f32 to vector<16xf32>
    %mul3A_379 = arith.mulf %get3A_376, %mul3A_378 : vector<16xf32>
    %get3A_380 = arith.constant 0 : i32
    %get3A_381 = arith.index_cast %get3A_380 : i32 to index
    %get3A_382 = arith.constant 240 : index
    %get3A_383 = tpu.vector_load %arg10[%get3A_381, %get3A_382] {strides = array<i32>} : memref<1x1024xf32, #tpu.memory_space<vmem>>, vector<1x16xf32>,
    %get3A_384 = vector.shape_cast %get3A_383 : vector<1x16xf32> to vector<16xf32>
    %mul3A_385 = arith.mulf %bitcast_convert_type3A, %get3A_384 : vector<16xf32>
    %add3A_386 = arith.addf %mul3A_379, %mul3A_385 : vector<16xf32>
    %swap3A_387 = arith.constant 0 : i32
    %swap3A_388 = arith.index_cast %swap3A_387 : i32 to index
    %swap3A_389 = arith.constant 240 : index
    %swap3A_390 = tpu.vector_load %arg9[%swap3A_388, %swap3A_389] {strides = array<i32>} : memref<2x1024xf32, #tpu.memory_space<vmem>>, vector<1x16xf32>,
    %swap3A_391 = vector.shape_cast %swap3A_390 : vector<1x16xf32> to vector<16xf32>
    %swap3A_392 = vector.shape_cast %add3A_386 : vector<16xf32> to vector<1x16xf32>
    tpu.vector_store %arg9[%swap3A_388, %swap3A_389], %swap3A_392 {strides = array<i32>} : memref<2x1024xf32, #tpu.memory_space<vmem>>, vector<1x16xf32>,
    %get3A_393 = arith.constant 0 : i32
    %get3A_394 = arith.index_cast %get3A_393 : i32 to index
    %get3A_395 = arith.constant 256 : index
    %get3A_396 = tpu.vector_load %arg9[%get3A_394, %get3A_395] {strides = array<i32>} : memref<2x1024xf32, #tpu.memory_space<vmem>>, vector<1x16xf32>,
    %get3A_397 = vector.shape_cast %get3A_396 : vector<1x16xf32> to vector<16xf32>
    %mul3A_398 = arith.constant 3.200000e+01 : f32
    %mul3A_399 = vector.broadcast %mul3A_398 : f32 to vector<16xf32>
    %mul3A_400 = arith.mulf %get3A_397, %mul3A_399 : vector<16xf32>
    %get3A_401 = arith.constant 0 : i32
    %get3A_402 = arith.index_cast %get3A_401 : i32 to index
    %get3A_403 = arith.constant 256 : index
    %get3A_404 = tpu.vector_load %arg10[%get3A_402, %get3A_403] {strides = array<i32>} : memref<1x1024xf32, #tpu.memory_space<vmem>>, vector<1x16xf32>,
    %get3A_405 = vector.shape_cast %get3A_404 : vector<1x16xf32> to vector<16xf32>
    %mul3A_406 = arith.mulf %bitcast_convert_type3A, %get3A_405 : vector<16xf32>
    %add3A_407 = arith.addf %mul3A_400, %mul3A_406 : vector<16xf32>
    %swap3A_408 = arith.constant 0 : i32
    %swap3A_409 = arith.index_cast %swap3A_408 : i32 to index
    %swap3A_410 = arith.constant 256 : index
    %swap3A_411 = tpu.vector_load %arg9[%swap3A_409, %swap3A_410] {strides = array<i32>} : memref<2x1024xf32, #tpu.memory_space<vmem>>, vector<1x16xf32>,
    %swap3A_412 = vector.shape_cast %swap3A_411 : vector<1x16xf32> to vector<16xf32>
    %swap3A_413 = vector.shape_cast %add3A_407 : vector<16xf32> to vector<1x16xf32>
    tpu.vector_store %arg9[%swap3A_409, %swap3A_410], %swap3A_413 {strides = array<i32>} : memref<2x1024xf32, #tpu.memory_space<vmem>>, vector<1x16xf32>,
    %get3A_414 = arith.constant 0 : i32
    %get3A_415 = arith.index_cast %get3A_414 : i32 to index
    %get3A_416 = arith.constant 272 : index
    %get3A_417 = tpu.vector_load %arg9[%get3A_415, %get3A_416] {strides = array<i32>} : memref<2x1024xf32, #tpu.memory_space<vmem>>, vector<1x16xf32>,
    %get3A_418 = vector.shape_cast %get3A_417 : vector<1x16xf32> to vector<16xf32>
    %mul3A_419 = arith.constant 3.200000e+01 : f32
    %mul3A_420 = vector.broadcast %mul3A_419 : f32 to vector<16xf32>
    %mul3A_421 = arith.mulf %get3A_418, %mul3A_420 : vector<16xf32>
    %get3A_422 = arith.constant 0 : i32
    %get3A_423 = arith.index_cast %get3A_422 : i32 to index
    %get3A_424 = arith.constant 272 : index
    %get3A_425 = tpu.vector_load %arg10[%get3A_423, %get3A_424] {strides = array<i32>} : memref<1x1024xf32, #tpu.memory_space<vmem>>, vector<1x16xf32>,
    %get3A_426 = vector.shape_cast %get3A_425 : vector<1x16xf32> to vector<16xf32>
    %mul3A_427 = arith.mulf %bitcast_convert_type3A, %get3A_426 : vector<16xf32>
    %add3A_428 = arith.addf %mul3A_421, %mul3A_427 : vector<16xf32>
    %swap3A_429 = arith.constant 0 : i32
    %swap3A_430 = arith.index_cast %swap3A_429 : i32 to index
    %swap3A_431 = arith.constant 272 : index
    %swap3A_432 = tpu.vector_load %arg9[%swap3A_430, %swap3A_431] {strides = array<i32>} : memref<2x1024xf32, #tpu.memory_space<vmem>>, vector<1x16xf32>,
    %swap3A_433 = vector.shape_cast %swap3A_432 : vector<1x16xf32> to vector<16xf32>
    %swap3A_434 = vector.shape_cast %add3A_428 : vector<16xf32> to vector<1x16xf32>
    tpu.vector_store %arg9[%swap3A_430, %swap3A_431], %swap3A_434 {strides = array<i32>} : memref<2x1024xf32, #tpu.memory_space<vmem>>, vector<1x16xf32>,
    %get3A_435 = arith.constant 0 : i32
    %get3A_436 = arith.index_cast %get3A_435 : i32 to index
    %get3A_437 = arith.constant 288 : index
    %get3A_438 = tpu.vector_load %arg9[%get3A_436, %get3A_437] {strides = array<i32>} : memref<2x1024xf32, #tpu.memory_space<vmem>>, vector<1x16xf32>,
    %get3A_439 = vector.shape_cast %get3A_438 : vector<1x16xf32> to vector<16xf32>
    %mul3A_440 = arith.constant 3.200000e+01 : f32
    %mul3A_441 = vector.broadcast %mul3A_440 : f32 to vector<16xf32>
    %mul3A_442 = arith.mulf %get3A_439, %mul3A_441 : vector<16xf32>
    %get3A_443 = arith.constant 0 : i32
    %get3A_444 = arith.index_cast %get3A_443 : i32 to index
    %get3A_445 = arith.constant 288 : index
    %get3A_446 = tpu.vector_load %arg10[%get3A_444, %get3A_445] {strides = array<i32>} : memref<1x1024xf32, #tpu.memory_space<vmem>>, vector<1x16xf32>,
    %get3A_447 = vector.shape_cast %get3A_446 : vector<1x16xf32> to vector<16xf32>
    %mul3A_448 = arith.mulf %bitcast_convert_type3A, %get3A_447 : vector<16xf32>
    %add3A_449 = arith.addf %mul3A_442, %mul3A_448 : vector<16xf32>
    %swap3A_450 = arith.constant 0 : i32
    %swap3A_451 = arith.index_cast %swap3A_450 : i32 to index
    %swap3A_452 = arith.constant 288 : index
    %swap3A_453 = tpu.vector_load %arg9[%swap3A_451, %swap3A_452] {strides = array<i32>} : memref<2x1024xf32, #tpu.memory_space<vmem>>, vector<1x16xf32>,
    %swap3A_454 = vector.shape_cast %swap3A_453 : vector<1x16xf32> to vector<16xf32>
    %swap3A_455 = vector.shape_cast %add3A_449 : vector<16xf32> to vector<1x16xf32>
    tpu.vector_store %arg9[%swap3A_451, %swap3A_452], %swap3A_455 {strides = array<i32>} : memref<2x1024xf32, #tpu.memory_space<vmem>>, vector<1x16xf32>,
    %get3A_456 = arith.constant 0 : i32
    %get3A_457 = arith.index_cast %get3A_456 : i32 to index
    %get3A_458 = arith.constant 304 : index
    %get3A_459 = tpu.vector_load %arg9[%get3A_457, %get3A_458] {strides = array<i32>} : memref<2x1024xf32, #tpu.memory_space<vmem>>, vector<1x16xf32>,
    %get3A_460 = vector.shape_cast %get3A_459 : vector<1x16xf32> to vector<16xf32>
    %mul3A_461 = arith.constant 3.200000e+01 : f32
    %mul3A_462 = vector.broadcast %mul3A_461 : f32 to vector<16xf32>
    %mul3A_463 = arith.mulf %get3A_460, %mul3A_462 : vector<16xf32>
    %get3A_464 = arith.constant 0 : i32
    %get3A_465 = arith.index_cast %get3A_464 : i32 to index
    %get3A_466 = arith.constant 304 : index
    %get3A_467 = tpu.vector_load %arg10[%get3A_465, %get3A_466] {strides = array<i32>} : memref<1x1024xf32, #tpu.memory_space<vmem>>, vector<1x16xf32>,
    %get3A_468 = vector.shape_cast %get3A_467 : vector<1x16xf32> to vector<16xf32>
    %mul3A_469 = arith.mulf %bitcast_convert_type3A, %get3A_468 : vector<16xf32>
    %add3A_470 = arith.addf %mul3A_463, %mul3A_469 : vector<16xf32>
    %swap3A_471 = arith.constant 0 : i32
    %swap3A_472 = arith.index_cast %swap3A_471 : i32 to index
    %swap3A_473 = arith.constant 304 : index
    %swap3A_474 = tpu.vector_load %arg9[%swap3A_472, %swap3A_473] {strides = array<i32>} : memref<2x1024xf32, #tpu.memory_space<vmem>>, vector<1x16xf32>,
    %swap3A_475 = vector.shape_cast %swap3A_474 : vector<1x16xf32> to vector<16xf32>
    %swap3A_476 = vector.shape_cast %add3A_470 : vector<16xf32> to vector<1x16xf32>
    tpu.vector_store %arg9[%swap3A_472, %swap3A_473], %swap3A_476 {strides = array<i32>} : memref<2x1024xf32, #tpu.memory_space<vmem>>, vector<1x16xf32>,
    %get3A_477 = arith.constant 0 : i32
    %get3A_478 = arith.index_cast %get3A_477 : i32 to index
    %get3A_479 = arith.constant 320 : index
    %get3A_480 = tpu.vector_load %arg9[%get3A_478, %get3A_479] {strides = array<i32>} : memref<2x1024xf32, #tpu.memory_space<vmem>>, vector<1x16xf32>,
    %get3A_481 = vector.shape_cast %get3A_480 : vector<1x16xf32> to vector<16xf32>
    %mul3A_482 = arith.constant 3.200000e+01 : f32
    %mul3A_483 = vector.broadcast %mul3A_482 : f32 to vector<16xf32>
    %mul3A_484 = arith.mulf %get3A_481, %mul3A_483 : vector<16xf32>
    %get3A_485 = arith.constant 0 : i32
    %get3A_486 = arith.index_cast %get3A_485 : i32 to index
    %get3A_487 = arith.constant 320 : index
    %get3A_488 = tpu.vector_load %arg10[%get3A_486, %get3A_487] {strides = array<i32>} : memref<1x1024xf32, #tpu.memory_space<vmem>>, vector<1x16xf32>,
    %get3A_489 = vector.shape_cast %get3A_488 : vector<1x16xf32> to vector<16xf32>
    %mul3A_490 = arith.mulf %bitcast_convert_type3A, %get3A_489 : vector<16xf32>
    %add3A_491 = arith.addf %mul3A_484, %mul3A_490 : vector<16xf32>
    %swap3A_492 = arith.constant 0 : i32
    %swap3A_493 = arith.index_cast %swap3A_492 : i32 to index
    %swap3A_494 = arith.constant 320 : index
    %swap3A_495 = tpu.vector_load %arg9[%swap3A_493, %swap3A_494] {strides = array<i32>} : memref<2x1024xf32, #tpu.memory_space<vmem>>, vector<1x16xf32>,
    %swap3A_496 = vector.shape_cast %swap3A_495 : vector<1x16xf32> to vector<16xf32>
    %swap3A_497 = vector.shape_cast %add3A_491 : vector<16xf32> to vector<1x16xf32>
    tpu.vector_store %arg9[%swap3A_493, %swap3A_494], %swap3A_497 {strides = array<i32>} : memref<2x1024xf32, #tpu.memory_space<vmem>>, vector<1x16xf32>,
    %get3A_498 = arith.constant 0 : i32
    %get3A_499 = arith.index_cast %get3A_498 : i32 to index
    %get3A_500 = arith.constant 336 : index
    %get3A_501 = tpu.vector_load %arg9[%get3A_499, %get3A_500] {strides = array<i32>} : memref<2x1024xf32, #tpu.memory_space<vmem>>, vector<1x16xf32>,
    %get3A_502 = vector.shape_cast %get3A_501 : vector<1x16xf32> to vector<16xf32>
    %mul3A_503 = arith.constant 3.200000e+01 : f32
    %mul3A_504 = vector.broadcast %mul3A_503 : f32 to vector<16xf32>
    %mul3A_505 = arith.mulf %get3A_502, %mul3A_504 : vector<16xf32>
    %get3A_506 = arith.constant 0 : i32
    %get3A_507 = arith.index_cast %get3A_506 : i32 to index
    %get3A_508 = arith.constant 336 : index
    %get3A_509 = tpu.vector_load %arg10[%get3A_507, %get3A_508] {strides = array<i32>} : memref<1x1024xf32, #tpu.memory_space<vmem>>, vector<1x16xf32>,
    %get3A_510 = vector.shape_cast %get3A_509 : vector<1x16xf32> to vector<16xf32>
    %mul3A_511 = arith.mulf %bitcast_convert_type3A, %get3A_510 : vector<16xf32>
    %add3A_512 = arith.addf %mul3A_505, %mul3A_511 : vector<16xf32>
    %swap3A_513 = arith.constant 0 : i32
    %swap3A_514 = arith.index_cast %swap3A_513 : i32 to index
    %swap3A_515 = arith.constant 336 : index
    %swap3A_516 = tpu.vector_load %arg9[%swap3A_514, %swap3A_515] {strides = array<i32>} : memref<2x1024xf32, #tpu.memory_space<vmem>>, vector<1x16xf32>,
    %swap3A_517 = vector.shape_cast %swap3A_516 : vector<1x16xf32> to vector<16xf32>
    %swap3A_518 = vector.shape_cast %add3A_512 : vector<16xf32> to vector<1x16xf32>
    tpu.vector_store %arg9[%swap3A_514, %swap3A_515], %swap3A_518 {strides = array<i32>} : memref<2x1024xf32, #tpu.memory_space<vmem>>, vector<1x16xf32>,
    %get3A_519 = arith.constant 0 : i32
    %get3A_520 = arith.index_cast %get3A_519 : i32 to index
    %get3A_521 = arith.constant 352 : index
    %get3A_522 = tpu.vector_load %arg9[%get3A_520, %get3A_521] {strides = array<i32>} : memref<2x1024xf32, #tpu.memory_space<vmem>>, vector<1x16xf32>,
    %get3A_523 = vector.shape_cast %get3A_522 : vector<1x16xf32> to vector<16xf32>
    %mul3A_524 = arith.constant 3.200000e+01 : f32
    %mul3A_525 = vector.broadcast %mul3A_524 : f32 to vector<16xf32>
    %mul3A_526 = arith.mulf %get3A_523, %mul3A_525 : vector<16xf32>
    %get3A_527 = arith.constant 0 : i32
    %get3A_528 = arith.index_cast %get3A_527 : i32 to index
    %get3A_529 = arith.constant 352 : index
    %get3A_530 = tpu.vector_load %arg10[%get3A_528, %get3A_529] {strides = array<i32>} : memref<1x1024xf32, #tpu.memory_space<vmem>>, vector<1x16xf32>,
    %get3A_531 = vector.shape_cast %get3A_530 : vector<1x16xf32> to vector<16xf32>
    %mul3A_532 = arith.mulf %bitcast_convert_type3A, %get3A_531 : vector<16xf32>
    %add3A_533 = arith.addf %mul3A_526, %mul3A_532 : vector<16xf32>
    %swap3A_534 = arith.constant 0 : i32
    %swap3A_535 = arith.index_cast %swap3A_534 : i32 to index
    %swap3A_536 = arith.constant 352 : index
    %swap3A_537 = tpu.vector_load %arg9[%swap3A_535, %swap3A_536] {strides = array<i32>} : memref<2x1024xf32, #tpu.memory_space<vmem>>, vector<1x16xf32>,
    %swap3A_538 = vector.shape_cast %swap3A_537 : vector<1x16xf32> to vector<16xf32>
    %swap3A_539 = vector.shape_cast %add3A_533 : vector<16xf32> to vector<1x16xf32>
    tpu.vector_store %arg9[%swap3A_535, %swap3A_536], %swap3A_539 {strides = array<i32>} : memref<2x1024xf32, #tpu.memory_space<vmem>>, vector<1x16xf32>,
    %get3A_540 = arith.constant 0 : i32
    %get3A_541 = arith.index_cast %get3A_540 : i32 to index
    %get3A_542 = arith.constant 368 : index
    %get3A_543 = tpu.vector_load %arg9[%get3A_541, %get3A_542] {strides = array<i32>} : memref<2x1024xf32, #tpu.memory_space<vmem>>, vector<1x16xf32>,
    %get3A_544 = vector.shape_cast %get3A_543 : vector<1x16xf32> to vector<16xf32>
    %mul3A_545 = arith.constant 3.200000e+01 : f32
    %mul3A_546 = vector.broadcast %mul3A_545 : f32 to vector<16xf32>
    %mul3A_547 = arith.mulf %get3A_544, %mul3A_546 : vector<16xf32>
    %get3A_548 = arith.constant 0 : i32
    %get3A_549 = arith.index_cast %get3A_548 : i32 to index
    %get3A_550 = arith.constant 368 : index
    %get3A_551 = tpu.vector_load %arg10[%get3A_549, %get3A_550] {strides = array<i32>} : memref<1x1024xf32, #tpu.memory_space<vmem>>, vector<1x16xf32>,
    %get3A_552 = vector.shape_cast %get3A_551 : vector<1x16xf32> to vector<16xf32>
    %mul3A_553 = arith.mulf %bitcast_convert_type3A, %get3A_552 : vector<16xf32>
    %add3A_554 = arith.addf %mul3A_547, %mul3A_553 : vector<16xf32>
    %swap3A_555 = arith.constant 0 : i32
    %swap3A_556 = arith.index_cast %swap3A_555 : i32 to index
    %swap3A_557 = arith.constant 368 : index
    %swap3A_558 = tpu.vector_load %arg9[%swap3A_556, %swap3A_557] {strides = array<i32>} : memref<2x1024xf32, #tpu.memory_space<vmem>>, vector<1x16xf32>,
    %swap3A_559 = vector.shape_cast %swap3A_558 : vector<1x16xf32> to vector<16xf32>
    %swap3A_560 = vector.shape_cast %add3A_554 : vector<16xf32> to vector<1x16xf32>
    tpu.vector_store %arg9[%swap3A_556, %swap3A_557], %swap3A_560 {strides = array<i32>} : memref<2x1024xf32, #tpu.memory_space<vmem>>, vector<1x16xf32>,
    %get3A_561 = arith.constant 0 : i32
    %get3A_562 = arith.index_cast %get3A_561 : i32 to index
    %get3A_563 = arith.constant 384 : index
    %get3A_564 = tpu.vector_load %arg9[%get3A_562, %get3A_563] {strides = array<i32>} : memref<2x1024xf32, #tpu.memory_space<vmem>>, vector<1x16xf32>,
    %get3A_565 = vector.shape_cast %get3A_564 : vector<1x16xf32> to vector<16xf32>
    %mul3A_566 = arith.constant 3.200000e+01 : f32
    %mul3A_567 = vector.broadcast %mul3A_566 : f32 to vector<16xf32>
    %mul3A_568 = arith.mulf %get3A_565, %mul3A_567 : vector<16xf32>
    %get3A_569 = arith.constant 0 : i32
    %get3A_570 = arith.index_cast %get3A_569 : i32 to index
    %get3A_571 = arith.constant 384 : index
    %get3A_572 = tpu.vector_load %arg10[%get3A_570, %get3A_571] {strides = array<i32>} : memref<1x1024xf32, #tpu.memory_space<vmem>>, vector<1x16xf32>,
    %get3A_573 = vector.shape_cast %get3A_572 : vector<1x16xf32> to vector<16xf32>
    %mul3A_574 = arith.mulf %bitcast_convert_type3A, %get3A_573 : vector<16xf32>
    %add3A_575 = arith.addf %mul3A_568, %mul3A_574 : vector<16xf32>
    %swap3A_576 = arith.constant 0 : i32
    %swap3A_577 = arith.index_cast %swap3A_576 : i32 to index
    %swap3A_578 = arith.constant 384 : index
    %swap3A_579 = tpu.vector_load %arg9[%swap3A_577, %swap3A_578] {strides = array<i32>} : memref<2x1024xf32, #tpu.memory_space<vmem>>, vector<1x16xf32>,
    %swap3A_580 = vector.shape_cast %swap3A_579 : vector<1x16xf32> to vector<16xf32>
    %swap3A_581 = vector.shape_cast %add3A_575 : vector<16xf32> to vector<1x16xf32>
    tpu.vector_store %arg9[%swap3A_577, %swap3A_578], %swap3A_581 {strides = array<i32>} : memref<2x1024xf32, #tpu.memory_space<vmem>>, vector<1x16xf32>,
    %get3A_582 = arith.constant 0 : i32
    %get3A_583 = arith.index_cast %get3A_582 : i32 to index
    %get3A_584 = arith.constant 400 : index
    %get3A_585 = tpu.vector_load %arg9[%get3A_583, %get3A_584] {strides = array<i32>} : memref<2x1024xf32, #tpu.memory_space<vmem>>, vector<1x16xf32>,
    %get3A_586 = vector.shape_cast %get3A_585 : vector<1x16xf32> to vector<16xf32>
    %mul3A_587 = arith.constant 3.200000e+01 : f32
    %mul3A_588 = vector.broadcast %mul3A_587 : f32 to vector<16xf32>
    %mul3A_589 = arith.mulf %get3A_586, %mul3A_588 : vector<16xf32>
    %get3A_590 = arith.constant 0 : i32
    %get3A_591 = arith.index_cast %get3A_590 : i32 to index
    %get3A_592 = arith.constant 400 : index
    %get3A_593 = tpu.vector_load %arg10[%get3A_591, %get3A_592] {strides = array<i32>} : memref<1x1024xf32, #tpu.memory_space<vmem>>, vector<1x16xf32>,
    %get3A_594 = vector.shape_cast %get3A_593 : vector<1x16xf32> to vector<16xf32>
    %mul3A_595 = arith.mulf %bitcast_convert_type3A, %get3A_594 : vector<16xf32>
    %add3A_596 = arith.addf %mul3A_589, %mul3A_595 : vector<16xf32>
    %swap3A_597 = arith.constant 0 : i32
    %swap3A_598 = arith.index_cast %swap3A_597 : i32 to index
    %swap3A_599 = arith.constant 400 : index
    %swap3A_600 = tpu.vector_load %arg9[%swap3A_598, %swap3A_599] {strides = array<i32>} : memref<2x1024xf32, #tpu.memory_space<vmem>>, vector<1x16xf32>,
    %swap3A_601 = vector.shape_cast %swap3A_600 : vector<1x16xf32> to vector<16xf32>
    %swap3A_602 = vector.shape_cast %add3A_596 : vector<16xf32> to vector<1x16xf32>
    tpu.vector_store %arg9[%swap3A_598, %swap3A_599], %swap3A_602 {strides = array<i32>} : memref<2x1024xf32, #tpu.memory_space<vmem>>, vector<1x16xf32>,
    %get3A_603 = arith.constant 0 : i32
    %get3A_604 = arith.index_cast %get3A_603 : i32 to index
    %get3A_605 = arith.constant 416 : index
    %get3A_606 = tpu.vector_load %arg9[%get3A_604, %get3A_605] {strides = array<i32>} : memref<2x1024xf32, #tpu.memory_space<vmem>>, vector<1x16xf32>,
    %get3A_607 = vector.shape_cast %get3A_606 : vector<1x16xf32> to vector<16xf32>
    %mul3A_608 = arith.constant 3.200000e+01 : f32
    %mul3A_609 = vector.broadcast %mul3A_608 : f32 to vector<16xf32>
    %mul3A_610 = arith.mulf %get3A_607, %mul3A_609 : vector<16xf32>
    %get3A_611 = arith.constant 0 : i32
    %get3A_612 = arith.index_cast %get3A_611 : i32 to index
    %get3A_613 = arith.constant 416 : index
    %get3A_614 = tpu.vector_load %arg10[%get3A_612, %get3A_613] {strides = array<i32>} : memref<1x1024xf32, #tpu.memory_space<vmem>>, vector<1x16xf32>,
    %get3A_615 = vector.shape_cast %get3A_614 : vector<1x16xf32> to vector<16xf32>
    %mul3A_616 = arith.mulf %bitcast_convert_type3A, %get3A_615 : vector<16xf32>
    %add3A_617 = arith.addf %mul3A_610, %mul3A_616 : vector<16xf32>
    %swap3A_618 = arith.constant 0 : i32
    %swap3A_619 = arith.index_cast %swap3A_618 : i32 to index
    %swap3A_620 = arith.constant 416 : index
    %swap3A_621 = tpu.vector_load %arg9[%swap3A_619, %swap3A_620] {strides = array<i32>} : memref<2x1024xf32, #tpu.memory_space<vmem>>, vector<1x16xf32>,
    %swap3A_622 = vector.shape_cast %swap3A_621 : vector<1x16xf32> to vector<16xf32>
    %swap3A_623 = vector.shape_cast %add3A_617 : vector<16xf32> to vector<1x16xf32>
    tpu.vector_store %arg9[%swap3A_619, %swap3A_620], %swap3A_623 {strides = array<i32>} : memref<2x1024xf32, #tpu.memory_space<vmem>>, vector<1x16xf32>,
    %get3A_624 = arith.constant 0 : i32
    %get3A_625 = arith.index_cast %get3A_624 : i32 to index
    %get3A_626 = arith.constant 432 : index
    %get3A_627 = tpu.vector_load %arg9[%get3A_625, %get3A_626] {strides = array<i32>} : memref<2x1024xf32, #tpu.memory_space<vmem>>, vector<1x16xf32>,
    %get3A_628 = vector.shape_cast %get3A_627 : vector<1x16xf32> to vector<16xf32>
    %mul3A_629 = arith.constant 3.200000e+01 : f32
    %mul3A_630 = vector.broadcast %mul3A_629 : f32 to vector<16xf32>
    %mul3A_631 = arith.mulf %get3A_628, %mul3A_630 : vector<16xf32>
    %get3A_632 = arith.constant 0 : i32
    %get3A_633 = arith.index_cast %get3A_632 : i32 to index
    %get3A_634 = arith.constant 432 : index
    %get3A_635 = tpu.vector_load %arg10[%get3A_633, %get3A_634] {strides = array<i32>} : memref<1x1024xf32, #tpu.memory_space<vmem>>, vector<1x16xf32>,
    %get3A_636 = vector.shape_cast %get3A_635 : vector<1x16xf32> to vector<16xf32>
    %mul3A_637 = arith.mulf %bitcast_convert_type3A, %get3A_636 : vector<16xf32>
    %add3A_638 = arith.addf %mul3A_631, %mul3A_637 : vector<16xf32>
    %swap3A_639 = arith.constant 0 : i32
    %swap3A_640 = arith.index_cast %swap3A_639 : i32 to index
    %swap3A_641 = arith.constant 432 : index
    %swap3A_642 = tpu.vector_load %arg9[%swap3A_640, %swap3A_641] {strides = array<i32>} : memref<2x1024xf32, #tpu.memory_space<vmem>>, vector<1x16xf32>,
    %swap3A_643 = vector.shape_cast %swap3A_642 : vector<1x16xf32> to vector<16xf32>
    %swap3A_644 = vector.shape_cast %add3A_638 : vector<16xf32> to vector<1x16xf32>
    tpu.vector_store %arg9[%swap3A_640, %swap3A_641], %swap3A_644 {strides = array<i32>} : memref<2x1024xf32, #tpu.memory_space<vmem>>, vector<1x16xf32>,
    %get3A_645 = arith.constant 0 : i32
    %get3A_646 = arith.index_cast %get3A_645 : i32 to index
    %get3A_647 = arith.constant 448 : index
    %get3A_648 = tpu.vector_load %arg9[%get3A_646, %get3A_647] {strides = array<i32>} : memref<2x1024xf32, #tpu.memory_space<vmem>>, vector<1x16xf32>,
    %get3A_649 = vector.shape_cast %get3A_648 : vector<1x16xf32> to vector<16xf32>
    %mul3A_650 = arith.constant 3.200000e+01 : f32
    %mul3A_651 = vector.broadcast %mul3A_650 : f32 to vector<16xf32>
    %mul3A_652 = arith.mulf %get3A_649, %mul3A_651 : vector<16xf32>
    %get3A_653 = arith.constant 0 : i32
    %get3A_654 = arith.index_cast %get3A_653 : i32 to index
    %get3A_655 = arith.constant 448 : index
    %get3A_656 = tpu.vector_load %arg10[%get3A_654, %get3A_655] {strides = array<i32>} : memref<1x1024xf32, #tpu.memory_space<vmem>>, vector<1x16xf32>,
    %get3A_657 = vector.shape_cast %get3A_656 : vector<1x16xf32> to vector<16xf32>
    %mul3A_658 = arith.mulf %bitcast_convert_type3A, %get3A_657 : vector<16xf32>
    %add3A_659 = arith.addf %mul3A_652, %mul3A_658 : vector<16xf32>
    %swap3A_660 = arith.constant 0 : i32
    %swap3A_661 = arith.index_cast %swap3A_660 : i32 to index
    %swap3A_662 = arith.constant 448 : index
    %swap3A_663 = tpu.vector_load %arg9[%swap3A_661, %swap3A_662] {strides = array<i32>} : memref<2x1024xf32, #tpu.memory_space<vmem>>, vector<1x16xf32>,
    %swap3A_664 = vector.shape_cast %swap3A_663 : vector<1x16xf32> to vector<16xf32>
    %swap3A_665 = vector.shape_cast %add3A_659 : vector<16xf32> to vector<1x16xf32>
    tpu.vector_store %arg9[%swap3A_661, %swap3A_662], %swap3A_665 {strides = array<i32>} : memref<2x1024xf32, #tpu.memory_space<vmem>>, vector<1x16xf32>,
    %get3A_666 = arith.constant 0 : i32
    %get3A_667 = arith.index_cast %get3A_666 : i32 to index
    %get3A_668 = arith.constant 464 : index
    %get3A_669 = tpu.vector_load %arg9[%get3A_667, %get3A_668] {strides = array<i32>} : memref<2x1024xf32, #tpu.memory_space<vmem>>, vector<1x16xf32>,
    %get3A_670 = vector.shape_cast %get3A_669 : vector<1x16xf32> to vector<16xf32>
    %mul3A_671 = arith.constant 3.200000e+01 : f32
    %mul3A_672 = vector.broadcast %mul3A_671 : f32 to vector<16xf32>
    %mul3A_673 = arith.mulf %get3A_670, %mul3A_672 : vector<16xf32>
    %get3A_674 = arith.constant 0 : i32
    %get3A_675 = arith.index_cast %get3A_674 : i32 to index
    %get3A_676 = arith.constant 464 : index
    %get3A_677 = tpu.vector_load %arg10[%get3A_675, %get3A_676] {strides = array<i32>} : memref<1x1024xf32, #tpu.memory_space<vmem>>, vector<1x16xf32>,
    %get3A_678 = vector.shape_cast %get3A_677 : vector<1x16xf32> to vector<16xf32>
    %mul3A_679 = arith.mulf %bitcast_convert_type3A, %get3A_678 : vector<16xf32>
    %add3A_680 = arith.addf %mul3A_673, %mul3A_679 : vector<16xf32>
    %swap3A_681 = arith.constant 0 : i32
    %swap3A_682 = arith.index_cast %swap3A_681 : i32 to index
    %swap3A_683 = arith.constant 464 : index
    %swap3A_684 = tpu.vector_load %arg9[%swap3A_682, %swap3A_683] {strides = array<i32>} : memref<2x1024xf32, #tpu.memory_space<vmem>>, vector<1x16xf32>,
    %swap3A_685 = vector.shape_cast %swap3A_684 : vector<1x16xf32> to vector<16xf32>
    %swap3A_686 = vector.shape_cast %add3A_680 : vector<16xf32> to vector<1x16xf32>
    tpu.vector_store %arg9[%swap3A_682, %swap3A_683], %swap3A_686 {strides = array<i32>} : memref<2x1024xf32, #tpu.memory_space<vmem>>, vector<1x16xf32>,
    %get3A_687 = arith.constant 0 : i32
    %get3A_688 = arith.index_cast %get3A_687 : i32 to index
    %get3A_689 = arith.constant 480 : index
    %get3A_690 = tpu.vector_load %arg9[%get3A_688, %get3A_689] {strides = array<i32>} : memref<2x1024xf32, #tpu.memory_space<vmem>>, vector<1x16xf32>,
    %get3A_691 = vector.shape_cast %get3A_690 : vector<1x16xf32> to vector<16xf32>
    %mul3A_692 = arith.constant 3.200000e+01 : f32
    %mul3A_693 = vector.broadcast %mul3A_692 : f32 to vector<16xf32>
    %mul3A_694 = arith.mulf %get3A_691, %mul3A_693 : vector<16xf32>
    %get3A_695 = arith.constant 0 : i32
    %get3A_696 = arith.index_cast %get3A_695 : i32 to index
    %get3A_697 = arith.constant 480 : index
    %get3A_698 = tpu.vector_load %arg10[%get3A_696, %get3A_697] {strides = array<i32>} : memref<1x1024xf32, #tpu.memory_space<vmem>>, vector<1x16xf32>,
    %get3A_699 = vector.shape_cast %get3A_698 : vector<1x16xf32> to vector<16xf32>
    %mul3A_700 = arith.mulf %bitcast_convert_type3A, %get3A_699 : vector<16xf32>
    %add3A_701 = arith.addf %mul3A_694, %mul3A_700 : vector<16xf32>
    %swap3A_702 = arith.constant 0 : i32
    %swap3A_703 = arith.index_cast %swap3A_702 : i32 to index
    %swap3A_704 = arith.constant 480 : index
    %swap3A_705 = tpu.vector_load %arg9[%swap3A_703, %swap3A_704] {strides = array<i32>} : memref<2x1024xf32, #tpu.memory_space<vmem>>, vector<1x16xf32>,
    %swap3A_706 = vector.shape_cast %swap3A_705 : vector<1x16xf32> to vector<16xf32>
    %swap3A_707 = vector.shape_cast %add3A_701 : vector<16xf32> to vector<1x16xf32>
    tpu.vector_store %arg9[%swap3A_703, %swap3A_704], %swap3A_707 {strides = array<i32>} : memref<2x1024xf32, #tpu.memory_space<vmem>>, vector<1x16xf32>,
    %get3A_708 = arith.constant 0 : i32
    %get3A_709 = arith.index_cast %get3A_708 : i32 to index
    %get3A_710 = arith.constant 496 : index
    %get3A_711 = tpu.vector_load %arg9[%get3A_709, %get3A_710] {strides = array<i32>} : memref<2x1024xf32, #tpu.memory_space<vmem>>, vector<1x16xf32>,
    %get3A_712 = vector.shape_cast %get3A_711 : vector<1x16xf32> to vector<16xf32>
    %mul3A_713 = arith.constant 3.200000e+01 : f32
    %mul3A_714 = vector.broadcast %mul3A_713 : f32 to vector<16xf32>
    %mul3A_715 = arith.mulf %get3A_712, %mul3A_714 : vector<16xf32>
    %get3A_716 = arith.constant 0 : i32
    %get3A_717 = arith.index_cast %get3A_716 : i32 to index
    %get3A_718 = arith.constant 496 : index
    %get3A_719 = tpu.vector_load %arg10[%get3A_717, %get3A_718] {strides = array<i32>} : memref<1x1024xf32, #tpu.memory_space<vmem>>, vector<1x16xf32>,
    %get3A_720 = vector.shape_cast %get3A_719 : vector<1x16xf32> to vector<16xf32>
    %mul3A_721 = arith.mulf %bitcast_convert_type3A, %get3A_720 : vector<16xf32>
    %add3A_722 = arith.addf %mul3A_715, %mul3A_721 : vector<16xf32>
    %swap3A_723 = arith.constant 0 : i32
    %swap3A_724 = arith.index_cast %swap3A_723 : i32 to index
    %swap3A_725 = arith.constant 496 : index
    %swap3A_726 = tpu.vector_load %arg9[%swap3A_724, %swap3A_725] {strides = array<i32>} : memref<2x1024xf32, #tpu.memory_space<vmem>>, vector<1x16xf32>,
    %swap3A_727 = vector.shape_cast %swap3A_726 : vector<1x16xf32> to vector<16xf32>
    %swap3A_728 = vector.shape_cast %add3A_722 : vector<16xf32> to vector<1x16xf32>
    tpu.vector_store %arg9[%swap3A_724, %swap3A_725], %swap3A_728 {strides = array<i32>} : memref<2x1024xf32, #tpu.memory_space<vmem>>, vector<1x16xf32>,
    %get3A_729 = arith.constant 0 : i32
    %get3A_730 = arith.index_cast %get3A_729 : i32 to index
    %get3A_731 = arith.constant 512 : index
    %get3A_732 = tpu.vector_load %arg9[%get3A_730, %get3A_731] {strides = array<i32>} : memref<2x1024xf32, #tpu.memory_space<vmem>>, vector<1x16xf32>,
    %get3A_733 = vector.shape_cast %get3A_732 : vector<1x16xf32> to vector<16xf32>
    %mul3A_734 = arith.constant 3.200000e+01 : f32
    %mul3A_735 = vector.broadcast %mul3A_734 : f32 to vector<16xf32>
    %mul3A_736 = arith.mulf %get3A_733, %mul3A_735 : vector<16xf32>
    %get3A_737 = arith.constant 0 : i32
    %get3A_738 = arith.index_cast %get3A_737 : i32 to index
    %get3A_739 = arith.constant 512 : index
    %get3A_740 = tpu.vector_load %arg10[%get3A_738, %get3A_739] {strides = array<i32>} : memref<1x1024xf32, #tpu.memory_space<vmem>>, vector<1x16xf32>,
    %get3A_741 = vector.shape_cast %get3A_740 : vector<1x16xf32> to vector<16xf32>
    %mul3A_742 = arith.mulf %bitcast_convert_type3A, %get3A_741 : vector<16xf32>
    %add3A_743 = arith.addf %mul3A_736, %mul3A_742 : vector<16xf32>
    %swap3A_744 = arith.constant 0 : i32
    %swap3A_745 = arith.index_cast %swap3A_744 : i32 to index
    %swap3A_746 = arith.constant 512 : index
    %swap3A_747 = tpu.vector_load %arg9[%swap3A_745, %swap3A_746] {strides = array<i32>} : memref<2x1024xf32, #tpu.memory_space<vmem>>, vector<1x16xf32>,
    %swap3A_748 = vector.shape_cast %swap3A_747 : vector<1x16xf32> to vector<16xf32>
    %swap3A_749 = vector.shape_cast %add3A_743 : vector<16xf32> to vector<1x16xf32>
    tpu.vector_store %arg9[%swap3A_745, %swap3A_746], %swap3A_749 {strides = array<i32>} : memref<2x1024xf32, #tpu.memory_space<vmem>>, vector<1x16xf32>,
    %get3A_750 = arith.constant 0 : i32
    %get3A_751 = arith.index_cast %get3A_750 : i32 to index
    %get3A_752 = arith.constant 528 : index
    %get3A_753 = tpu.vector_load %arg9[%get3A_751, %get3A_752] {strides = array<i32>} : memref<2x1024xf32, #tpu.memory_space<vmem>>, vector<1x16xf32>,
    %get3A_754 = vector.shape_cast %get3A_753 : vector<1x16xf32> to vector<16xf32>
    %mul3A_755 = arith.constant 3.200000e+01 : f32
    %mul3A_756 = vector.broadcast %mul3A_755 : f32 to vector<16xf32>
    %mul3A_757 = arith.mulf %get3A_754, %mul3A_756 : vector<16xf32>
    %get3A_758 = arith.constant 0 : i32
    %get3A_759 = arith.index_cast %get3A_758 : i32 to index
    %get3A_760 = arith.constant 528 : index
    %get3A_761 = tpu.vector_load %arg10[%get3A_759, %get3A_760] {strides = array<i32>} : memref<1x1024xf32, #tpu.memory_space<vmem>>, vector<1x16xf32>,
    %get3A_762 = vector.shape_cast %get3A_761 : vector<1x16xf32> to vector<16xf32>
    %mul3A_763 = arith.mulf %bitcast_convert_type3A, %get3A_762 : vector<16xf32>
    %add3A_764 = arith.addf %mul3A_757, %mul3A_763 : vector<16xf32>
    %swap3A_765 = arith.constant 0 : i32
    %swap3A_766 = arith.index_cast %swap3A_765 : i32 to index
    %swap3A_767 = arith.constant 528 : index
    %swap3A_768 = tpu.vector_load %arg9[%swap3A_766, %swap3A_767] {strides = array<i32>} : memref<2x1024xf32, #tpu.memory_space<vmem>>, vector<1x16xf32>,
    %swap3A_769 = vector.shape_cast %swap3A_768 : vector<1x16xf32> to vector<16xf32>
    %swap3A_770 = vector.shape_cast %add3A_764 : vector<16xf32> to vector<1x16xf32>
    tpu.vector_store %arg9[%swap3A_766, %swap3A_767], %swap3A_770 {strides = array<i32>} : memref<2x1024xf32, #tpu.memory_space<vmem>>, vector<1x16xf32>,
    %get3A_771 = arith.constant 0 : i32
    %get3A_772 = arith.index_cast %get3A_771 : i32 to index
    %get3A_773 = arith.constant 544 : index
    %get3A_774 = tpu.vector_load %arg9[%get3A_772, %get3A_773] {strides = array<i32>} : memref<2x1024xf32, #tpu.memory_space<vmem>>, vector<1x16xf32>,
    %get3A_775 = vector.shape_cast %get3A_774 : vector<1x16xf32> to vector<16xf32>
    %mul3A_776 = arith.constant 3.200000e+01 : f32
    %mul3A_777 = vector.broadcast %mul3A_776 : f32 to vector<16xf32>
    %mul3A_778 = arith.mulf %get3A_775, %mul3A_777 : vector<16xf32>
    %get3A_779 = arith.constant 0 : i32
    %get3A_780 = arith.index_cast %get3A_779 : i32 to index
    %get3A_781 = arith.constant 544 : index
    %get3A_782 = tpu.vector_load %arg10[%get3A_780, %get3A_781] {strides = array<i32>} : memref<1x1024xf32, #tpu.memory_space<vmem>>, vector<1x16xf32>,
    %get3A_783 = vector.shape_cast %get3A_782 : vector<1x16xf32> to vector<16xf32>
    %mul3A_784 = arith.mulf %bitcast_convert_type3A, %get3A_783 : vector<16xf32>
    %add3A_785 = arith.addf %mul3A_778, %mul3A_784 : vector<16xf32>
    %swap3A_786 = arith.constant 0 : i32
    %swap3A_787 = arith.index_cast %swap3A_786 : i32 to index
    %swap3A_788 = arith.constant 544 : index
    %swap3A_789 = tpu.vector_load %arg9[%swap3A_787, %swap3A_788] {strides = array<i32>} : memref<2x1024xf32, #tpu.memory_space<vmem>>, vector<1x16xf32>,
    %swap3A_790 = vector.shape_cast %swap3A_789 : vector<1x16xf32> to vector<16xf32>
    %swap3A_791 = vector.shape_cast %add3A_785 : vector<16xf32> to vector<1x16xf32>
    tpu.vector_store %arg9[%swap3A_787, %swap3A_788], %swap3A_791 {strides = array<i32>} : memref<2x1024xf32, #tpu.memory_space<vmem>>, vector<1x16xf32>,
    %get3A_792 = arith.constant 0 : i32
    %get3A_793 = arith.index_cast %get3A_792 : i32 to index
    %get3A_794 = arith.constant 560 : index
    %get3A_795 = tpu.vector_load %arg9[%get3A_793, %get3A_794] {strides = array<i32>} : memref<2x1024xf32, #tpu.memory_space<vmem>>, vector<1x16xf32>,
    %get3A_796 = vector.shape_cast %get3A_795 : vector<1x16xf32> to vector<16xf32>
    %mul3A_797 = arith.constant 3.200000e+01 : f32
    %mul3A_798 = vector.broadcast %mul3A_797 : f32 to vector<16xf32>
    %mul3A_799 = arith.mulf %get3A_796, %mul3A_798 : vector<16xf32>
    %get3A_800 = arith.constant 0 : i32
    %get3A_801 = arith.index_cast %get3A_800 : i32 to index
    %get3A_802 = arith.constant 560 : index
    %get3A_803 = tpu.vector_load %arg10[%get3A_801, %get3A_802] {strides = array<i32>} : memref<1x1024xf32, #tpu.memory_space<vmem>>, vector<1x16xf32>,
    %get3A_804 = vector.shape_cast %get3A_803 : vector<1x16xf32> to vector<16xf32>
    %mul3A_805 = arith.mulf %bitcast_convert_type3A, %get3A_804 : vector<16xf32>
    %add3A_806 = arith.addf %mul3A_799, %mul3A_805 : vector<16xf32>
    %swap3A_807 = arith.constant 0 : i32
    %swap3A_808 = arith.index_cast %swap3A_807 : i32 to index
    %swap3A_809 = arith.constant 560 : index
    %swap3A_810 = tpu.vector_load %arg9[%swap3A_808, %swap3A_809] {strides = array<i32>} : memref<2x1024xf32, #tpu.memory_space<vmem>>, vector<1x16xf32>,
    %swap3A_811 = vector.shape_cast %swap3A_810 : vector<1x16xf32> to vector<16xf32>
    %swap3A_812 = vector.shape_cast %add3A_806 : vector<16xf32> to vector<1x16xf32>
    tpu.vector_store %arg9[%swap3A_808, %swap3A_809], %swap3A_812 {strides = array<i32>} : memref<2x1024xf32, #tpu.memory_space<vmem>>, vector<1x16xf32>,
    %get3A_813 = arith.constant 0 : i32
    %get3A_814 = arith.index_cast %get3A_813 : i32 to index
    %get3A_815 = arith.constant 576 : index
    %get3A_816 = tpu.vector_load %arg9[%get3A_814, %get3A_815] {strides = array<i32>} : memref<2x1024xf32, #tpu.memory_space<vmem>>, vector<1x16xf32>,
    %get3A_817 = vector.shape_cast %get3A_816 : vector<1x16xf32> to vector<16xf32>
    %mul3A_818 = arith.constant 3.200000e+01 : f32
    %mul3A_819 = vector.broadcast %mul3A_818 : f32 to vector<16xf32>
    %mul3A_820 = arith.mulf %get3A_817, %mul3A_819 : vector<16xf32>
    %get3A_821 = arith.constant 0 : i32
    %get3A_822 = arith.index_cast %get3A_821 : i32 to index
    %get3A_823 = arith.constant 576 : index
    %get3A_824 = tpu.vector_load %arg10[%get3A_822, %get3A_823] {strides = array<i32>} : memref<1x1024xf32, #tpu.memory_space<vmem>>, vector<1x16xf32>,
    %get3A_825 = vector.shape_cast %get3A_824 : vector<1x16xf32> to vector<16xf32>
    %mul3A_826 = arith.mulf %bitcast_convert_type3A, %get3A_825 : vector<16xf32>
    %add3A_827 = arith.addf %mul3A_820, %mul3A_826 : vector<16xf32>
    %swap3A_828 = arith.constant 0 : i32
    %swap3A_829 = arith.index_cast %swap3A_828 : i32 to index
    %swap3A_830 = arith.constant 576 : index
    %swap3A_831 = tpu.vector_load %arg9[%swap3A_829, %swap3A_830] {strides = array<i32>} : memref<2x1024xf32, #tpu.memory_space<vmem>>, vector<1x16xf32>,
    %swap3A_832 = vector.shape_cast %swap3A_831 : vector<1x16xf32> to vector<16xf32>
    %swap3A_833 = vector.shape_cast %add3A_827 : vector<16xf32> to vector<1x16xf32>
    tpu.vector_store %arg9[%swap3A_829, %swap3A_830], %swap3A_833 {strides = array<i32>} : memref<2x1024xf32, #tpu.memory_space<vmem>>, vector<1x16xf32>,
    %get3A_834 = arith.constant 0 : i32
    %get3A_835 = arith.index_cast %get3A_834 : i32 to index
    %get3A_836 = arith.constant 592 : index
    %get3A_837 = tpu.vector_load %arg9[%get3A_835, %get3A_836] {strides = array<i32>} : memref<2x1024xf32, #tpu.memory_space<vmem>>, vector<1x16xf32>,
    %get3A_838 = vector.shape_cast %get3A_837 : vector<1x16xf32> to vector<16xf32>
    %mul3A_839 = arith.constant 3.200000e+01 : f32
    %mul3A_840 = vector.broadcast %mul3A_839 : f32 to vector<16xf32>
    %mul3A_841 = arith.mulf %get3A_838, %mul3A_840 : vector<16xf32>
    %get3A_842 = arith.constant 0 : i32
    %get3A_843 = arith.index_cast %get3A_842 : i32 to index
    %get3A_844 = arith.constant 592 : index
    %get3A_845 = tpu.vector_load %arg10[%get3A_843, %get3A_844] {strides = array<i32>} : memref<1x1024xf32, #tpu.memory_space<vmem>>, vector<1x16xf32>,
    %get3A_846 = vector.shape_cast %get3A_845 : vector<1x16xf32> to vector<16xf32>
    %mul3A_847 = arith.mulf %bitcast_convert_type3A, %get3A_846 : vector<16xf32>
    %add3A_848 = arith.addf %mul3A_841, %mul3A_847 : vector<16xf32>
    %swap3A_849 = arith.constant 0 : i32
    %swap3A_850 = arith.index_cast %swap3A_849 : i32 to index
    %swap3A_851 = arith.constant 592 : index
    %swap3A_852 = tpu.vector_load %arg9[%swap3A_850, %swap3A_851] {strides = array<i32>} : memref<2x1024xf32, #tpu.memory_space<vmem>>, vector<1x16xf32>,
    %swap3A_853 = vector.shape_cast %swap3A_852 : vector<1x16xf32> to vector<16xf32>
    %swap3A_854 = vector.shape_cast %add3A_848 : vector<16xf32> to vector<1x16xf32>
    tpu.vector_store %arg9[%swap3A_850, %swap3A_851], %swap3A_854 {strides = array<i32>} : memref<2x1024xf32, #tpu.memory_space<vmem>>, vector<1x16xf32>,
    %get3A_855 = arith.constant 0 : i32
    %get3A_856 = arith.index_cast %get3A_855 : i32 to index
    %get3A_857 = arith.constant 608 : index
    %get3A_858 = tpu.vector_load %arg9[%get3A_856, %get3A_857] {strides = array<i32>} : memref<2x1024xf32, #tpu.memory_space<vmem>>, vector<1x16xf32>,
    %get3A_859 = vector.shape_cast %get3A_858 : vector<1x16xf32> to vector<16xf32>
    %mul3A_860 = arith.constant 3.200000e+01 : f32
    %mul3A_861 = vector.broadcast %mul3A_860 : f32 to vector<16xf32>
    %mul3A_862 = arith.mulf %get3A_859, %mul3A_861 : vector<16xf32>
    %get3A_863 = arith.constant 0 : i32
    %get3A_864 = arith.index_cast %get3A_863 : i32 to index
    %get3A_865 = arith.constant 608 : index
    %get3A_866 = tpu.vector_load %arg10[%get3A_864, %get3A_865] {strides = array<i32>} : memref<1x1024xf32, #tpu.memory_space<vmem>>, vector<1x16xf32>,
    %get3A_867 = vector.shape_cast %get3A_866 : vector<1x16xf32> to vector<16xf32>
    %mul3A_868 = arith.mulf %bitcast_convert_type3A, %get3A_867 : vector<16xf32>
    %add3A_869 = arith.addf %mul3A_862, %mul3A_868 : vector<16xf32>
    %swap3A_870 = arith.constant 0 : i32
    %swap3A_871 = arith.index_cast %swap3A_870 : i32 to index
    %swap3A_872 = arith.constant 608 : index
    %swap3A_873 = tpu.vector_load %arg9[%swap3A_871, %swap3A_872] {strides = array<i32>} : memref<2x1024xf32, #tpu.memory_space<vmem>>, vector<1x16xf32>,
    %swap3A_874 = vector.shape_cast %swap3A_873 : vector<1x16xf32> to vector<16xf32>
    %swap3A_875 = vector.shape_cast %add3A_869 : vector<16xf32> to vector<1x16xf32>
    tpu.vector_store %arg9[%swap3A_871, %swap3A_872], %swap3A_875 {strides = array<i32>} : memref<2x1024xf32, #tpu.memory_space<vmem>>, vector<1x16xf32>,
    %get3A_876 = arith.constant 0 : i32
    %get3A_877 = arith.index_cast %get3A_876 : i32 to index
    %get3A_878 = arith.constant 624 : index
    %get3A_879 = tpu.vector_load %arg9[%get3A_877, %get3A_878] {strides = array<i32>} : memref<2x1024xf32, #tpu.memory_space<vmem>>, vector<1x16xf32>,
    %get3A_880 = vector.shape_cast %get3A_879 : vector<1x16xf32> to vector<16xf32>
    %mul3A_881 = arith.constant 3.200000e+01 : f32
    %mul3A_882 = vector.broadcast %mul3A_881 : f32 to vector<16xf32>
    %mul3A_883 = arith.mulf %get3A_880, %mul3A_882 : vector<16xf32>
    %get3A_884 = arith.constant 0 : i32
    %get3A_885 = arith.index_cast %get3A_884 : i32 to index
    %get3A_886 = arith.constant 624 : index
    %get3A_887 = tpu.vector_load %arg10[%get3A_885, %get3A_886] {strides = array<i32>} : memref<1x1024xf32, #tpu.memory_space<vmem>>, vector<1x16xf32>,
    %get3A_888 = vector.shape_cast %get3A_887 : vector<1x16xf32> to vector<16xf32>
    %mul3A_889 = arith.mulf %bitcast_convert_type3A, %get3A_888 : vector<16xf32>
    %add3A_890 = arith.addf %mul3A_883, %mul3A_889 : vector<16xf32>
    %swap3A_891 = arith.constant 0 : i32
    %swap3A_892 = arith.index_cast %swap3A_891 : i32 to index
    %swap3A_893 = arith.constant 624 : index
    %swap3A_894 = tpu.vector_load %arg9[%swap3A_892, %swap3A_893] {strides = array<i32>} : memref<2x1024xf32, #tpu.memory_space<vmem>>, vector<1x16xf32>,
    %swap3A_895 = vector.shape_cast %swap3A_894 : vector<1x16xf32> to vector<16xf32>
    %swap3A_896 = vector.shape_cast %add3A_890 : vector<16xf32> to vector<1x16xf32>
    tpu.vector_store %arg9[%swap3A_892, %swap3A_893], %swap3A_896 {strides = array<i32>} : memref<2x1024xf32, #tpu.memory_space<vmem>>, vector<1x16xf32>,
    %get3A_897 = arith.constant 0 : i32
    %get3A_898 = arith.index_cast %get3A_897 : i32 to index
    %get3A_899 = arith.constant 640 : index
    %get3A_900 = tpu.vector_load %arg9[%get3A_898, %get3A_899] {strides = array<i32>} : memref<2x1024xf32, #tpu.memory_space<vmem>>, vector<1x16xf32>,
    %get3A_901 = vector.shape_cast %get3A_900 : vector<1x16xf32> to vector<16xf32>
    %mul3A_902 = arith.constant 3.200000e+01 : f32
    %mul3A_903 = vector.broadcast %mul3A_902 : f32 to vector<16xf32>
    %mul3A_904 = arith.mulf %get3A_901, %mul3A_903 : vector<16xf32>
    %get3A_905 = arith.constant 0 : i32
    %get3A_906 = arith.index_cast %get3A_905 : i32 to index
    %get3A_907 = arith.constant 640 : index
    %get3A_908 = tpu.vector_load %arg10[%get3A_906, %get3A_907] {strides = array<i32>} : memref<1x1024xf32, #tpu.memory_space<vmem>>, vector<1x16xf32>,
    %get3A_909 = vector.shape_cast %get3A_908 : vector<1x16xf32> to vector<16xf32>
    %mul3A_910 = arith.mulf %bitcast_convert_type3A, %get3A_909 : vector<16xf32>
    %add3A_911 = arith.addf %mul3A_904, %mul3A_910 : vector<16xf32>
    %swap3A_912 = arith.constant 0 : i32
    %swap3A_913 = arith.index_cast %swap3A_912 : i32 to index
    %swap3A_914 = arith.constant 640 : index
    %swap3A_915 = tpu.vector_load %arg9[%swap3A_913, %swap3A_914] {strides = array<i32>} : memref<2x1024xf32, #tpu.memory_space<vmem>>, vector<1x16xf32>,
    %swap3A_916 = vector.shape_cast %swap3A_915 : vector<1x16xf32> to vector<16xf32>
    %swap3A_917 = vector.shape_cast %add3A_911 : vector<16xf32> to vector<1x16xf32>
    tpu.vector_store %arg9[%swap3A_913, %swap3A_914], %swap3A_917 {strides = array<i32>} : memref<2x1024xf32, #tpu.memory_space<vmem>>, vector<1x16xf32>,
    %get3A_918 = arith.constant 0 : i32
    %get3A_919 = arith.index_cast %get3A_918 : i32 to index
    %get3A_920 = arith.constant 656 : index
    %get3A_921 = tpu.vector_load %arg9[%get3A_919, %get3A_920] {strides = array<i32>} : memref<2x1024xf32, #tpu.memory_space<vmem>>, vector<1x16xf32>,
    %get3A_922 = vector.shape_cast %get3A_921 : vector<1x16xf32> to vector<16xf32>
    %mul3A_923 = arith.constant 3.200000e+01 : f32
    %mul3A_924 = vector.broadcast %mul3A_923 : f32 to vector<16xf32>
    %mul3A_925 = arith.mulf %get3A_922, %mul3A_924 : vector<16xf32>
    %get3A_926 = arith.constant 0 : i32
    %get3A_927 = arith.index_cast %get3A_926 : i32 to index
    %get3A_928 = arith.constant 656 : index
    %get3A_929 = tpu.vector_load %arg10[%get3A_927, %get3A_928] {strides = array<i32>} : memref<1x1024xf32, #tpu.memory_space<vmem>>, vector<1x16xf32>,
    %get3A_930 = vector.shape_cast %get3A_929 : vector<1x16xf32> to vector<16xf32>
    %mul3A_931 = arith.mulf %bitcast_convert_type3A, %get3A_930 : vector<16xf32>
    %add3A_932 = arith.addf %mul3A_925, %mul3A_931 : vector<16xf32>
    %swap3A_933 = arith.constant 0 : i32
    %swap3A_934 = arith.index_cast %swap3A_933 : i32 to index
    %swap3A_935 = arith.constant 656 : index
    %swap3A_936 = tpu.vector_load %arg9[%swap3A_934, %swap3A_935] {strides = array<i32>} : memref<2x1024xf32, #tpu.memory_space<vmem>>, vector<1x16xf32>,
    %swap3A_937 = vector.shape_cast %swap3A_936 : vector<1x16xf32> to vector<16xf32>
    %swap3A_938 = vector.shape_cast %add3A_932 : vector<16xf32> to vector<1x16xf32>
    tpu.vector_store %arg9[%swap3A_934, %swap3A_935], %swap3A_938 {strides = array<i32>} : memref<2x1024xf32, #tpu.memory_space<vmem>>, vector<1x16xf32>,
    %get3A_939 = arith.constant 0 : i32
    %get3A_940 = arith.index_cast %get3A_939 : i32 to index
    %get3A_941 = arith.constant 672 : index
    %get3A_942 = tpu.vector_load %arg9[%get3A_940, %get3A_941] {strides = array<i32>} : memref<2x1024xf32, #tpu.memory_space<vmem>>, vector<1x16xf32>,
    %get3A_943 = vector.shape_cast %get3A_942 : vector<1x16xf32> to vector<16xf32>
    %mul3A_944 = arith.constant 3.200000e+01 : f32
    %mul3A_945 = vector.broadcast %mul3A_944 : f32 to vector<16xf32>
    %mul3A_946 = arith.mulf %get3A_943, %mul3A_945 : vector<16xf32>
    %get3A_947 = arith.constant 0 : i32
    %get3A_948 = arith.index_cast %get3A_947 : i32 to index
    %get3A_949 = arith.constant 672 : index
    %get3A_950 = tpu.vector_load %arg10[%get3A_948, %get3A_949] {strides = array<i32>} : memref<1x1024xf32, #tpu.memory_space<vmem>>, vector<1x16xf32>,
    %get3A_951 = vector.shape_cast %get3A_950 : vector<1x16xf32> to vector<16xf32>
    %mul3A_952 = arith.mulf %bitcast_convert_type3A, %get3A_951 : vector<16xf32>
    %add3A_953 = arith.addf %mul3A_946, %mul3A_952 : vector<16xf32>
    %swap3A_954 = arith.constant 0 : i32
    %swap3A_955 = arith.index_cast %swap3A_954 : i32 to index
    %swap3A_956 = arith.constant 672 : index
    %swap3A_957 = tpu.vector_load %arg9[%swap3A_955, %swap3A_956] {strides = array<i32>} : memref<2x1024xf32, #tpu.memory_space<vmem>>, vector<1x16xf32>,
    %swap3A_958 = vector.shape_cast %swap3A_957 : vector<1x16xf32> to vector<16xf32>
    %swap3A_959 = vector.shape_cast %add3A_953 : vector<16xf32> to vector<1x16xf32>
    tpu.vector_store %arg9[%swap3A_955, %swap3A_956], %swap3A_959 {strides = array<i32>} : memref<2x1024xf32, #tpu.memory_space<vmem>>, vector<1x16xf32>,
    %get3A_960 = arith.constant 0 : i32
    %get3A_961 = arith.index_cast %get3A_960 : i32 to index
    %get3A_962 = arith.constant 688 : index
    %get3A_963 = tpu.vector_load %arg9[%get3A_961, %get3A_962] {strides = array<i32>} : memref<2x1024xf32, #tpu.memory_space<vmem>>, vector<1x16xf32>,
    %get3A_964 = vector.shape_cast %get3A_963 : vector<1x16xf32> to vector<16xf32>
    %mul3A_965 = arith.constant 3.200000e+01 : f32
    %mul3A_966 = vector.broadcast %mul3A_965 : f32 to vector<16xf32>
    %mul3A_967 = arith.mulf %get3A_964, %mul3A_966 : vector<16xf32>
    %get3A_968 = arith.constant 0 : i32
    %get3A_969 = arith.index_cast %get3A_968 : i32 to index
    %get3A_970 = arith.constant 688 : index
    %get3A_971 = tpu.vector_load %arg10[%get3A_969, %get3A_970] {strides = array<i32>} : memref<1x1024xf32, #tpu.memory_space<vmem>>, vector<1x16xf32>,
    %get3A_972 = vector.shape_cast %get3A_971 : vector<1x16xf32> to vector<16xf32>
    %mul3A_973 = arith.mulf %bitcast_convert_type3A, %get3A_972 : vector<16xf32>
    %add3A_974 = arith.addf %mul3A_967, %mul3A_973 : vector<16xf32>
    %swap3A_975 = arith.constant 0 : i32
    %swap3A_976 = arith.index_cast %swap3A_975 : i32 to index
    %swap3A_977 = arith.constant 688 : index
    %swap3A_978 = tpu.vector_load %arg9[%swap3A_976, %swap3A_977] {strides = array<i32>} : memref<2x1024xf32, #tpu.memory_space<vmem>>, vector<1x16xf32>,
    %swap3A_979 = vector.shape_cast %swap3A_978 : vector<1x16xf32> to vector<16xf32>
    %swap3A_980 = vector.shape_cast %add3A_974 : vector<16xf32> to vector<1x16xf32>
    tpu.vector_store %arg9[%swap3A_976, %swap3A_977], %swap3A_980 {strides = array<i32>} : memref<2x1024xf32, #tpu.memory_space<vmem>>, vector<1x16xf32>,
    %get3A_981 = arith.constant 0 : i32
    %get3A_982 = arith.index_cast %get3A_981 : i32 to index
    %get3A_983 = arith.constant 704 : index
    %get3A_984 = tpu.vector_load %arg9[%get3A_982, %get3A_983] {strides = array<i32>} : memref<2x1024xf32, #tpu.memory_space<vmem>>, vector<1x16xf32>,
    %get3A_985 = vector.shape_cast %get3A_984 : vector<1x16xf32> to vector<16xf32>
    %mul3A_986 = arith.constant 3.200000e+01 : f32
    %mul3A_987 = vector.broadcast %mul3A_986 : f32 to vector<16xf32>
    %mul3A_988 = arith.mulf %get3A_985, %mul3A_987 : vector<16xf32>
    %get3A_989 = arith.constant 0 : i32
    %get3A_990 = arith.index_cast %get3A_989 : i32 to index
    %get3A_991 = arith.constant 704 : index
    %get3A_992 = tpu.vector_load %arg10[%get3A_990, %get3A_991] {strides = array<i32>} : memref<1x1024xf32, #tpu.memory_space<vmem>>, vector<1x16xf32>,
    %get3A_993 = vector.shape_cast %get3A_992 : vector<1x16xf32> to vector<16xf32>
    %mul3A_994 = arith.mulf %bitcast_convert_type3A, %get3A_993 : vector<16xf32>
    %add3A_995 = arith.addf %mul3A_988, %mul3A_994 : vector<16xf32>
    %swap3A_996 = arith.constant 0 : i32
    %swap3A_997 = arith.index_cast %swap3A_996 : i32 to index
    %swap3A_998 = arith.constant 704 : index
    %swap3A_999 = tpu.vector_load %arg9[%swap3A_997, %swap3A_998] {strides = array<i32>} : memref<2x1024xf32, #tpu.memory_space<vmem>>, vector<1x16xf32>,
    %swap3A_1000 = vector.shape_cast %swap3A_999 : vector<1x16xf32> to vector<16xf32>
    %swap3A_1001 = vector.shape_cast %add3A_995 : vector<16xf32> to vector<1x16xf32>
    tpu.vector_store %arg9[%swap3A_997, %swap3A_998], %swap3A_1001 {strides = array<i32>} : memref<2x1024xf32, #tpu.memory_space<vmem>>, vector<1x16xf32>,
    %get3A_1002 = arith.constant 0 : i32
    %get3A_1003 = arith.index_cast %get3A_1002 : i32 to index
    %get3A_1004 = arith.constant 720 : index
    %get3A_1005 = tpu.vector_load %arg9[%get3A_1003, %get3A_1004] {strides = array<i32>} : memref<2x1024xf32, #tpu.memory_space<vmem>>, vector<1x16xf32>,
    %get3A_1006 = vector.shape_cast %get3A_1005 : vector<1x16xf32> to vector<16xf32>
    %mul3A_1007 = arith.constant 3.200000e+01 : f32
    %mul3A_1008 = vector.broadcast %mul3A_1007 : f32 to vector<16xf32>
    %mul3A_1009 = arith.mulf %get3A_1006, %mul3A_1008 : vector<16xf32>
    %get3A_1010 = arith.constant 0 : i32
    %get3A_1011 = arith.index_cast %get3A_1010 : i32 to index
    %get3A_1012 = arith.constant 720 : index
    %get3A_1013 = tpu.vector_load %arg10[%get3A_1011, %get3A_1012] {strides = array<i32>} : memref<1x1024xf32, #tpu.memory_space<vmem>>, vector<1x16xf32>,
    %get3A_1014 = vector.shape_cast %get3A_1013 : vector<1x16xf32> to vector<16xf32>
    %mul3A_1015 = arith.mulf %bitcast_convert_type3A, %get3A_1014 : vector<16xf32>
    %add3A_1016 = arith.addf %mul3A_1009, %mul3A_1015 : vector<16xf32>
    %swap3A_1017 = arith.constant 0 : i32
    %swap3A_1018 = arith.index_cast %swap3A_1017 : i32 to index
    %swap3A_1019 = arith.constant 720 : index
    %swap3A_1020 = tpu.vector_load %arg9[%swap3A_1018, %swap3A_1019] {strides = array<i32>} : memref<2x1024xf32, #tpu.memory_space<vmem>>, vector<1x16xf32>,
    %swap3A_1021 = vector.shape_cast %swap3A_1020 : vector<1x16xf32> to vector<16xf32>
    %swap3A_1022 = vector.shape_cast %add3A_1016 : vector<16xf32> to vector<1x16xf32>
    tpu.vector_store %arg9[%swap3A_1018, %swap3A_1019], %swap3A_1022 {strides = array<i32>} : memref<2x1024xf32, #tpu.memory_space<vmem>>, vector<1x16xf32>,
    %get3A_1023 = arith.constant 0 : i32
    %get3A_1024 = arith.index_cast %get3A_1023 : i32 to index
    %get3A_1025 = arith.constant 736 : index
    %get3A_1026 = tpu.vector_load %arg9[%get3A_1024, %get3A_1025] {strides = array<i32>} : memref<2x1024xf32, #tpu.memory_space<vmem>>, vector<1x16xf32>,
    %get3A_1027 = vector.shape_cast %get3A_1026 : vector<1x16xf32> to vector<16xf32>
    %mul3A_1028 = arith.constant 3.200000e+01 : f32
    %mul3A_1029 = vector.broadcast %mul3A_1028 : f32 to vector<16xf32>
    %mul3A_1030 = arith.mulf %get3A_1027, %mul3A_1029 : vector<16xf32>
    %get3A_1031 = arith.constant 0 : i32
    %get3A_1032 = arith.index_cast %get3A_1031 : i32 to index
    %get3A_1033 = arith.constant 736 : index
    %get3A_1034 = tpu.vector_load %arg10[%get3A_1032, %get3A_1033] {strides = array<i32>} : memref<1x1024xf32, #tpu.memory_space<vmem>>, vector<1x16xf32>,
    %get3A_1035 = vector.shape_cast %get3A_1034 : vector<1x16xf32> to vector<16xf32>
    %mul3A_1036 = arith.mulf %bitcast_convert_type3A, %get3A_1035 : vector<16xf32>
    %add3A_1037 = arith.addf %mul3A_1030, %mul3A_1036 : vector<16xf32>
    %swap3A_1038 = arith.constant 0 : i32
    %swap3A_1039 = arith.index_cast %swap3A_1038 : i32 to index
    %swap3A_1040 = arith.constant 736 : index
    %swap3A_1041 = tpu.vector_load %arg9[%swap3A_1039, %swap3A_1040] {strides = array<i32>} : memref<2x1024xf32, #tpu.memory_space<vmem>>, vector<1x16xf32>,
    %swap3A_1042 = vector.shape_cast %swap3A_1041 : vector<1x16xf32> to vector<16xf32>
    %swap3A_1043 = vector.shape_cast %add3A_1037 : vector<16xf32> to vector<1x16xf32>
    tpu.vector_store %arg9[%swap3A_1039, %swap3A_1040], %swap3A_1043 {strides = array<i32>} : memref<2x1024xf32, #tpu.memory_space<vmem>>, vector<1x16xf32>,
    %get3A_1044 = arith.constant 0 : i32
    %get3A_1045 = arith.index_cast %get3A_1044 : i32 to index
    %get3A_1046 = arith.constant 752 : index
    %get3A_1047 = tpu.vector_load %arg9[%get3A_1045, %get3A_1046] {strides = array<i32>} : memref<2x1024xf32, #tpu.memory_space<vmem>>, vector<1x16xf32>,
    %get3A_1048 = vector.shape_cast %get3A_1047 : vector<1x16xf32> to vector<16xf32>
    %mul3A_1049 = arith.constant 3.200000e+01 : f32
    %mul3A_1050 = vector.broadcast %mul3A_1049 : f32 to vector<16xf32>
    %mul3A_1051 = arith.mulf %get3A_1048, %mul3A_1050 : vector<16xf32>
    %get3A_1052 = arith.constant 0 : i32
    %get3A_1053 = arith.index_cast %get3A_1052 : i32 to index
    %get3A_1054 = arith.constant 752 : index
    %get3A_1055 = tpu.vector_load %arg10[%get3A_1053, %get3A_1054] {strides = array<i32>} : memref<1x1024xf32, #tpu.memory_space<vmem>>, vector<1x16xf32>,
    %get3A_1056 = vector.shape_cast %get3A_1055 : vector<1x16xf32> to vector<16xf32>
    %mul3A_1057 = arith.mulf %bitcast_convert_type3A, %get3A_1056 : vector<16xf32>
    %add3A_1058 = arith.addf %mul3A_1051, %mul3A_1057 : vector<16xf32>
    %swap3A_1059 = arith.constant 0 : i32
    %swap3A_1060 = arith.index_cast %swap3A_1059 : i32 to index
    %swap3A_1061 = arith.constant 752 : index
    %swap3A_1062 = tpu.vector_load %arg9[%swap3A_1060, %swap3A_1061] {strides = array<i32>} : memref<2x1024xf32, #tpu.memory_space<vmem>>, vector<1x16xf32>,
    %swap3A_1063 = vector.shape_cast %swap3A_1062 : vector<1x16xf32> to vector<16xf32>
    %swap3A_1064 = vector.shape_cast %add3A_1058 : vector<16xf32> to vector<1x16xf32>
    tpu.vector_store %arg9[%swap3A_1060, %swap3A_1061], %swap3A_1064 {strides = array<i32>} : memref<2x1024xf32, #tpu.memory_space<vmem>>, vector<1x16xf32>,
    %get3A_1065 = arith.constant 0 : i32
    %get3A_1066 = arith.index_cast %get3A_1065 : i32 to index
    %get3A_1067 = arith.constant 768 : index
    %get3A_1068 = tpu.vector_load %arg9[%get3A_1066, %get3A_1067] {strides = array<i32>} : memref<2x1024xf32, #tpu.memory_space<vmem>>, vector<1x16xf32>,
    %get3A_1069 = vector.shape_cast %get3A_1068 : vector<1x16xf32> to vector<16xf32>
    %mul3A_1070 = arith.constant 3.200000e+01 : f32
    %mul3A_1071 = vector.broadcast %mul3A_1070 : f32 to vector<16xf32>
    %mul3A_1072 = arith.mulf %get3A_1069, %mul3A_1071 : vector<16xf32>
    %get3A_1073 = arith.constant 0 : i32
    %get3A_1074 = arith.index_cast %get3A_1073 : i32 to index
    %get3A_1075 = arith.constant 768 : index
    %get3A_1076 = tpu.vector_load %arg10[%get3A_1074, %get3A_1075] {strides = array<i32>} : memref<1x1024xf32, #tpu.memory_space<vmem>>, vector<1x16xf32>,
    %get3A_1077 = vector.shape_cast %get3A_1076 : vector<1x16xf32> to vector<16xf32>
    %mul3A_1078 = arith.mulf %bitcast_convert_type3A, %get3A_1077 : vector<16xf32>
    %add3A_1079 = arith.addf %mul3A_1072, %mul3A_1078 : vector<16xf32>
    %swap3A_1080 = arith.constant 0 : i32
    %swap3A_1081 = arith.index_cast %swap3A_1080 : i32 to index
    %swap3A_1082 = arith.constant 768 : index
    %swap3A_1083 = tpu.vector_load %arg9[%swap3A_1081, %swap3A_1082] {strides = array<i32>} : memref<2x1024xf32, #tpu.memory_space<vmem>>, vector<1x16xf32>,
    %swap3A_1084 = vector.shape_cast %swap3A_1083 : vector<1x16xf32> to vector<16xf32>
    %swap3A_1085 = vector.shape_cast %add3A_1079 : vector<16xf32> to vector<1x16xf32>
    tpu.vector_store %arg9[%swap3A_1081, %swap3A_1082], %swap3A_1085 {strides = array<i32>} : memref<2x1024xf32, #tpu.memory_space<vmem>>, vector<1x16xf32>,
    %get3A_1086 = arith.constant 0 : i32
    %get3A_1087 = arith.index_cast %get3A_1086 : i32 to index
    %get3A_1088 = arith.constant 784 : index
    %get3A_1089 = tpu.vector_load %arg9[%get3A_1087, %get3A_1088] {strides = array<i32>} : memref<2x1024xf32, #tpu.memory_space<vmem>>, vector<1x16xf32>,
    %get3A_1090 = vector.shape_cast %get3A_1089 : vector<1x16xf32> to vector<16xf32>
    %mul3A_1091 = arith.constant 3.200000e+01 : f32
    %mul3A_1092 = vector.broadcast %mul3A_1091 : f32 to vector<16xf32>
    %mul3A_1093 = arith.mulf %get3A_1090, %mul3A_1092 : vector<16xf32>
    %get3A_1094 = arith.constant 0 : i32
    %get3A_1095 = arith.index_cast %get3A_1094 : i32 to index
    %get3A_1096 = arith.constant 784 : index
    %get3A_1097 = tpu.vector_load %arg10[%get3A_1095, %get3A_1096] {strides = array<i32>} : memref<1x1024xf32, #tpu.memory_space<vmem>>, vector<1x16xf32>,
    %get3A_1098 = vector.shape_cast %get3A_1097 : vector<1x16xf32> to vector<16xf32>
    %mul3A_1099 = arith.mulf %bitcast_convert_type3A, %get3A_1098 : vector<16xf32>
    %add3A_1100 = arith.addf %mul3A_1093, %mul3A_1099 : vector<16xf32>
    %swap3A_1101 = arith.constant 0 : i32
    %swap3A_1102 = arith.index_cast %swap3A_1101 : i32 to index
    %swap3A_1103 = arith.constant 784 : index
    %swap3A_1104 = tpu.vector_load %arg9[%swap3A_1102, %swap3A_1103] {strides = array<i32>} : memref<2x1024xf32, #tpu.memory_space<vmem>>, vector<1x16xf32>,
    %swap3A_1105 = vector.shape_cast %swap3A_1104 : vector<1x16xf32> to vector<16xf32>
    %swap3A_1106 = vector.shape_cast %add3A_1100 : vector<16xf32> to vector<1x16xf32>
    tpu.vector_store %arg9[%swap3A_1102, %swap3A_1103], %swap3A_1106 {strides = array<i32>} : memref<2x1024xf32, #tpu.memory_space<vmem>>, vector<1x16xf32>,
    %get3A_1107 = arith.constant 0 : i32
    %get3A_1108 = arith.index_cast %get3A_1107 : i32 to index
    %get3A_1109 = arith.constant 800 : index
    %get3A_1110 = tpu.vector_load %arg9[%get3A_1108, %get3A_1109] {strides = array<i32>} : memref<2x1024xf32, #tpu.memory_space<vmem>>, vector<1x16xf32>,
    %get3A_1111 = vector.shape_cast %get3A_1110 : vector<1x16xf32> to vector<16xf32>
    %mul3A_1112 = arith.constant 3.200000e+01 : f32
    %mul3A_1113 = vector.broadcast %mul3A_1112 : f32 to vector<16xf32>
    %mul3A_1114 = arith.mulf %get3A_1111, %mul3A_1113 : vector<16xf32>
    %get3A_1115 = arith.constant 0 : i32
    %get3A_1116 = arith.index_cast %get3A_1115 : i32 to index
    %get3A_1117 = arith.constant 800 : index
    %get3A_1118 = tpu.vector_load %arg10[%get3A_1116, %get3A_1117] {strides = array<i32>} : memref<1x1024xf32, #tpu.memory_space<vmem>>, vector<1x16xf32>,
    %get3A_1119 = vector.shape_cast %get3A_1118 : vector<1x16xf32> to vector<16xf32>
    %mul3A_1120 = arith.mulf %bitcast_convert_type3A, %get3A_1119 : vector<16xf32>
    %add3A_1121 = arith.addf %mul3A_1114, %mul3A_1120 : vector<16xf32>
    %swap3A_1122 = arith.constant 0 : i32
    %swap3A_1123 = arith.index_cast %swap3A_1122 : i32 to index
    %swap3A_1124 = arith.constant 800 : index
    %swap3A_1125 = tpu.vector_load %arg9[%swap3A_1123, %swap3A_1124] {strides = array<i32>} : memref<2x1024xf32, #tpu.memory_space<vmem>>, vector<1x16xf32>,
    %swap3A_1126 = vector.shape_cast %swap3A_1125 : vector<1x16xf32> to vector<16xf32>
    %swap3A_1127 = vector.shape_cast %add3A_1121 : vector<16xf32> to vector<1x16xf32>
    tpu.vector_store %arg9[%swap3A_1123, %swap3A_1124], %swap3A_1127 {strides = array<i32>} : memref<2x1024xf32, #tpu.memory_space<vmem>>, vector<1x16xf32>,
    %get3A_1128 = arith.constant 0 : i32
    %get3A_1129 = arith.index_cast %get3A_1128 : i32 to index
    %get3A_1130 = arith.constant 816 : index
    %get3A_1131 = tpu.vector_load %arg9[%get3A_1129, %get3A_1130] {strides = array<i32>} : memref<2x1024xf32, #tpu.memory_space<vmem>>, vector<1x16xf32>,
    %get3A_1132 = vector.shape_cast %get3A_1131 : vector<1x16xf32> to vector<16xf32>
    %mul3A_1133 = arith.constant 3.200000e+01 : f32
    %mul3A_1134 = vector.broadcast %mul3A_1133 : f32 to vector<16xf32>
    %mul3A_1135 = arith.mulf %get3A_1132, %mul3A_1134 : vector<16xf32>
    %get3A_1136 = arith.constant 0 : i32
    %get3A_1137 = arith.index_cast %get3A_1136 : i32 to index
    %get3A_1138 = arith.constant 816 : index
    %get3A_1139 = tpu.vector_load %arg10[%get3A_1137, %get3A_1138] {strides = array<i32>} : memref<1x1024xf32, #tpu.memory_space<vmem>>, vector<1x16xf32>,
    %get3A_1140 = vector.shape_cast %get3A_1139 : vector<1x16xf32> to vector<16xf32>
    %mul3A_1141 = arith.mulf %bitcast_convert_type3A, %get3A_1140 : vector<16xf32>
    %add3A_1142 = arith.addf %mul3A_1135, %mul3A_1141 : vector<16xf32>
    %swap3A_1143 = arith.constant 0 : i32
    %swap3A_1144 = arith.index_cast %swap3A_1143 : i32 to index
    %swap3A_1145 = arith.constant 816 : index
    %swap3A_1146 = tpu.vector_load %arg9[%swap3A_1144, %swap3A_1145] {strides = array<i32>} : memref<2x1024xf32, #tpu.memory_space<vmem>>, vector<1x16xf32>,
    %swap3A_1147 = vector.shape_cast %swap3A_1146 : vector<1x16xf32> to vector<16xf32>
    %swap3A_1148 = vector.shape_cast %add3A_1142 : vector<16xf32> to vector<1x16xf32>
    tpu.vector_store %arg9[%swap3A_1144, %swap3A_1145], %swap3A_1148 {strides = array<i32>} : memref<2x1024xf32, #tpu.memory_space<vmem>>, vector<1x16xf32>,
    %get3A_1149 = arith.constant 0 : i32
    %get3A_1150 = arith.index_cast %get3A_1149 : i32 to index
    %get3A_1151 = arith.constant 832 : index
    %get3A_1152 = tpu.vector_load %arg9[%get3A_1150, %get3A_1151] {strides = array<i32>} : memref<2x1024xf32, #tpu.memory_space<vmem>>, vector<1x16xf32>,
    %get3A_1153 = vector.shape_cast %get3A_1152 : vector<1x16xf32> to vector<16xf32>
    %mul3A_1154 = arith.constant 3.200000e+01 : f32
    %mul3A_1155 = vector.broadcast %mul3A_1154 : f32 to vector<16xf32>
    %mul3A_1156 = arith.mulf %get3A_1153, %mul3A_1155 : vector<16xf32>
    %get3A_1157 = arith.constant 0 : i32
    %get3A_1158 = arith.index_cast %get3A_1157 : i32 to index
    %get3A_1159 = arith.constant 832 : index
    %get3A_1160 = tpu.vector_load %arg10[%get3A_1158, %get3A_1159] {strides = array<i32>} : memref<1x1024xf32, #tpu.memory_space<vmem>>, vector<1x16xf32>,
    %get3A_1161 = vector.shape_cast %get3A_1160 : vector<1x16xf32> to vector<16xf32>
    %mul3A_1162 = arith.mulf %bitcast_convert_type3A, %get3A_1161 : vector<16xf32>
    %add3A_1163 = arith.addf %mul3A_1156, %mul3A_1162 : vector<16xf32>
    %swap3A_1164 = arith.constant 0 : i32
    %swap3A_1165 = arith.index_cast %swap3A_1164 : i32 to index
    %swap3A_1166 = arith.constant 832 : index
    %swap3A_1167 = tpu.vector_load %arg9[%swap3A_1165, %swap3A_1166] {strides = array<i32>} : memref<2x1024xf32, #tpu.memory_space<vmem>>, vector<1x16xf32>,
    %swap3A_1168 = vector.shape_cast %swap3A_1167 : vector<1x16xf32> to vector<16xf32>
    %swap3A_1169 = vector.shape_cast %add3A_1163 : vector<16xf32> to vector<1x16xf32>
    tpu.vector_store %arg9[%swap3A_1165, %swap3A_1166], %swap3A_1169 {strides = array<i32>} : memref<2x1024xf32, #tpu.memory_space<vmem>>, vector<1x16xf32>,
    %get3A_1170 = arith.constant 0 : i32
    %get3A_1171 = arith.index_cast %get3A_1170 : i32 to index
    %get3A_1172 = arith.constant 848 : index
    %get3A_1173 = tpu.vector_load %arg9[%get3A_1171, %get3A_1172] {strides = array<i32>} : memref<2x1024xf32, #tpu.memory_space<vmem>>, vector<1x16xf32>,
    %get3A_1174 = vector.shape_cast %get3A_1173 : vector<1x16xf32> to vector<16xf32>
    %mul3A_1175 = arith.constant 3.200000e+01 : f32
    %mul3A_1176 = vector.broadcast %mul3A_1175 : f32 to vector<16xf32>
    %mul3A_1177 = arith.mulf %get3A_1174, %mul3A_1176 : vector<16xf32>
    %get3A_1178 = arith.constant 0 : i32
    %get3A_1179 = arith.index_cast %get3A_1178 : i32 to index
    %get3A_1180 = arith.constant 848 : index
    %get3A_1181 = tpu.vector_load %arg10[%get3A_1179, %get3A_1180] {strides = array<i32>} : memref<1x1024xf32, #tpu.memory_space<vmem>>, vector<1x16xf32>,
    %get3A_1182 = vector.shape_cast %get3A_1181 : vector<1x16xf32> to vector<16xf32>
    %mul3A_1183 = arith.mulf %bitcast_convert_type3A, %get3A_1182 : vector<16xf32>
    %add3A_1184 = arith.addf %mul3A_1177, %mul3A_1183 : vector<16xf32>
    %swap3A_1185 = arith.constant 0 : i32
    %swap3A_1186 = arith.index_cast %swap3A_1185 : i32 to index
    %swap3A_1187 = arith.constant 848 : index
    %swap3A_1188 = tpu.vector_load %arg9[%swap3A_1186, %swap3A_1187] {strides = array<i32>} : memref<2x1024xf32, #tpu.memory_space<vmem>>, vector<1x16xf32>,
    %swap3A_1189 = vector.shape_cast %swap3A_1188 : vector<1x16xf32> to vector<16xf32>
    %swap3A_1190 = vector.shape_cast %add3A_1184 : vector<16xf32> to vector<1x16xf32>
    tpu.vector_store %arg9[%swap3A_1186, %swap3A_1187], %swap3A_1190 {strides = array<i32>} : memref<2x1024xf32, #tpu.memory_space<vmem>>, vector<1x16xf32>,
    %get3A_1191 = arith.constant 0 : i32
    %get3A_1192 = arith.index_cast %get3A_1191 : i32 to index
    %get3A_1193 = arith.constant 864 : index
    %get3A_1194 = tpu.vector_load %arg9[%get3A_1192, %get3A_1193] {strides = array<i32>} : memref<2x1024xf32, #tpu.memory_space<vmem>>, vector<1x16xf32>,
    %get3A_1195 = vector.shape_cast %get3A_1194 : vector<1x16xf32> to vector<16xf32>
    %mul3A_1196 = arith.constant 3.200000e+01 : f32
    %mul3A_1197 = vector.broadcast %mul3A_1196 : f32 to vector<16xf32>
    %mul3A_1198 = arith.mulf %get3A_1195, %mul3A_1197 : vector<16xf32>
    %get3A_1199 = arith.constant 0 : i32
    %get3A_1200 = arith.index_cast %get3A_1199 : i32 to index
    %get3A_1201 = arith.constant 864 : index
    %get3A_1202 = tpu.vector_load %arg10[%get3A_1200, %get3A_1201] {strides = array<i32>} : memref<1x1024xf32, #tpu.memory_space<vmem>>, vector<1x16xf32>,
    %get3A_1203 = vector.shape_cast %get3A_1202 : vector<1x16xf32> to vector<16xf32>
    %mul3A_1204 = arith.mulf %bitcast_convert_type3A, %get3A_1203 : vector<16xf32>
    %add3A_1205 = arith.addf %mul3A_1198, %mul3A_1204 : vector<16xf32>
    %swap3A_1206 = arith.constant 0 : i32
    %swap3A_1207 = arith.index_cast %swap3A_1206 : i32 to index
    %swap3A_1208 = arith.constant 864 : index
    %swap3A_1209 = tpu.vector_load %arg9[%swap3A_1207, %swap3A_1208] {strides = array<i32>} : memref<2x1024xf32, #tpu.memory_space<vmem>>, vector<1x16xf32>,
    %swap3A_1210 = vector.shape_cast %swap3A_1209 : vector<1x16xf32> to vector<16xf32>
    %swap3A_1211 = vector.shape_cast %add3A_1205 : vector<16xf32> to vector<1x16xf32>
    tpu.vector_store %arg9[%swap3A_1207, %swap3A_1208], %swap3A_1211 {strides = array<i32>} : memref<2x1024xf32, #tpu.memory_space<vmem>>, vector<1x16xf32>,
    %get3A_1212 = arith.constant 0 : i32
    %get3A_1213 = arith.index_cast %get3A_1212 : i32 to index
    %get3A_1214 = arith.constant 880 : index
    %get3A_1215 = tpu.vector_load %arg9[%get3A_1213, %get3A_1214] {strides = array<i32>} : memref<2x1024xf32, #tpu.memory_space<vmem>>, vector<1x16xf32>,
    %get3A_1216 = vector.shape_cast %get3A_1215 : vector<1x16xf32> to vector<16xf32>
    %mul3A_1217 = arith.constant 3.200000e+01 : f32
    %mul3A_1218 = vector.broadcast %mul3A_1217 : f32 to vector<16xf32>
    %mul3A_1219 = arith.mulf %get3A_1216, %mul3A_1218 : vector<16xf32>
    %get3A_1220 = arith.constant 0 : i32
    %get3A_1221 = arith.index_cast %get3A_1220 : i32 to index
    %get3A_1222 = arith.constant 880 : index
    %get3A_1223 = tpu.vector_load %arg10[%get3A_1221, %get3A_1222] {strides = array<i32>} : memref<1x1024xf32, #tpu.memory_space<vmem>>, vector<1x16xf32>,
    %get3A_1224 = vector.shape_cast %get3A_1223 : vector<1x16xf32> to vector<16xf32>
    %mul3A_1225 = arith.mulf %bitcast_convert_type3A, %get3A_1224 : vector<16xf32>
    %add3A_1226 = arith.addf %mul3A_1219, %mul3A_1225 : vector<16xf32>
    %swap3A_1227 = arith.constant 0 : i32
    %swap3A_1228 = arith.index_cast %swap3A_1227 : i32 to index
    %swap3A_1229 = arith.constant 880 : index
    %swap3A_1230 = tpu.vector_load %arg9[%swap3A_1228, %swap3A_1229] {strides = array<i32>} : memref<2x1024xf32, #tpu.memory_space<vmem>>, vector<1x16xf32>,
    %swap3A_1231 = vector.shape_cast %swap3A_1230 : vector<1x16xf32> to vector<16xf32>
    %swap3A_1232 = vector.shape_cast %add3A_1226 : vector<16xf32> to vector<1x16xf32>
    tpu.vector_store %arg9[%swap3A_1228, %swap3A_1229], %swap3A_1232 {strides = array<i32>} : memref<2x1024xf32, #tpu.memory_space<vmem>>, vector<1x16xf32>,
    %get3A_1233 = arith.constant 0 : i32
    %get3A_1234 = arith.index_cast %get3A_1233 : i32 to index
    %get3A_1235 = arith.constant 896 : index
    %get3A_1236 = tpu.vector_load %arg9[%get3A_1234, %get3A_1235] {strides = array<i32>} : memref<2x1024xf32, #tpu.memory_space<vmem>>, vector<1x16xf32>,
    %get3A_1237 = vector.shape_cast %get3A_1236 : vector<1x16xf32> to vector<16xf32>
    %mul3A_1238 = arith.constant 3.200000e+01 : f32
    %mul3A_1239 = vector.broadcast %mul3A_1238 : f32 to vector<16xf32>
    %mul3A_1240 = arith.mulf %get3A_1237, %mul3A_1239 : vector<16xf32>
    %get3A_1241 = arith.constant 0 : i32
    %get3A_1242 = arith.index_cast %get3A_1241 : i32 to index
    %get3A_1243 = arith.constant 896 : index
    %get3A_1244 = tpu.vector_load %arg10[%get3A_1242, %get3A_1243] {strides = array<i32>} : memref<1x1024xf32, #tpu.memory_space<vmem>>, vector<1x16xf32>,
    %get3A_1245 = vector.shape_cast %get3A_1244 : vector<1x16xf32> to vector<16xf32>
    %mul3A_1246 = arith.mulf %bitcast_convert_type3A, %get3A_1245 : vector<16xf32>
    %add3A_1247 = arith.addf %mul3A_1240, %mul3A_1246 : vector<16xf32>
    %swap3A_1248 = arith.constant 0 : i32
    %swap3A_1249 = arith.index_cast %swap3A_1248 : i32 to index
    %swap3A_1250 = arith.constant 896 : index
    %swap3A_1251 = tpu.vector_load %arg9[%swap3A_1249, %swap3A_1250] {strides = array<i32>} : memref<2x1024xf32, #tpu.memory_space<vmem>>, vector<1x16xf32>,
    %swap3A_1252 = vector.shape_cast %swap3A_1251 : vector<1x16xf32> to vector<16xf32>
    %swap3A_1253 = vector.shape_cast %add3A_1247 : vector<16xf32> to vector<1x16xf32>
    tpu.vector_store %arg9[%swap3A_1249, %swap3A_1250], %swap3A_1253 {strides = array<i32>} : memref<2x1024xf32, #tpu.memory_space<vmem>>, vector<1x16xf32>,
    %get3A_1254 = arith.constant 0 : i32
    %get3A_1255 = arith.index_cast %get3A_1254 : i32 to index
    %get3A_1256 = arith.constant 912 : index
    %get3A_1257 = tpu.vector_load %arg9[%get3A_1255, %get3A_1256] {strides = array<i32>} : memref<2x1024xf32, #tpu.memory_space<vmem>>, vector<1x16xf32>,
    %get3A_1258 = vector.shape_cast %get3A_1257 : vector<1x16xf32> to vector<16xf32>
    %mul3A_1259 = arith.constant 3.200000e+01 : f32
    %mul3A_1260 = vector.broadcast %mul3A_1259 : f32 to vector<16xf32>
    %mul3A_1261 = arith.mulf %get3A_1258, %mul3A_1260 : vector<16xf32>
    %get3A_1262 = arith.constant 0 : i32
    %get3A_1263 = arith.index_cast %get3A_1262 : i32 to index
    %get3A_1264 = arith.constant 912 : index
    %get3A_1265 = tpu.vector_load %arg10[%get3A_1263, %get3A_1264] {strides = array<i32>} : memref<1x1024xf32, #tpu.memory_space<vmem>>, vector<1x16xf32>,
    %get3A_1266 = vector.shape_cast %get3A_1265 : vector<1x16xf32> to vector<16xf32>
    %mul3A_1267 = arith.mulf %bitcast_convert_type3A, %get3A_1266 : vector<16xf32>
    %add3A_1268 = arith.addf %mul3A_1261, %mul3A_1267 : vector<16xf32>
    %swap3A_1269 = arith.constant 0 : i32
    %swap3A_1270 = arith.index_cast %swap3A_1269 : i32 to index
    %swap3A_1271 = arith.constant 912 : index
    %swap3A_1272 = tpu.vector_load %arg9[%swap3A_1270, %swap3A_1271] {strides = array<i32>} : memref<2x1024xf32, #tpu.memory_space<vmem>>, vector<1x16xf32>,
    %swap3A_1273 = vector.shape_cast %swap3A_1272 : vector<1x16xf32> to vector<16xf32>
    %swap3A_1274 = vector.shape_cast %add3A_1268 : vector<16xf32> to vector<1x16xf32>
    tpu.vector_store %arg9[%swap3A_1270, %swap3A_1271], %swap3A_1274 {strides = array<i32>} : memref<2x1024xf32, #tpu.memory_space<vmem>>, vector<1x16xf32>,
    %get3A_1275 = arith.constant 0 : i32
    %get3A_1276 = arith.index_cast %get3A_1275 : i32 to index
    %get3A_1277 = arith.constant 928 : index
    %get3A_1278 = tpu.vector_load %arg9[%get3A_1276, %get3A_1277] {strides = array<i32>} : memref<2x1024xf32, #tpu.memory_space<vmem>>, vector<1x16xf32>,
    %get3A_1279 = vector.shape_cast %get3A_1278 : vector<1x16xf32> to vector<16xf32>
    %mul3A_1280 = arith.constant 3.200000e+01 : f32
    %mul3A_1281 = vector.broadcast %mul3A_1280 : f32 to vector<16xf32>
    %mul3A_1282 = arith.mulf %get3A_1279, %mul3A_1281 : vector<16xf32>
    %get3A_1283 = arith.constant 0 : i32
    %get3A_1284 = arith.index_cast %get3A_1283 : i32 to index
    %get3A_1285 = arith.constant 928 : index
    %get3A_1286 = tpu.vector_load %arg10[%get3A_1284, %get3A_1285] {strides = array<i32>} : memref<1x1024xf32, #tpu.memory_space<vmem>>, vector<1x16xf32>,
    %get3A_1287 = vector.shape_cast %get3A_1286 : vector<1x16xf32> to vector<16xf32>
    %mul3A_1288 = arith.mulf %bitcast_convert_type3A, %get3A_1287 : vector<16xf32>
    %add3A_1289 = arith.addf %mul3A_1282, %mul3A_1288 : vector<16xf32>
    %swap3A_1290 = arith.constant 0 : i32
    %swap3A_1291 = arith.index_cast %swap3A_1290 : i32 to index
    %swap3A_1292 = arith.constant 928 : index
    %swap3A_1293 = tpu.vector_load %arg9[%swap3A_1291, %swap3A_1292] {strides = array<i32>} : memref<2x1024xf32, #tpu.memory_space<vmem>>, vector<1x16xf32>,
    %swap3A_1294 = vector.shape_cast %swap3A_1293 : vector<1x16xf32> to vector<16xf32>
    %swap3A_1295 = vector.shape_cast %add3A_1289 : vector<16xf32> to vector<1x16xf32>
    tpu.vector_store %arg9[%swap3A_1291, %swap3A_1292], %swap3A_1295 {strides = array<i32>} : memref<2x1024xf32, #tpu.memory_space<vmem>>, vector<1x16xf32>,
    %get3A_1296 = arith.constant 0 : i32
    %get3A_1297 = arith.index_cast %get3A_1296 : i32 to index
    %get3A_1298 = arith.constant 944 : index
    %get3A_1299 = tpu.vector_load %arg9[%get3A_1297, %get3A_1298] {strides = array<i32>} : memref<2x1024xf32, #tpu.memory_space<vmem>>, vector<1x16xf32>,
    %get3A_1300 = vector.shape_cast %get3A_1299 : vector<1x16xf32> to vector<16xf32>
    %mul3A_1301 = arith.constant 3.200000e+01 : f32
    %mul3A_1302 = vector.broadcast %mul3A_1301 : f32 to vector<16xf32>
    %mul3A_1303 = arith.mulf %get3A_1300, %mul3A_1302 : vector<16xf32>
    %get3A_1304 = arith.constant 0 : i32
    %get3A_1305 = arith.index_cast %get3A_1304 : i32 to index
    %get3A_1306 = arith.constant 944 : index
    %get3A_1307 = tpu.vector_load %arg10[%get3A_1305, %get3A_1306] {strides = array<i32>} : memref<1x1024xf32, #tpu.memory_space<vmem>>, vector<1x16xf32>,
    %get3A_1308 = vector.shape_cast %get3A_1307 : vector<1x16xf32> to vector<16xf32>
    %mul3A_1309 = arith.mulf %bitcast_convert_type3A, %get3A_1308 : vector<16xf32>
    %add3A_1310 = arith.addf %mul3A_1303, %mul3A_1309 : vector<16xf32>
    %swap3A_1311 = arith.constant 0 : i32
    %swap3A_1312 = arith.index_cast %swap3A_1311 : i32 to index
    %swap3A_1313 = arith.constant 944 : index
    %swap3A_1314 = tpu.vector_load %arg9[%swap3A_1312, %swap3A_1313] {strides = array<i32>} : memref<2x1024xf32, #tpu.memory_space<vmem>>, vector<1x16xf32>,
    %swap3A_1315 = vector.shape_cast %swap3A_1314 : vector<1x16xf32> to vector<16xf32>
    %swap3A_1316 = vector.shape_cast %add3A_1310 : vector<16xf32> to vector<1x16xf32>
    tpu.vector_store %arg9[%swap3A_1312, %swap3A_1313], %swap3A_1316 {strides = array<i32>} : memref<2x1024xf32, #tpu.memory_space<vmem>>, vector<1x16xf32>,
    %get3A_1317 = arith.constant 0 : i32
    %get3A_1318 = arith.index_cast %get3A_1317 : i32 to index
    %get3A_1319 = arith.constant 960 : index
    %get3A_1320 = tpu.vector_load %arg9[%get3A_1318, %get3A_1319] {strides = array<i32>} : memref<2x1024xf32, #tpu.memory_space<vmem>>, vector<1x16xf32>,
    %get3A_1321 = vector.shape_cast %get3A_1320 : vector<1x16xf32> to vector<16xf32>
    %mul3A_1322 = arith.constant 3.200000e+01 : f32
    %mul3A_1323 = vector.broadcast %mul3A_1322 : f32 to vector<16xf32>
    %mul3A_1324 = arith.mulf %get3A_1321, %mul3A_1323 : vector<16xf32>
    %get3A_1325 = arith.constant 0 : i32
    %get3A_1326 = arith.index_cast %get3A_1325 : i32 to index
    %get3A_1327 = arith.constant 960 : index
    %get3A_1328 = tpu.vector_load %arg10[%get3A_1326, %get3A_1327] {strides = array<i32>} : memref<1x1024xf32, #tpu.memory_space<vmem>>, vector<1x16xf32>,
    %get3A_1329 = vector.shape_cast %get3A_1328 : vector<1x16xf32> to vector<16xf32>
    %mul3A_1330 = arith.mulf %bitcast_convert_type3A, %get3A_1329 : vector<16xf32>
    %add3A_1331 = arith.addf %mul3A_1324, %mul3A_1330 : vector<16xf32>
    %swap3A_1332 = arith.constant 0 : i32
    %swap3A_1333 = arith.index_cast %swap3A_1332 : i32 to index
    %swap3A_1334 = arith.constant 960 : index
    %swap3A_1335 = tpu.vector_load %arg9[%swap3A_1333, %swap3A_1334] {strides = array<i32>} : memref<2x1024xf32, #tpu.memory_space<vmem>>, vector<1x16xf32>,
    %swap3A_1336 = vector.shape_cast %swap3A_1335 : vector<1x16xf32> to vector<16xf32>
    %swap3A_1337 = vector.shape_cast %add3A_1331 : vector<16xf32> to vector<1x16xf32>
    tpu.vector_store %arg9[%swap3A_1333, %swap3A_1334], %swap3A_1337 {strides = array<i32>} : memref<2x1024xf32, #tpu.memory_space<vmem>>, vector<1x16xf32>,
    %get3A_1338 = arith.constant 0 : i32
    %get3A_1339 = arith.index_cast %get3A_1338 : i32 to index
    %get3A_1340 = arith.constant 976 : index
    %get3A_1341 = tpu.vector_load %arg9[%get3A_1339, %get3A_1340] {strides = array<i32>} : memref<2x1024xf32, #tpu.memory_space<vmem>>, vector<1x16xf32>,
    %get3A_1342 = vector.shape_cast %get3A_1341 : vector<1x16xf32> to vector<16xf32>
    %mul3A_1343 = arith.constant 3.200000e+01 : f32
    %mul3A_1344 = vector.broadcast %mul3A_1343 : f32 to vector<16xf32>
    %mul3A_1345 = arith.mulf %get3A_1342, %mul3A_1344 : vector<16xf32>
    %get3A_1346 = arith.constant 0 : i32
    %get3A_1347 = arith.index_cast %get3A_1346 : i32 to index
    %get3A_1348 = arith.constant 976 : index
    %get3A_1349 = tpu.vector_load %arg10[%get3A_1347, %get3A_1348] {strides = array<i32>} : memref<1x1024xf32, #tpu.memory_space<vmem>>, vector<1x16xf32>,
    %get3A_1350 = vector.shape_cast %get3A_1349 : vector<1x16xf32> to vector<16xf32>
    %mul3A_1351 = arith.mulf %bitcast_convert_type3A, %get3A_1350 : vector<16xf32>
    %add3A_1352 = arith.addf %mul3A_1345, %mul3A_1351 : vector<16xf32>
    %swap3A_1353 = arith.constant 0 : i32
    %swap3A_1354 = arith.index_cast %swap3A_1353 : i32 to index
    %swap3A_1355 = arith.constant 976 : index
    %swap3A_1356 = tpu.vector_load %arg9[%swap3A_1354, %swap3A_1355] {strides = array<i32>} : memref<2x1024xf32, #tpu.memory_space<vmem>>, vector<1x16xf32>,
    %swap3A_1357 = vector.shape_cast %swap3A_1356 : vector<1x16xf32> to vector<16xf32>
    %swap3A_1358 = vector.shape_cast %add3A_1352 : vector<16xf32> to vector<1x16xf32>
    tpu.vector_store %arg9[%swap3A_1354, %swap3A_1355], %swap3A_1358 {strides = array<i32>} : memref<2x1024xf32, #tpu.memory_space<vmem>>, vector<1x16xf32>,
    %get3A_1359 = arith.constant 0 : i32
    %get3A_1360 = arith.index_cast %get3A_1359 : i32 to index
    %get3A_1361 = arith.constant 992 : index
    %get3A_1362 = tpu.vector_load %arg9[%get3A_1360, %get3A_1361] {strides = array<i32>} : memref<2x1024xf32, #tpu.memory_space<vmem>>, vector<1x16xf32>,
    %get3A_1363 = vector.shape_cast %get3A_1362 : vector<1x16xf32> to vector<16xf32>
    %mul3A_1364 = arith.constant 3.200000e+01 : f32
    %mul3A_1365 = vector.broadcast %mul3A_1364 : f32 to vector<16xf32>
    %mul3A_1366 = arith.mulf %get3A_1363, %mul3A_1365 : vector<16xf32>
    %get3A_1367 = arith.constant 0 : i32
    %get3A_1368 = arith.index_cast %get3A_1367 : i32 to index
    %get3A_1369 = arith.constant 992 : index
    %get3A_1370 = tpu.vector_load %arg10[%get3A_1368, %get3A_1369] {strides = array<i32>} : memref<1x1024xf32, #tpu.memory_space<vmem>>, vector<1x16xf32>,
    %get3A_1371 = vector.shape_cast %get3A_1370 : vector<1x16xf32> to vector<16xf32>
    %mul3A_1372 = arith.mulf %bitcast_convert_type3A, %get3A_1371 : vector<16xf32>
    %add3A_1373 = arith.addf %mul3A_1366, %mul3A_1372 : vector<16xf32>
    %swap3A_1374 = arith.constant 0 : i32
    %swap3A_1375 = arith.index_cast %swap3A_1374 : i32 to index
    %swap3A_1376 = arith.constant 992 : index
    %swap3A_1377 = tpu.vector_load %arg9[%swap3A_1375, %swap3A_1376] {strides = array<i32>} : memref<2x1024xf32, #tpu.memory_space<vmem>>, vector<1x16xf32>,
    %swap3A_1378 = vector.shape_cast %swap3A_1377 : vector<1x16xf32> to vector<16xf32>
    %swap3A_1379 = vector.shape_cast %add3A_1373 : vector<16xf32> to vector<1x16xf32>
    tpu.vector_store %arg9[%swap3A_1375, %swap3A_1376], %swap3A_1379 {strides = array<i32>} : memref<2x1024xf32, #tpu.memory_space<vmem>>, vector<1x16xf32>,
    %get3A_1380 = arith.constant 0 : i32
    %get3A_1381 = arith.index_cast %get3A_1380 : i32 to index
    %get3A_1382 = arith.constant 1008 : index
    %get3A_1383 = tpu.vector_load %arg9[%get3A_1381, %get3A_1382] {strides = array<i32>} : memref<2x1024xf32, #tpu.memory_space<vmem>>, vector<1x16xf32>,
    %get3A_1384 = vector.shape_cast %get3A_1383 : vector<1x16xf32> to vector<16xf32>
    %mul3A_1385 = arith.constant 3.200000e+01 : f32
    %mul3A_1386 = vector.broadcast %mul3A_1385 : f32 to vector<16xf32>
    %mul3A_1387 = arith.mulf %get3A_1384, %mul3A_1386 : vector<16xf32>
    %get3A_1388 = arith.constant 0 : i32
    %get3A_1389 = arith.index_cast %get3A_1388 : i32 to index
    %get3A_1390 = arith.constant 1008 : index
    %get3A_1391 = tpu.vector_load %arg10[%get3A_1389, %get3A_1390] {strides = array<i32>} : memref<1x1024xf32, #tpu.memory_space<vmem>>, vector<1x16xf32>,
    %get3A_1392 = vector.shape_cast %get3A_1391 : vector<1x16xf32> to vector<16xf32>
    %mul3A_1393 = arith.mulf %bitcast_convert_type3A, %get3A_1392 : vector<16xf32>
    %add3A_1394 = arith.addf %mul3A_1387, %mul3A_1393 : vector<16xf32>
    %swap3A_1395 = arith.constant 0 : i32
    %swap3A_1396 = arith.index_cast %swap3A_1395 : i32 to index
    %swap3A_1397 = arith.constant 1008 : index
    %swap3A_1398 = tpu.vector_load %arg9[%swap3A_1396, %swap3A_1397] {strides = array<i32>} : memref<2x1024xf32, #tpu.memory_space<vmem>>, vector<1x16xf32>,
    %swap3A_1399 = vector.shape_cast %swap3A_1398 : vector<1x16xf32> to vector<16xf32>
    %swap3A_1400 = vector.shape_cast %add3A_1394 : vector<16xf32> to vector<1x16xf32>
    tpu.vector_store %arg9[%swap3A_1396, %swap3A_1397], %swap3A_1400 {strides = array<i32>} : memref<2x1024xf32, #tpu.memory_space<vmem>>, vector<1x16xf32>,
    %dma_wait3A_1401 = arith.constant 0 : i32
    %dma_wait3A_1402 = tpu.memref_slice %arg8[%dma_wait3A_1401] : memref<16xi32, #tpu.memory_space<vmem>> -> memref<1xi32, #tpu.memory_space<vmem>>
    %dma_wait3A_1403 = arith.constant 0 : i32
    %dma_wait3A_1404 = arith.constant 0 : i32
    %dma_wait3A_1405 = tpu.memref_slice %arg4[%dma_wait3A_1403, %dma_wait3A_1404] : memref<65536x1024xf32, #tpu.memory_space<hbm>> -> memref<65536x1024xf32, #tpu.memory_space<hbm>>
    tpu.wait_indirect_dma semaphore(%arg14 : memref<!tpu.dma_semaphore, #tpu.memory_space<semaphore_mem>>) src(%dma_wait3A_1405 : memref<65536x1024xf32, #tpu.memory_space<hbm>>) dst(%arg11 : memref<1x1024xf32, #tpu.memory_space<vmem>>)
    %get3A_1406 = arith.constant 1 : i32
    %get3A_1407 = arith.index_cast %get3A_1406 : i32 to index
    %get3A_1408 = arith.constant 0 : index
    %get3A_1409 = tpu.vector_load %arg9[%get3A_1407, %get3A_1408] {strides = array<i32>} : memref<2x1024xf32, #tpu.memory_space<vmem>>, vector<1x16xf32>,
    %get3A_1410 = vector.shape_cast %get3A_1409 : vector<1x16xf32> to vector<16xf32>
    %mul3A_1411 = arith.constant 3.200000e+01 : f32
    %mul3A_1412 = vector.broadcast %mul3A_1411 : f32 to vector<16xf32>
    %mul3A_1413 = arith.mulf %get3A_1410, %mul3A_1412 : vector<16xf32>
    %get3A_1414 = arith.constant 0 : i32
    %get3A_1415 = arith.index_cast %get3A_1414 : i32 to index
    %get3A_1416 = arith.constant 0 : index
    %get3A_1417 = tpu.vector_load %arg11[%get3A_1415, %get3A_1416] {strides = array<i32>} : memref<1x1024xf32, #tpu.memory_space<vmem>>, vector<1x16xf32>,
    %get3A_1418 = vector.shape_cast %get3A_1417 : vector<1x16xf32> to vector<16xf32>
    %mul3A_1419 = arith.mulf %bitcast_convert_type3A, %get3A_1418 : vector<16xf32>
    %add3A_1420 = arith.addf %mul3A_1413, %mul3A_1419 : vector<16xf32>
    %swap3A_1421 = arith.constant 1 : i32
    %swap3A_1422 = arith.index_cast %swap3A_1421 : i32 to index
    %swap3A_1423 = arith.constant 0 : index
    %swap3A_1424 = tpu.vector_load %arg9[%swap3A_1422, %swap3A_1423] {strides = array<i32>} : memref<2x1024xf32, #tpu.memory_space<vmem>>, vector<1x16xf32>,
    %swap3A_1425 = vector.shape_cast %swap3A_1424 : vector<1x16xf32> to vector<16xf32>
    %swap3A_1426 = vector.shape_cast %add3A_1420 : vector<16xf32> to vector<1x16xf32>
    tpu.vector_store %arg9[%swap3A_1422, %swap3A_1423], %swap3A_1426 {strides = array<i32>} : memref<2x1024xf32, #tpu.memory_space<vmem>>, vector<1x16xf32>,
    %get3A_1427 = arith.constant 1 : i32
    %get3A_1428 = arith.index_cast %get3A_1427 : i32 to index
    %get3A_1429 = arith.constant 16 : index
    %get3A_1430 = tpu.vector_load %arg9[%get3A_1428, %get3A_1429] {strides = array<i32>} : memref<2x1024xf32, #tpu.memory_space<vmem>>, vector<1x16xf32>,
    %get3A_1431 = vector.shape_cast %get3A_1430 : vector<1x16xf32> to vector<16xf32>
    %mul3A_1432 = arith.constant 3.200000e+01 : f32
    %mul3A_1433 = vector.broadcast %mul3A_1432 : f32 to vector<16xf32>
    %mul3A_1434 = arith.mulf %get3A_1431, %mul3A_1433 : vector<16xf32>
    %get3A_1435 = arith.constant 0 : i32
    %get3A_1436 = arith.index_cast %get3A_1435 : i32 to index
    %get3A_1437 = arith.constant 16 : index
    %get3A_1438 = tpu.vector_load %arg11[%get3A_1436, %get3A_1437] {strides = array<i32>} : memref<1x1024xf32, #tpu.memory_space<vmem>>, vector<1x16xf32>,
    %get3A_1439 = vector.shape_cast %get3A_1438 : vector<1x16xf32> to vector<16xf32>
    %mul3A_1440 = arith.mulf %bitcast_convert_type3A, %get3A_1439 : vector<16xf32>
    %add3A_1441 = arith.addf %mul3A_1434, %mul3A_1440 : vector<16xf32>
    %swap3A_1442 = arith.constant 1 : i32
    %swap3A_1443 = arith.index_cast %swap3A_1442 : i32 to index
    %swap3A_1444 = arith.constant 16 : index
    %swap3A_1445 = tpu.vector_load %arg9[%swap3A_1443, %swap3A_1444] {strides = array<i32>} : memref<2x1024xf32, #tpu.memory_space<vmem>>, vector<1x16xf32>,
    %swap3A_1446 = vector.shape_cast %swap3A_1445 : vector<1x16xf32> to vector<16xf32>
    %swap3A_1447 = vector.shape_cast %add3A_1441 : vector<16xf32> to vector<1x16xf32>
    tpu.vector_store %arg9[%swap3A_1443, %swap3A_1444], %swap3A_1447 {strides = array<i32>} : memref<2x1024xf32, #tpu.memory_space<vmem>>, vector<1x16xf32>,
    %get3A_1448 = arith.constant 1 : i32
    %get3A_1449 = arith.index_cast %get3A_1448 : i32 to index
    %get3A_1450 = arith.constant 32 : index
    %get3A_1451 = tpu.vector_load %arg9[%get3A_1449, %get3A_1450] {strides = array<i32>} : memref<2x1024xf32, #tpu.memory_space<vmem>>, vector<1x16xf32>,
    %get3A_1452 = vector.shape_cast %get3A_1451 : vector<1x16xf32> to vector<16xf32>
    %mul3A_1453 = arith.constant 3.200000e+01 : f32
    %mul3A_1454 = vector.broadcast %mul3A_1453 : f32 to vector<16xf32>
    %mul3A_1455 = arith.mulf %get3A_1452, %mul3A_1454 : vector<16xf32>
    %get3A_1456 = arith.constant 0 : i32
    %get3A_1457 = arith.index_cast %get3A_1456 : i32 to index
    %get3A_1458 = arith.constant 32 : index
    %get3A_1459 = tpu.vector_load %arg11[%get3A_1457, %get3A_1458] {strides = array<i32>} : memref<1x1024xf32, #tpu.memory_space<vmem>>, vector<1x16xf32>,
    %get3A_1460 = vector.shape_cast %get3A_1459 : vector<1x16xf32> to vector<16xf32>
    %mul3A_1461 = arith.mulf %bitcast_convert_type3A, %get3A_1460 : vector<16xf32>
    %add3A_1462 = arith.addf %mul3A_1455, %mul3A_1461 : vector<16xf32>
    %swap3A_1463 = arith.constant 1 : i32
    %swap3A_1464 = arith.index_cast %swap3A_1463 : i32 to index
    %swap3A_1465 = arith.constant 32 : index
    %swap3A_1466 = tpu.vector_load %arg9[%swap3A_1464, %swap3A_1465] {strides = array<i32>} : memref<2x1024xf32, #tpu.memory_space<vmem>>, vector<1x16xf32>,
    %swap3A_1467 = vector.shape_cast %swap3A_1466 : vector<1x16xf32> to vector<16xf32>
    %swap3A_1468 = vector.shape_cast %add3A_1462 : vector<16xf32> to vector<1x16xf32>
    tpu.vector_store %arg9[%swap3A_1464, %swap3A_1465], %swap3A_1468 {strides = array<i32>} : memref<2x1024xf32, #tpu.memory_space<vmem>>, vector<1x16xf32>,
    %get3A_1469 = arith.constant 1 : i32
    %get3A_1470 = arith.index_cast %get3A_1469 : i32 to index
    %get3A_1471 = arith.constant 48 : index
    %get3A_1472 = tpu.vector_load %arg9[%get3A_1470, %get3A_1471] {strides = array<i32>} : memref<2x1024xf32, #tpu.memory_space<vmem>>, vector<1x16xf32>,
    %get3A_1473 = vector.shape_cast %get3A_1472 : vector<1x16xf32> to vector<16xf32>
    %mul3A_1474 = arith.constant 3.200000e+01 : f32
    %mul3A_1475 = vector.broadcast %mul3A_1474 : f32 to vector<16xf32>
    %mul3A_1476 = arith.mulf %get3A_1473, %mul3A_1475 : vector<16xf32>
    %get3A_1477 = arith.constant 0 : i32
    %get3A_1478 = arith.index_cast %get3A_1477 : i32 to index
    %get3A_1479 = arith.constant 48 : index
    %get3A_1480 = tpu.vector_load %arg11[%get3A_1478, %get3A_1479] {strides = array<i32>} : memref<1x1024xf32, #tpu.memory_space<vmem>>, vector<1x16xf32>,
    %get3A_1481 = vector.shape_cast %get3A_1480 : vector<1x16xf32> to vector<16xf32>
    %mul3A_1482 = arith.mulf %bitcast_convert_type3A, %get3A_1481 : vector<16xf32>
    %add3A_1483 = arith.addf %mul3A_1476, %mul3A_1482 : vector<16xf32>
    %swap3A_1484 = arith.constant 1 : i32
    %swap3A_1485 = arith.index_cast %swap3A_1484 : i32 to index
    %swap3A_1486 = arith.constant 48 : index
    %swap3A_1487 = tpu.vector_load %arg9[%swap3A_1485, %swap3A_1486] {strides = array<i32>} : memref<2x1024xf32, #tpu.memory_space<vmem>>, vector<1x16xf32>,
    %swap3A_1488 = vector.shape_cast %swap3A_1487 : vector<1x16xf32> to vector<16xf32>
    %swap3A_1489 = vector.shape_cast %add3A_1483 : vector<16xf32> to vector<1x16xf32>
    tpu.vector_store %arg9[%swap3A_1485, %swap3A_1486], %swap3A_1489 {strides = array<i32>} : memref<2x1024xf32, #tpu.memory_space<vmem>>, vector<1x16xf32>,
    %get3A_1490 = arith.constant 1 : i32
    %get3A_1491 = arith.index_cast %get3A_1490 : i32 to index
    %get3A_1492 = arith.constant 64 : index
    %get3A_1493 = tpu.vector_load %arg9[%get3A_1491, %get3A_1492] {strides = array<i32>} : memref<2x1024xf32, #tpu.memory_space<vmem>>, vector<1x16xf32>,
    %get3A_1494 = vector.shape_cast %get3A_1493 : vector<1x16xf32> to vector<16xf32>
    %mul3A_1495 = arith.constant 3.200000e+01 : f32
    %mul3A_1496 = vector.broadcast %mul3A_1495 : f32 to vector<16xf32>
    %mul3A_1497 = arith.mulf %get3A_1494, %mul3A_1496 : vector<16xf32>
    %get3A_1498 = arith.constant 0 : i32
    %get3A_1499 = arith.index_cast %get3A_1498 : i32 to index
    %get3A_1500 = arith.constant 64 : index
    %get3A_1501 = tpu.vector_load %arg11[%get3A_1499, %get3A_1500] {strides = array<i32>} : memref<1x1024xf32, #tpu.memory_space<vmem>>, vector<1x16xf32>,
    %get3A_1502 = vector.shape_cast %get3A_1501 : vector<1x16xf32> to vector<16xf32>
    %mul3A_1503 = arith.mulf %bitcast_convert_type3A, %get3A_1502 : vector<16xf32>
    %add3A_1504 = arith.addf %mul3A_1497, %mul3A_1503 : vector<16xf32>
    %swap3A_1505 = arith.constant 1 : i32
    %swap3A_1506 = arith.index_cast %swap3A_1505 : i32 to index
    %swap3A_1507 = arith.constant 64 : index
    %swap3A_1508 = tpu.vector_load %arg9[%swap3A_1506, %swap3A_1507] {strides = array<i32>} : memref<2x1024xf32, #tpu.memory_space<vmem>>, vector<1x16xf32>,
    %swap3A_1509 = vector.shape_cast %swap3A_1508 : vector<1x16xf32> to vector<16xf32>
    %swap3A_1510 = vector.shape_cast %add3A_1504 : vector<16xf32> to vector<1x16xf32>
    tpu.vector_store %arg9[%swap3A_1506, %swap3A_1507], %swap3A_1510 {strides = array<i32>} : memref<2x1024xf32, #tpu.memory_space<vmem>>, vector<1x16xf32>,
    %get3A_1511 = arith.constant 1 : i32
    %get3A_1512 = arith.index_cast %get3A_1511 : i32 to index
    %get3A_1513 = arith.constant 80 : index
    %get3A_1514 = tpu.vector_load %arg9[%get3A_1512, %get3A_1513] {strides = array<i32>} : memref<2x1024xf32, #tpu.memory_space<vmem>>, vector<1x16xf32>,
    %get3A_1515 = vector.shape_cast %get3A_1514 : vector<1x16xf32> to vector<16xf32>
    %mul3A_1516 = arith.constant 3.200000e+01 : f32
    %mul3A_1517 = vector.broadcast %mul3A_1516 : f32 to vector<16xf32>
    %mul3A_1518 = arith.mulf %get3A_1515, %mul3A_1517 : vector<16xf32>
    %get3A_1519 = arith.constant 0 : i32
    %get3A_1520 = arith.index_cast %get3A_1519 : i32 to index
    %get3A_1521 = arith.constant 80 : index
    %get3A_1522 = tpu.vector_load %arg11[%get3A_1520, %get3A_1521] {strides = array<i32>} : memref<1x1024xf32, #tpu.memory_space<vmem>>, vector<1x16xf32>,
    %get3A_1523 = vector.shape_cast %get3A_1522 : vector<1x16xf32> to vector<16xf32>
    %mul3A_1524 = arith.mulf %bitcast_convert_type3A, %get3A_1523 : vector<16xf32>
    %add3A_1525 = arith.addf %mul3A_1518, %mul3A_1524 : vector<16xf32>
    %swap3A_1526 = arith.constant 1 : i32
    %swap3A_1527 = arith.index_cast %swap3A_1526 : i32 to index
    %swap3A_1528 = arith.constant 80 : index
    %swap3A_1529 = tpu.vector_load %arg9[%swap3A_1527, %swap3A_1528] {strides = array<i32>} : memref<2x1024xf32, #tpu.memory_space<vmem>>, vector<1x16xf32>,
    %swap3A_1530 = vector.shape_cast %swap3A_1529 : vector<1x16xf32> to vector<16xf32>
    %swap3A_1531 = vector.shape_cast %add3A_1525 : vector<16xf32> to vector<1x16xf32>
    tpu.vector_store %arg9[%swap3A_1527, %swap3A_1528], %swap3A_1531 {strides = array<i32>} : memref<2x1024xf32, #tpu.memory_space<vmem>>, vector<1x16xf32>,
    %get3A_1532 = arith.constant 1 : i32
    %get3A_1533 = arith.index_cast %get3A_1532 : i32 to index
    %get3A_1534 = arith.constant 96 : index
    %get3A_1535 = tpu.vector_load %arg9[%get3A_1533, %get3A_1534] {strides = array<i32>} : memref<2x1024xf32, #tpu.memory_space<vmem>>, vector<1x16xf32>,
    %get3A_1536 = vector.shape_cast %get3A_1535 : vector<1x16xf32> to vector<16xf32>
    %mul3A_1537 = arith.constant 3.200000e+01 : f32
    %mul3A_1538 = vector.broadcast %mul3A_1537 : f32 to vector<16xf32>
    %mul3A_1539 = arith.mulf %get3A_1536, %mul3A_1538 : vector<16xf32>
    %get3A_1540 = arith.constant 0 : i32
    %get3A_1541 = arith.index_cast %get3A_1540 : i32 to index
    %get3A_1542 = arith.constant 96 : index
    %get3A_1543 = tpu.vector_load %arg11[%get3A_1541, %get3A_1542] {strides = array<i32>} : memref<1x1024xf32, #tpu.memory_space<vmem>>, vector<1x16xf32>,
    %get3A_1544 = vector.shape_cast %get3A_1543 : vector<1x16xf32> to vector<16xf32>
    %mul3A_1545 = arith.mulf %bitcast_convert_type3A, %get3A_1544 : vector<16xf32>
    %add3A_1546 = arith.addf %mul3A_1539, %mul3A_1545 : vector<16xf32>
    %swap3A_1547 = arith.constant 1 : i32
    %swap3A_1548 = arith.index_cast %swap3A_1547 : i32 to index
    %swap3A_1549 = arith.constant 96 : index
    %swap3A_1550 = tpu.vector_load %arg9[%swap3A_1548, %swap3A_1549] {strides = array<i32>} : memref<2x1024xf32, #tpu.memory_space<vmem>>, vector<1x16xf32>,
    %swap3A_1551 = vector.shape_cast %swap3A_1550 : vector<1x16xf32> to vector<16xf32>
    %swap3A_1552 = vector.shape_cast %add3A_1546 : vector<16xf32> to vector<1x16xf32>
    tpu.vector_store %arg9[%swap3A_1548, %swap3A_1549], %swap3A_1552 {strides = array<i32>} : memref<2x1024xf32, #tpu.memory_space<vmem>>, vector<1x16xf32>,
    %get3A_1553 = arith.constant 1 : i32
    %get3A_1554 = arith.index_cast %get3A_1553 : i32 to index
    %get3A_1555 = arith.constant 112 : index
    %get3A_1556 = tpu.vector_load %arg9[%get3A_1554, %get3A_1555] {strides = array<i32>} : memref<2x1024xf32, #tpu.memory_space<vmem>>, vector<1x16xf32>,
    %get3A_1557 = vector.shape_cast %get3A_1556 : vector<1x16xf32> to vector<16xf32>
    %mul3A_1558 = arith.constant 3.200000e+01 : f32
    %mul3A_1559 = vector.broadcast %mul3A_1558 : f32 to vector<16xf32>
    %mul3A_1560 = arith.mulf %get3A_1557, %mul3A_1559 : vector<16xf32>
    %get3A_1561 = arith.constant 0 : i32
    %get3A_1562 = arith.index_cast %get3A_1561 : i32 to index
    %get3A_1563 = arith.constant 112 : index
    %get3A_1564 = tpu.vector_load %arg11[%get3A_1562, %get3A_1563] {strides = array<i32>} : memref<1x1024xf32, #tpu.memory_space<vmem>>, vector<1x16xf32>,
    %get3A_1565 = vector.shape_cast %get3A_1564 : vector<1x16xf32> to vector<16xf32>
    %mul3A_1566 = arith.mulf %bitcast_convert_type3A, %get3A_1565 : vector<16xf32>
    %add3A_1567 = arith.addf %mul3A_1560, %mul3A_1566 : vector<16xf32>
    %swap3A_1568 = arith.constant 1 : i32
    %swap3A_1569 = arith.index_cast %swap3A_1568 : i32 to index
    %swap3A_1570 = arith.constant 112 : index
    %swap3A_1571 = tpu.vector_load %arg9[%swap3A_1569, %swap3A_1570] {strides = array<i32>} : memref<2x1024xf32, #tpu.memory_space<vmem>>, vector<1x16xf32>,
    %swap3A_1572 = vector.shape_cast %swap3A_1571 : vector<1x16xf32> to vector<16xf32>
    %swap3A_1573 = vector.shape_cast %add3A_1567 : vector<16xf32> to vector<1x16xf32>
    tpu.vector_store %arg9[%swap3A_1569, %swap3A_1570], %swap3A_1573 {strides = array<i32>} : memref<2x1024xf32, #tpu.memory_space<vmem>>, vector<1x16xf32>,
    %get3A_1574 = arith.constant 1 : i32
    %get3A_1575 = arith.index_cast %get3A_1574 : i32 to index
    %get3A_1576 = arith.constant 128 : index
    %get3A_1577 = tpu.vector_load %arg9[%get3A_1575, %get3A_1576] {strides = array<i32>} : memref<2x1024xf32, #tpu.memory_space<vmem>>, vector<1x16xf32>,
    %get3A_1578 = vector.shape_cast %get3A_1577 : vector<1x16xf32> to vector<16xf32>
    %mul3A_1579 = arith.constant 3.200000e+01 : f32
    %mul3A_1580 = vector.broadcast %mul3A_1579 : f32 to vector<16xf32>
    %mul3A_1581 = arith.mulf %get3A_1578, %mul3A_1580 : vector<16xf32>
    %get3A_1582 = arith.constant 0 : i32
    %get3A_1583 = arith.index_cast %get3A_1582 : i32 to index
    %get3A_1584 = arith.constant 128 : index
    %get3A_1585 = tpu.vector_load %arg11[%get3A_1583, %get3A_1584] {strides = array<i32>} : memref<1x1024xf32, #tpu.memory_space<vmem>>, vector<1x16xf32>,
    %get3A_1586 = vector.shape_cast %get3A_1585 : vector<1x16xf32> to vector<16xf32>
    %mul3A_1587 = arith.mulf %bitcast_convert_type3A, %get3A_1586 : vector<16xf32>
    %add3A_1588 = arith.addf %mul3A_1581, %mul3A_1587 : vector<16xf32>
    %swap3A_1589 = arith.constant 1 : i32
    %swap3A_1590 = arith.index_cast %swap3A_1589 : i32 to index
    %swap3A_1591 = arith.constant 128 : index
    %swap3A_1592 = tpu.vector_load %arg9[%swap3A_1590, %swap3A_1591] {strides = array<i32>} : memref<2x1024xf32, #tpu.memory_space<vmem>>, vector<1x16xf32>,
    %swap3A_1593 = vector.shape_cast %swap3A_1592 : vector<1x16xf32> to vector<16xf32>
    %swap3A_1594 = vector.shape_cast %add3A_1588 : vector<16xf32> to vector<1x16xf32>
    tpu.vector_store %arg9[%swap3A_1590, %swap3A_1591], %swap3A_1594 {strides = array<i32>} : memref<2x1024xf32, #tpu.memory_space<vmem>>, vector<1x16xf32>,
    %get3A_1595 = arith.constant 1 : i32
    %get3A_1596 = arith.index_cast %get3A_1595 : i32 to index
    %get3A_1597 = arith.constant 144 : index
    %get3A_1598 = tpu.vector_load %arg9[%get3A_1596, %get3A_1597] {strides = array<i32>} : memref<2x1024xf32, #tpu.memory_space<vmem>>, vector<1x16xf32>,
    %get3A_1599 = vector.shape_cast %get3A_1598 : vector<1x16xf32> to vector<16xf32>
    %mul3A_1600 = arith.constant 3.200000e+01 : f32
    %mul3A_1601 = vector.broadcast %mul3A_1600 : f32 to vector<16xf32>
    %mul3A_1602 = arith.mulf %get3A_1599, %mul3A_1601 : vector<16xf32>
    %get3A_1603 = arith.constant 0 : i32
    %get3A_1604 = arith.index_cast %get3A_1603 : i32 to index
    %get3A_1605 = arith.constant 144 : index
    %get3A_1606 = tpu.vector_load %arg11[%get3A_1604, %get3A_1605] {strides = array<i32>} : memref<1x1024xf32, #tpu.memory_space<vmem>>, vector<1x16xf32>,
    %get3A_1607 = vector.shape_cast %get3A_1606 : vector<1x16xf32> to vector<16xf32>
    %mul3A_1608 = arith.mulf %bitcast_convert_type3A, %get3A_1607 : vector<16xf32>
    %add3A_1609 = arith.addf %mul3A_1602, %mul3A_1608 : vector<16xf32>
    %swap3A_1610 = arith.constant 1 : i32
    %swap3A_1611 = arith.index_cast %swap3A_1610 : i32 to index
    %swap3A_1612 = arith.constant 144 : index
    %swap3A_1613 = tpu.vector_load %arg9[%swap3A_1611, %swap3A_1612] {strides = array<i32>} : memref<2x1024xf32, #tpu.memory_space<vmem>>, vector<1x16xf32>,
    %swap3A_1614 = vector.shape_cast %swap3A_1613 : vector<1x16xf32> to vector<16xf32>
    %swap3A_1615 = vector.shape_cast %add3A_1609 : vector<16xf32> to vector<1x16xf32>
    tpu.vector_store %arg9[%swap3A_1611, %swap3A_1612], %swap3A_1615 {strides = array<i32>} : memref<2x1024xf32, #tpu.memory_space<vmem>>, vector<1x16xf32>,
    %get3A_1616 = arith.constant 1 : i32
    %get3A_1617 = arith.index_cast %get3A_1616 : i32 to index
    %get3A_1618 = arith.constant 160 : index
    %get3A_1619 = tpu.vector_load %arg9[%get3A_1617, %get3A_1618] {strides = array<i32>} : memref<2x1024xf32, #tpu.memory_space<vmem>>, vector<1x16xf32>,
    %get3A_1620 = vector.shape_cast %get3A_1619 : vector<1x16xf32> to vector<16xf32>
    %mul3A_1621 = arith.constant 3.200000e+01 : f32
    %mul3A_1622 = vector.broadcast %mul3A_1621 : f32 to vector<16xf32>
    %mul3A_1623 = arith.mulf %get3A_1620, %mul3A_1622 : vector<16xf32>
    %get3A_1624 = arith.constant 0 : i32
    %get3A_1625 = arith.index_cast %get3A_1624 : i32 to index
    %get3A_1626 = arith.constant 160 : index
    %get3A_1627 = tpu.vector_load %arg11[%get3A_1625, %get3A_1626] {strides = array<i32>} : memref<1x1024xf32, #tpu.memory_space<vmem>>, vector<1x16xf32>,
    %get3A_1628 = vector.shape_cast %get3A_1627 : vector<1x16xf32> to vector<16xf32>
    %mul3A_1629 = arith.mulf %bitcast_convert_type3A, %get3A_1628 : vector<16xf32>
    %add3A_1630 = arith.addf %mul3A_1623, %mul3A_1629 : vector<16xf32>
    %swap3A_1631 = arith.constant 1 : i32
    %swap3A_1632 = arith.index_cast %swap3A_1631 : i32 to index
    %swap3A_1633 = arith.constant 160 : index
    %swap3A_1634 = tpu.vector_load %arg9[%swap3A_1632, %swap3A_1633] {strides = array<i32>} : memref<2x1024xf32, #tpu.memory_space<vmem>>, vector<1x16xf32>,
    %swap3A_1635 = vector.shape_cast %swap3A_1634 : vector<1x16xf32> to vector<16xf32>
    %swap3A_1636 = vector.shape_cast %add3A_1630 : vector<16xf32> to vector<1x16xf32>
    tpu.vector_store %arg9[%swap3A_1632, %swap3A_1633], %swap3A_1636 {strides = array<i32>} : memref<2x1024xf32, #tpu.memory_space<vmem>>, vector<1x16xf32>,
    %get3A_1637 = arith.constant 1 : i32
    %get3A_1638 = arith.index_cast %get3A_1637 : i32 to index
    %get3A_1639 = arith.constant 176 : index
    %get3A_1640 = tpu.vector_load %arg9[%get3A_1638, %get3A_1639] {strides = array<i32>} : memref<2x1024xf32, #tpu.memory_space<vmem>>, vector<1x16xf32>,
    %get3A_1641 = vector.shape_cast %get3A_1640 : vector<1x16xf32> to vector<16xf32>
    %mul3A_1642 = arith.constant 3.200000e+01 : f32
    %mul3A_1643 = vector.broadcast %mul3A_1642 : f32 to vector<16xf32>
    %mul3A_1644 = arith.mulf %get3A_1641, %mul3A_1643 : vector<16xf32>
    %get3A_1645 = arith.constant 0 : i32
    %get3A_1646 = arith.index_cast %get3A_1645 : i32 to index
    %get3A_1647 = arith.constant 176 : index
    %get3A_1648 = tpu.vector_load %arg11[%get3A_1646, %get3A_1647] {strides = array<i32>} : memref<1x1024xf32, #tpu.memory_space<vmem>>, vector<1x16xf32>,
    %get3A_1649 = vector.shape_cast %get3A_1648 : vector<1x16xf32> to vector<16xf32>
    %mul3A_1650 = arith.mulf %bitcast_convert_type3A, %get3A_1649 : vector<16xf32>
    %add3A_1651 = arith.addf %mul3A_1644, %mul3A_1650 : vector<16xf32>
    %swap3A_1652 = arith.constant 1 : i32
    %swap3A_1653 = arith.index_cast %swap3A_1652 : i32 to index
    %swap3A_1654 = arith.constant 176 : index
    %swap3A_1655 = tpu.vector_load %arg9[%swap3A_1653, %swap3A_1654] {strides = array<i32>} : memref<2x1024xf32, #tpu.memory_space<vmem>>, vector<1x16xf32>,
    %swap3A_1656 = vector.shape_cast %swap3A_1655 : vector<1x16xf32> to vector<16xf32>
    %swap3A_1657 = vector.shape_cast %add3A_1651 : vector<16xf32> to vector<1x16xf32>
    tpu.vector_store %arg9[%swap3A_1653, %swap3A_1654], %swap3A_1657 {strides = array<i32>} : memref<2x1024xf32, #tpu.memory_space<vmem>>, vector<1x16xf32>,
    %get3A_1658 = arith.constant 1 : i32
    %get3A_1659 = arith.index_cast %get3A_1658 : i32 to index
    %get3A_1660 = arith.constant 192 : index
    %get3A_1661 = tpu.vector_load %arg9[%get3A_1659, %get3A_1660] {strides = array<i32>} : memref<2x1024xf32, #tpu.memory_space<vmem>>, vector<1x16xf32>,
    %get3A_1662 = vector.shape_cast %get3A_1661 : vector<1x16xf32> to vector<16xf32>
    %mul3A_1663 = arith.constant 3.200000e+01 : f32
    %mul3A_1664 = vector.broadcast %mul3A_1663 : f32 to vector<16xf32>
    %mul3A_1665 = arith.mulf %get3A_1662, %mul3A_1664 : vector<16xf32>
    %get3A_1666 = arith.constant 0 : i32
    %get3A_1667 = arith.index_cast %get3A_1666 : i32 to index
    %get3A_1668 = arith.constant 192 : index
    %get3A_1669 = tpu.vector_load %arg11[%get3A_1667, %get3A_1668] {strides = array<i32>} : memref<1x1024xf32, #tpu.memory_space<vmem>>, vector<1x16xf32>,
    %get3A_1670 = vector.shape_cast %get3A_1669 : vector<1x16xf32> to vector<16xf32>
    %mul3A_1671 = arith.mulf %bitcast_convert_type3A, %get3A_1670 : vector<16xf32>
    %add3A_1672 = arith.addf %mul3A_1665, %mul3A_1671 : vector<16xf32>
    %swap3A_1673 = arith.constant 1 : i32
    %swap3A_1674 = arith.index_cast %swap3A_1673 : i32 to index
    %swap3A_1675 = arith.constant 192 : index
    %swap3A_1676 = tpu.vector_load %arg9[%swap3A_1674, %swap3A_1675] {strides = array<i32>} : memref<2x1024xf32, #tpu.memory_space<vmem>>, vector<1x16xf32>,
    %swap3A_1677 = vector.shape_cast %swap3A_1676 : vector<1x16xf32> to vector<16xf32>
    %swap3A_1678 = vector.shape_cast %add3A_1672 : vector<16xf32> to vector<1x16xf32>
    tpu.vector_store %arg9[%swap3A_1674, %swap3A_1675], %swap3A_1678 {strides = array<i32>} : memref<2x1024xf32, #tpu.memory_space<vmem>>, vector<1x16xf32>,
    %get3A_1679 = arith.constant 1 : i32
    %get3A_1680 = arith.index_cast %get3A_1679 : i32 to index
    %get3A_1681 = arith.constant 208 : index
    %get3A_1682 = tpu.vector_load %arg9[%get3A_1680, %get3A_1681] {strides = array<i32>} : memref<2x1024xf32, #tpu.memory_space<vmem>>, vector<1x16xf32>,
    %get3A_1683 = vector.shape_cast %get3A_1682 : vector<1x16xf32> to vector<16xf32>
    %mul3A_1684 = arith.constant 3.200000e+01 : f32
    %mul3A_1685 = vector.broadcast %mul3A_1684 : f32 to vector<16xf32>
    %mul3A_1686 = arith.mulf %get3A_1683, %mul3A_1685 : vector<16xf32>
    %get3A_1687 = arith.constant 0 : i32
    %get3A_1688 = arith.index_cast %get3A_1687 : i32 to index
    %get3A_1689 = arith.constant 208 : index
    %get3A_1690 = tpu.vector_load %arg11[%get3A_1688, %get3A_1689] {strides = array<i32>} : memref<1x1024xf32, #tpu.memory_space<vmem>>, vector<1x16xf32>,
    %get3A_1691 = vector.shape_cast %get3A_1690 : vector<1x16xf32> to vector<16xf32>
    %mul3A_1692 = arith.mulf %bitcast_convert_type3A, %get3A_1691 : vector<16xf32>
    %add3A_1693 = arith.addf %mul3A_1686, %mul3A_1692 : vector<16xf32>
    %swap3A_1694 = arith.constant 1 : i32
    %swap3A_1695 = arith.index_cast %swap3A_1694 : i32 to index
    %swap3A_1696 = arith.constant 208 : index
    %swap3A_1697 = tpu.vector_load %arg9[%swap3A_1695, %swap3A_1696] {strides = array<i32>} : memref<2x1024xf32, #tpu.memory_space<vmem>>, vector<1x16xf32>,
    %swap3A_1698 = vector.shape_cast %swap3A_1697 : vector<1x16xf32> to vector<16xf32>
    %swap3A_1699 = vector.shape_cast %add3A_1693 : vector<16xf32> to vector<1x16xf32>
    tpu.vector_store %arg9[%swap3A_1695, %swap3A_1696], %swap3A_1699 {strides = array<i32>} : memref<2x1024xf32, #tpu.memory_space<vmem>>, vector<1x16xf32>,
    %get3A_1700 = arith.constant 1 : i32
    %get3A_1701 = arith.index_cast %get3A_1700 : i32 to index
    %get3A_1702 = arith.constant 224 : index
    %get3A_1703 = tpu.vector_load %arg9[%get3A_1701, %get3A_1702] {strides = array<i32>} : memref<2x1024xf32, #tpu.memory_space<vmem>>, vector<1x16xf32>,
    %get3A_1704 = vector.shape_cast %get3A_1703 : vector<1x16xf32> to vector<16xf32>
    %mul3A_1705 = arith.constant 3.200000e+01 : f32
    %mul3A_1706 = vector.broadcast %mul3A_1705 : f32 to vector<16xf32>
    %mul3A_1707 = arith.mulf %get3A_1704, %mul3A_1706 : vector<16xf32>
    %get3A_1708 = arith.constant 0 : i32
    %get3A_1709 = arith.index_cast %get3A_1708 : i32 to index
    %get3A_1710 = arith.constant 224 : index
    %get3A_1711 = tpu.vector_load %arg11[%get3A_1709, %get3A_1710] {strides = array<i32>} : memref<1x1024xf32, #tpu.memory_space<vmem>>, vector<1x16xf32>,
    %get3A_1712 = vector.shape_cast %get3A_1711 : vector<1x16xf32> to vector<16xf32>
    %mul3A_1713 = arith.mulf %bitcast_convert_type3A, %get3A_1712 : vector<16xf32>
    %add3A_1714 = arith.addf %mul3A_1707, %mul3A_1713 : vector<16xf32>
    %swap3A_1715 = arith.constant 1 : i32
    %swap3A_1716 = arith.index_cast %swap3A_1715 : i32 to index
    %swap3A_1717 = arith.constant 224 : index
    %swap3A_1718 = tpu.vector_load %arg9[%swap3A_1716, %swap3A_1717] {strides = array<i32>} : memref<2x1024xf32, #tpu.memory_space<vmem>>, vector<1x16xf32>,
    %swap3A_1719 = vector.shape_cast %swap3A_1718 : vector<1x16xf32> to vector<16xf32>
    %swap3A_1720 = vector.shape_cast %add3A_1714 : vector<16xf32> to vector<1x16xf32>
    tpu.vector_store %arg9[%swap3A_1716, %swap3A_1717], %swap3A_1720 {strides = array<i32>} : memref<2x1024xf32, #tpu.memory_space<vmem>>, vector<1x16xf32>,
    %get3A_1721 = arith.constant 1 : i32
    %get3A_1722 = arith.index_cast %get3A_1721 : i32 to index
    %get3A_1723 = arith.constant 240 : index
    %get3A_1724 = tpu.vector_load %arg9[%get3A_1722, %get3A_1723] {strides = array<i32>} : memref<2x1024xf32, #tpu.memory_space<vmem>>, vector<1x16xf32>,
    %get3A_1725 = vector.shape_cast %get3A_1724 : vector<1x16xf32> to vector<16xf32>
    %mul3A_1726 = arith.constant 3.200000e+01 : f32
    %mul3A_1727 = vector.broadcast %mul3A_1726 : f32 to vector<16xf32>
    %mul3A_1728 = arith.mulf %get3A_1725, %mul3A_1727 : vector<16xf32>
    %get3A_1729 = arith.constant 0 : i32
    %get3A_1730 = arith.index_cast %get3A_1729 : i32 to index
    %get3A_1731 = arith.constant 240 : index
    %get3A_1732 = tpu.vector_load %arg11[%get3A_1730, %get3A_1731] {strides = array<i32>} : memref<1x1024xf32, #tpu.memory_space<vmem>>, vector<1x16xf32>,
    %get3A_1733 = vector.shape_cast %get3A_1732 : vector<1x16xf32> to vector<16xf32>
    %mul3A_1734 = arith.mulf %bitcast_convert_type3A, %get3A_1733 : vector<16xf32>
    %add3A_1735 = arith.addf %mul3A_1728, %mul3A_1734 : vector<16xf32>
    %swap3A_1736 = arith.constant 1 : i32
    %swap3A_1737 = arith.index_cast %swap3A_1736 : i32 to index
    %swap3A_1738 = arith.constant 240 : index
    %swap3A_1739 = tpu.vector_load %arg9[%swap3A_1737, %swap3A_1738] {strides = array<i32>} : memref<2x1024xf32, #tpu.memory_space<vmem>>, vector<1x16xf32>,
    %swap3A_1740 = vector.shape_cast %swap3A_1739 : vector<1x16xf32> to vector<16xf32>
    %swap3A_1741 = vector.shape_cast %add3A_1735 : vector<16xf32> to vector<1x16xf32>
    tpu.vector_store %arg9[%swap3A_1737, %swap3A_1738], %swap3A_1741 {strides = array<i32>} : memref<2x1024xf32, #tpu.memory_space<vmem>>, vector<1x16xf32>,
    %get3A_1742 = arith.constant 1 : i32
    %get3A_1743 = arith.index_cast %get3A_1742 : i32 to index
    %get3A_1744 = arith.constant 256 : index
    %get3A_1745 = tpu.vector_load %arg9[%get3A_1743, %get3A_1744] {strides = array<i32>} : memref<2x1024xf32, #tpu.memory_space<vmem>>, vector<1x16xf32>,
    %get3A_1746 = vector.shape_cast %get3A_1745 : vector<1x16xf32> to vector<16xf32>
    %mul3A_1747 = arith.constant 3.200000e+01 : f32
    %mul3A_1748 = vector.broadcast %mul3A_1747 : f32 to vector<16xf32>
    %mul3A_1749 = arith.mulf %get3A_1746, %mul3A_1748 : vector<16xf32>
    %get3A_1750 = arith.constant 0 : i32
    %get3A_1751 = arith.index_cast %get3A_1750 : i32 to index
    %get3A_1752 = arith.constant 256 : index
    %get3A_1753 = tpu.vector_load %arg11[%get3A_1751, %get3A_1752] {strides = array<i32>} : memref<1x1024xf32, #tpu.memory_space<vmem>>, vector<1x16xf32>,
    %get3A_1754 = vector.shape_cast %get3A_1753 : vector<1x16xf32> to vector<16xf32>
    %mul3A_1755 = arith.mulf %bitcast_convert_type3A, %get3A_1754 : vector<16xf32>
    %add3A_1756 = arith.addf %mul3A_1749, %mul3A_1755 : vector<16xf32>
    %swap3A_1757 = arith.constant 1 : i32
    %swap3A_1758 = arith.index_cast %swap3A_1757 : i32 to index
    %swap3A_1759 = arith.constant 256 : index
    %swap3A_1760 = tpu.vector_load %arg9[%swap3A_1758, %swap3A_1759] {strides = array<i32>} : memref<2x1024xf32, #tpu.memory_space<vmem>>, vector<1x16xf32>,
    %swap3A_1761 = vector.shape_cast %swap3A_1760 : vector<1x16xf32> to vector<16xf32>
    %swap3A_1762 = vector.shape_cast %add3A_1756 : vector<16xf32> to vector<1x16xf32>
    tpu.vector_store %arg9[%swap3A_1758, %swap3A_1759], %swap3A_1762 {strides = array<i32>} : memref<2x1024xf32, #tpu.memory_space<vmem>>, vector<1x16xf32>,
    %get3A_1763 = arith.constant 1 : i32
    %get3A_1764 = arith.index_cast %get3A_1763 : i32 to index
    %get3A_1765 = arith.constant 272 : index
    %get3A_1766 = tpu.vector_load %arg9[%get3A_1764, %get3A_1765] {strides = array<i32>} : memref<2x1024xf32, #tpu.memory_space<vmem>>, vector<1x16xf32>,
    %get3A_1767 = vector.shape_cast %get3A_1766 : vector<1x16xf32> to vector<16xf32>
    %mul3A_1768 = arith.constant 3.200000e+01 : f32
    %mul3A_1769 = vector.broadcast %mul3A_1768 : f32 to vector<16xf32>
    %mul3A_1770 = arith.mulf %get3A_1767, %mul3A_1769 : vector<16xf32>
    %get3A_1771 = arith.constant 0 : i32
    %get3A_1772 = arith.index_cast %get3A_1771 : i32 to index
    %get3A_1773 = arith.constant 272 : index
    %get3A_1774 = tpu.vector_load %arg11[%get3A_1772, %get3A_1773] {strides = array<i32>} : memref<1x1024xf32, #tpu.memory_space<vmem>>, vector<1x16xf32>,
    %get3A_1775 = vector.shape_cast %get3A_1774 : vector<1x16xf32> to vector<16xf32>
    %mul3A_1776 = arith.mulf %bitcast_convert_type3A, %get3A_1775 : vector<16xf32>
    %add3A_1777 = arith.addf %mul3A_1770, %mul3A_1776 : vector<16xf32>
    %swap3A_1778 = arith.constant 1 : i32
    %swap3A_1779 = arith.index_cast %swap3A_1778 : i32 to index
    %swap3A_1780 = arith.constant 272 : index
    %swap3A_1781 = tpu.vector_load %arg9[%swap3A_1779, %swap3A_1780] {strides = array<i32>} : memref<2x1024xf32, #tpu.memory_space<vmem>>, vector<1x16xf32>,
    %swap3A_1782 = vector.shape_cast %swap3A_1781 : vector<1x16xf32> to vector<16xf32>
    %swap3A_1783 = vector.shape_cast %add3A_1777 : vector<16xf32> to vector<1x16xf32>
    tpu.vector_store %arg9[%swap3A_1779, %swap3A_1780], %swap3A_1783 {strides = array<i32>} : memref<2x1024xf32, #tpu.memory_space<vmem>>, vector<1x16xf32>,
    %get3A_1784 = arith.constant 1 : i32
    %get3A_1785 = arith.index_cast %get3A_1784 : i32 to index
    %get3A_1786 = arith.constant 288 : index
    %get3A_1787 = tpu.vector_load %arg9[%get3A_1785, %get3A_1786] {strides = array<i32>} : memref<2x1024xf32, #tpu.memory_space<vmem>>, vector<1x16xf32>,
    %get3A_1788 = vector.shape_cast %get3A_1787 : vector<1x16xf32> to vector<16xf32>
    %mul3A_1789 = arith.constant 3.200000e+01 : f32
    %mul3A_1790 = vector.broadcast %mul3A_1789 : f32 to vector<16xf32>
    %mul3A_1791 = arith.mulf %get3A_1788, %mul3A_1790 : vector<16xf32>
    %get3A_1792 = arith.constant 0 : i32
    %get3A_1793 = arith.index_cast %get3A_1792 : i32 to index
    %get3A_1794 = arith.constant 288 : index
    %get3A_1795 = tpu.vector_load %arg11[%get3A_1793, %get3A_1794] {strides = array<i32>} : memref<1x1024xf32, #tpu.memory_space<vmem>>, vector<1x16xf32>,
    %get3A_1796 = vector.shape_cast %get3A_1795 : vector<1x16xf32> to vector<16xf32>
    %mul3A_1797 = arith.mulf %bitcast_convert_type3A, %get3A_1796 : vector<16xf32>
    %add3A_1798 = arith.addf %mul3A_1791, %mul3A_1797 : vector<16xf32>
    %swap3A_1799 = arith.constant 1 : i32
    %swap3A_1800 = arith.index_cast %swap3A_1799 : i32 to index
    %swap3A_1801 = arith.constant 288 : index
    %swap3A_1802 = tpu.vector_load %arg9[%swap3A_1800, %swap3A_1801] {strides = array<i32>} : memref<2x1024xf32, #tpu.memory_space<vmem>>, vector<1x16xf32>,
    %swap3A_1803 = vector.shape_cast %swap3A_1802 : vector<1x16xf32> to vector<16xf32>
    %swap3A_1804 = vector.shape_cast %add3A_1798 : vector<16xf32> to vector<1x16xf32>
    tpu.vector_store %arg9[%swap3A_1800, %swap3A_1801], %swap3A_1804 {strides = array<i32>} : memref<2x1024xf32, #tpu.memory_space<vmem>>, vector<1x16xf32>,
    %get3A_1805 = arith.constant 1 : i32
    %get3A_1806 = arith.index_cast %get3A_1805 : i32 to index
    %get3A_1807 = arith.constant 304 : index
    %get3A_1808 = tpu.vector_load %arg9[%get3A_1806, %get3A_1807] {strides = array<i32>} : memref<2x1024xf32, #tpu.memory_space<vmem>>, vector<1x16xf32>,
    %get3A_1809 = vector.shape_cast %get3A_1808 : vector<1x16xf32> to vector<16xf32>
    %mul3A_1810 = arith.constant 3.200000e+01 : f32
    %mul3A_1811 = vector.broadcast %mul3A_1810 : f32 to vector<16xf32>
    %mul3A_1812 = arith.mulf %get3A_1809, %mul3A_1811 : vector<16xf32>
    %get3A_1813 = arith.constant 0 : i32
    %get3A_1814 = arith.index_cast %get3A_1813 : i32 to index
    %get3A_1815 = arith.constant 304 : index
    %get3A_1816 = tpu.vector_load %arg11[%get3A_1814, %get3A_1815] {strides = array<i32>} : memref<1x1024xf32, #tpu.memory_space<vmem>>, vector<1x16xf32>,
    %get3A_1817 = vector.shape_cast %get3A_1816 : vector<1x16xf32> to vector<16xf32>
    %mul3A_1818 = arith.mulf %bitcast_convert_type3A, %get3A_1817 : vector<16xf32>
    %add3A_1819 = arith.addf %mul3A_1812, %mul3A_1818 : vector<16xf32>
    %swap3A_1820 = arith.constant 1 : i32
    %swap3A_1821 = arith.index_cast %swap3A_1820 : i32 to index
    %swap3A_1822 = arith.constant 304 : index
    %swap3A_1823 = tpu.vector_load %arg9[%swap3A_1821, %swap3A_1822] {strides = array<i32>} : memref<2x1024xf32, #tpu.memory_space<vmem>>, vector<1x16xf32>,
    %swap3A_1824 = vector.shape_cast %swap3A_1823 : vector<1x16xf32> to vector<16xf32>
    %swap3A_1825 = vector.shape_cast %add3A_1819 : vector<16xf32> to vector<1x16xf32>
    tpu.vector_store %arg9[%swap3A_1821, %swap3A_1822], %swap3A_1825 {strides = array<i32>} : memref<2x1024xf32, #tpu.memory_space<vmem>>, vector<1x16xf32>,
    %get3A_1826 = arith.constant 1 : i32
    %get3A_1827 = arith.index_cast %get3A_1826 : i32 to index
    %get3A_1828 = arith.constant 320 : index
    %get3A_1829 = tpu.vector_load %arg9[%get3A_1827, %get3A_1828] {strides = array<i32>} : memref<2x1024xf32, #tpu.memory_space<vmem>>, vector<1x16xf32>,
    %get3A_1830 = vector.shape_cast %get3A_1829 : vector<1x16xf32> to vector<16xf32>
    %mul3A_1831 = arith.constant 3.200000e+01 : f32
    %mul3A_1832 = vector.broadcast %mul3A_1831 : f32 to vector<16xf32>
    %mul3A_1833 = arith.mulf %get3A_1830, %mul3A_1832 : vector<16xf32>
    %get3A_1834 = arith.constant 0 : i32
    %get3A_1835 = arith.index_cast %get3A_1834 : i32 to index
    %get3A_1836 = arith.constant 320 : index
    %get3A_1837 = tpu.vector_load %arg11[%get3A_1835, %get3A_1836] {strides = array<i32>} : memref<1x1024xf32, #tpu.memory_space<vmem>>, vector<1x16xf32>,
    %get3A_1838 = vector.shape_cast %get3A_1837 : vector<1x16xf32> to vector<16xf32>
    %mul3A_1839 = arith.mulf %bitcast_convert_type3A, %get3A_1838 : vector<16xf32>
    %add3A_1840 = arith.addf %mul3A_1833, %mul3A_1839 : vector<16xf32>
    %swap3A_1841 = arith.constant 1 : i32
    %swap3A_1842 = arith.index_cast %swap3A_1841 : i32 to index
    %swap3A_1843 = arith.constant 320 : index
    %swap3A_1844 = tpu.vector_load %arg9[%swap3A_1842, %swap3A_1843] {strides = array<i32>} : memref<2x1024xf32, #tpu.memory_space<vmem>>, vector<1x16xf32>,
    %swap3A_1845 = vector.shape_cast %swap3A_1844 : vector<1x16xf32> to vector<16xf32>
    %swap3A_1846 = vector.shape_cast %add3A_1840 : vector<16xf32> to vector<1x16xf32>
    tpu.vector_store %arg9[%swap3A_1842, %swap3A_1843], %swap3A_1846 {strides = array<i32>} : memref<2x1024xf32, #tpu.memory_space<vmem>>, vector<1x16xf32>,
    %get3A_1847 = arith.constant 1 : i32
    %get3A_1848 = arith.index_cast %get3A_1847 : i32 to index
    %get3A_1849 = arith.constant 336 : index
    %get3A_1850 = tpu.vector_load %arg9[%get3A_1848, %get3A_1849] {strides = array<i32>} : memref<2x1024xf32, #tpu.memory_space<vmem>>, vector<1x16xf32>,
    %get3A_1851 = vector.shape_cast %get3A_1850 : vector<1x16xf32> to vector<16xf32>
    %mul3A_1852 = arith.constant 3.200000e+01 : f32
    %mul3A_1853 = vector.broadcast %mul3A_1852 : f32 to vector<16xf32>
    %mul3A_1854 = arith.mulf %get3A_1851, %mul3A_1853 : vector<16xf32>
    %get3A_1855 = arith.constant 0 : i32
    %get3A_1856 = arith.index_cast %get3A_1855 : i32 to index
    %get3A_1857 = arith.constant 336 : index
    %get3A_1858 = tpu.vector_load %arg11[%get3A_1856, %get3A_1857] {strides = array<i32>} : memref<1x1024xf32, #tpu.memory_space<vmem>>, vector<1x16xf32>,
    %get3A_1859 = vector.shape_cast %get3A_1858 : vector<1x16xf32> to vector<16xf32>
    %mul3A_1860 = arith.mulf %bitcast_convert_type3A, %get3A_1859 : vector<16xf32>
    %add3A_1861 = arith.addf %mul3A_1854, %mul3A_1860 : vector<16xf32>
    %swap3A_1862 = arith.constant 1 : i32
    %swap3A_1863 = arith.index_cast %swap3A_1862 : i32 to index
    %swap3A_1864 = arith.constant 336 : index
    %swap3A_1865 = tpu.vector_load %arg9[%swap3A_1863, %swap3A_1864] {strides = array<i32>} : memref<2x1024xf32, #tpu.memory_space<vmem>>, vector<1x16xf32>,
    %swap3A_1866 = vector.shape_cast %swap3A_1865 : vector<1x16xf32> to vector<16xf32>
    %swap3A_1867 = vector.shape_cast %add3A_1861 : vector<16xf32> to vector<1x16xf32>
    tpu.vector_store %arg9[%swap3A_1863, %swap3A_1864], %swap3A_1867 {strides = array<i32>} : memref<2x1024xf32, #tpu.memory_space<vmem>>, vector<1x16xf32>,
    %get3A_1868 = arith.constant 1 : i32
    %get3A_1869 = arith.index_cast %get3A_1868 : i32 to index
    %get3A_1870 = arith.constant 352 : index
    %get3A_1871 = tpu.vector_load %arg9[%get3A_1869, %get3A_1870] {strides = array<i32>} : memref<2x1024xf32, #tpu.memory_space<vmem>>, vector<1x16xf32>,
    %get3A_1872 = vector.shape_cast %get3A_1871 : vector<1x16xf32> to vector<16xf32>
    %mul3A_1873 = arith.constant 3.200000e+01 : f32
    %mul3A_1874 = vector.broadcast %mul3A_1873 : f32 to vector<16xf32>
    %mul3A_1875 = arith.mulf %get3A_1872, %mul3A_1874 : vector<16xf32>
    %get3A_1876 = arith.constant 0 : i32
    %get3A_1877 = arith.index_cast %get3A_1876 : i32 to index
    %get3A_1878 = arith.constant 352 : index
    %get3A_1879 = tpu.vector_load %arg11[%get3A_1877, %get3A_1878] {strides = array<i32>} : memref<1x1024xf32, #tpu.memory_space<vmem>>, vector<1x16xf32>,
    %get3A_1880 = vector.shape_cast %get3A_1879 : vector<1x16xf32> to vector<16xf32>
    %mul3A_1881 = arith.mulf %bitcast_convert_type3A, %get3A_1880 : vector<16xf32>
    %add3A_1882 = arith.addf %mul3A_1875, %mul3A_1881 : vector<16xf32>
    %swap3A_1883 = arith.constant 1 : i32
    %swap3A_1884 = arith.index_cast %swap3A_1883 : i32 to index
    %swap3A_1885 = arith.constant 352 : index
    %swap3A_1886 = tpu.vector_load %arg9[%swap3A_1884, %swap3A_1885] {strides = array<i32>} : memref<2x1024xf32, #tpu.memory_space<vmem>>, vector<1x16xf32>,
    %swap3A_1887 = vector.shape_cast %swap3A_1886 : vector<1x16xf32> to vector<16xf32>
    %swap3A_1888 = vector.shape_cast %add3A_1882 : vector<16xf32> to vector<1x16xf32>
    tpu.vector_store %arg9[%swap3A_1884, %swap3A_1885], %swap3A_1888 {strides = array<i32>} : memref<2x1024xf32, #tpu.memory_space<vmem>>, vector<1x16xf32>,
    %get3A_1889 = arith.constant 1 : i32
    %get3A_1890 = arith.index_cast %get3A_1889 : i32 to index
    %get3A_1891 = arith.constant 368 : index
    %get3A_1892 = tpu.vector_load %arg9[%get3A_1890, %get3A_1891] {strides = array<i32>} : memref<2x1024xf32, #tpu.memory_space<vmem>>, vector<1x16xf32>,
    %get3A_1893 = vector.shape_cast %get3A_1892 : vector<1x16xf32> to vector<16xf32>
    %mul3A_1894 = arith.constant 3.200000e+01 : f32
    %mul3A_1895 = vector.broadcast %mul3A_1894 : f32 to vector<16xf32>
    %mul3A_1896 = arith.mulf %get3A_1893, %mul3A_1895 : vector<16xf32>
    %get3A_1897 = arith.constant 0 : i32
    %get3A_1898 = arith.index_cast %get3A_1897 : i32 to index
    %get3A_1899 = arith.constant 368 : index
    %get3A_1900 = tpu.vector_load %arg11[%get3A_1898, %get3A_1899] {strides = array<i32>} : memref<1x1024xf32, #tpu.memory_space<vmem>>, vector<1x16xf32>,
    %get3A_1901 = vector.shape_cast %get3A_1900 : vector<1x16xf32> to vector<16xf32>
    %mul3A_1902 = arith.mulf %bitcast_convert_type3A, %get3A_1901 : vector<16xf32>
    %add3A_1903 = arith.addf %mul3A_1896, %mul3A_1902 : vector<16xf32>
    %swap3A_1904 = arith.constant 1 : i32
    %swap3A_1905 = arith.index_cast %swap3A_1904 : i32 to index
    %swap3A_1906 = arith.constant 368 : index
    %swap3A_1907 = tpu.vector_load %arg9[%swap3A_1905, %swap3A_1906] {strides = array<i32>} : memref<2x1024xf32, #tpu.memory_space<vmem>>, vector<1x16xf32>,
    %swap3A_1908 = vector.shape_cast %swap3A_1907 : vector<1x16xf32> to vector<16xf32>
    %swap3A_1909 = vector.shape_cast %add3A_1903 : vector<16xf32> to vector<1x16xf32>
    tpu.vector_store %arg9[%swap3A_1905, %swap3A_1906], %swap3A_1909 {strides = array<i32>} : memref<2x1024xf32, #tpu.memory_space<vmem>>, vector<1x16xf32>,
    %get3A_1910 = arith.constant 1 : i32
    %get3A_1911 = arith.index_cast %get3A_1910 : i32 to index
    %get3A_1912 = arith.constant 384 : index
    %get3A_1913 = tpu.vector_load %arg9[%get3A_1911, %get3A_1912] {strides = array<i32>} : memref<2x1024xf32, #tpu.memory_space<vmem>>, vector<1x16xf32>,
    %get3A_1914 = vector.shape_cast %get3A_1913 : vector<1x16xf32> to vector<16xf32>
    %mul3A_1915 = arith.constant 3.200000e+01 : f32
    %mul3A_1916 = vector.broadcast %mul3A_1915 : f32 to vector<16xf32>
    %mul3A_1917 = arith.mulf %get3A_1914, %mul3A_1916 : vector<16xf32>
    %get3A_1918 = arith.constant 0 : i32
    %get3A_1919 = arith.index_cast %get3A_1918 : i32 to index
    %get3A_1920 = arith.constant 384 : index
    %get3A_1921 = tpu.vector_load %arg11[%get3A_1919, %get3A_1920] {strides = array<i32>} : memref<1x1024xf32, #tpu.memory_space<vmem>>, vector<1x16xf32>,
    %get3A_1922 = vector.shape_cast %get3A_1921 : vector<1x16xf32> to vector<16xf32>
    %mul3A_1923 = arith.mulf %bitcast_convert_type3A, %get3A_1922 : vector<16xf32>
    %add3A_1924 = arith.addf %mul3A_1917, %mul3A_1923 : vector<16xf32>
    %swap3A_1925 = arith.constant 1 : i32
    %swap3A_1926 = arith.index_cast %swap3A_1925 : i32 to index
    %swap3A_1927 = arith.constant 384 : index
    %swap3A_1928 = tpu.vector_load %arg9[%swap3A_1926, %swap3A_1927] {strides = array<i32>} : memref<2x1024xf32, #tpu.memory_space<vmem>>, vector<1x16xf32>,
    %swap3A_1929 = vector.shape_cast %swap3A_1928 : vector<1x16xf32> to vector<16xf32>
    %swap3A_1930 = vector.shape_cast %add3A_1924 : vector<16xf32> to vector<1x16xf32>
    tpu.vector_store %arg9[%swap3A_1926, %swap3A_1927], %swap3A_1930 {strides = array<i32>} : memref<2x1024xf32, #tpu.memory_space<vmem>>, vector<1x16xf32>,
    %get3A_1931 = arith.constant 1 : i32
    %get3A_1932 = arith.index_cast %get3A_1931 : i32 to index
    %get3A_1933 = arith.constant 400 : index
    %get3A_1934 = tpu.vector_load %arg9[%get3A_1932, %get3A_1933] {strides = array<i32>} : memref<2x1024xf32, #tpu.memory_space<vmem>>, vector<1x16xf32>,
    %get3A_1935 = vector.shape_cast %get3A_1934 : vector<1x16xf32> to vector<16xf32>
    %mul3A_1936 = arith.constant 3.200000e+01 : f32
    %mul3A_1937 = vector.broadcast %mul3A_1936 : f32 to vector<16xf32>
    %mul3A_1938 = arith.mulf %get3A_1935, %mul3A_1937 : vector<16xf32>
    %get3A_1939 = arith.constant 0 : i32
    %get3A_1940 = arith.index_cast %get3A_1939 : i32 to index
    %get3A_1941 = arith.constant 400 : index
    %get3A_1942 = tpu.vector_load %arg11[%get3A_1940, %get3A_1941] {strides = array<i32>} : memref<1x1024xf32, #tpu.memory_space<vmem>>, vector<1x16xf32>,
    %get3A_1943 = vector.shape_cast %get3A_1942 : vector<1x16xf32> to vector<16xf32>
    %mul3A_1944 = arith.mulf %bitcast_convert_type3A, %get3A_1943 : vector<16xf32>
    %add3A_1945 = arith.addf %mul3A_1938, %mul3A_1944 : vector<16xf32>
    %swap3A_1946 = arith.constant 1 : i32
    %swap3A_1947 = arith.index_cast %swap3A_1946 : i32 to index
    %swap3A_1948 = arith.constant 400 : index
    %swap3A_1949 = tpu.vector_load %arg9[%swap3A_1947, %swap3A_1948] {strides = array<i32>} : memref<2x1024xf32, #tpu.memory_space<vmem>>, vector<1x16xf32>,
    %swap3A_1950 = vector.shape_cast %swap3A_1949 : vector<1x16xf32> to vector<16xf32>
    %swap3A_1951 = vector.shape_cast %add3A_1945 : vector<16xf32> to vector<1x16xf32>
    tpu.vector_store %arg9[%swap3A_1947, %swap3A_1948], %swap3A_1951 {strides = array<i32>} : memref<2x1024xf32, #tpu.memory_space<vmem>>, vector<1x16xf32>,
    %get3A_1952 = arith.constant 1 : i32
    %get3A_1953 = arith.index_cast %get3A_1952 : i32 to index
    %get3A_1954 = arith.constant 416 : index
    %get3A_1955 = tpu.vector_load %arg9[%get3A_1953, %get3A_1954] {strides = array<i32>} : memref<2x1024xf32, #tpu.memory_space<vmem>>, vector<1x16xf32>,
    %get3A_1956 = vector.shape_cast %get3A_1955 : vector<1x16xf32> to vector<16xf32>
    %mul3A_1957 = arith.constant 3.200000e+01 : f32
    %mul3A_1958 = vector.broadcast %mul3A_1957 : f32 to vector<16xf32>
    %mul3A_1959 = arith.mulf %get3A_1956, %mul3A_1958 : vector<16xf32>
    %get3A_1960 = arith.constant 0 : i32
    %get3A_1961 = arith.index_cast %get3A_1960 : i32 to index
    %get3A_1962 = arith.constant 416 : index
    %get3A_1963 = tpu.vector_load %arg11[%get3A_1961, %get3A_1962] {strides = array<i32>} : memref<1x1024xf32, #tpu.memory_space<vmem>>, vector<1x16xf32>,
    %get3A_1964 = vector.shape_cast %get3A_1963 : vector<1x16xf32> to vector<16xf32>
    %mul3A_1965 = arith.mulf %bitcast_convert_type3A, %get3A_1964 : vector<16xf32>
    %add3A_1966 = arith.addf %mul3A_1959, %mul3A_1965 : vector<16xf32>
    %swap3A_1967 = arith.constant 1 : i32
    %swap3A_1968 = arith.index_cast %swap3A_1967 : i32 to index
    %swap3A_1969 = arith.constant 416 : index
    %swap3A_1970 = tpu.vector_load %arg9[%swap3A_1968, %swap3A_1969] {strides = array<i32>} : memref<2x1024xf32, #tpu.memory_space<vmem>>, vector<1x16xf32>,
    %swap3A_1971 = vector.shape_cast %swap3A_1970 : vector<1x16xf32> to vector<16xf32>
    %swap3A_1972 = vector.shape_cast %add3A_1966 : vector<16xf32> to vector<1x16xf32>
    tpu.vector_store %arg9[%swap3A_1968, %swap3A_1969], %swap3A_1972 {strides = array<i32>} : memref<2x1024xf32, #tpu.memory_space<vmem>>, vector<1x16xf32>,
    %get3A_1973 = arith.constant 1 : i32
    %get3A_1974 = arith.index_cast %get3A_1973 : i32 to index
    %get3A_1975 = arith.constant 432 : index
    %get3A_1976 = tpu.vector_load %arg9[%get3A_1974, %get3A_1975] {strides = array<i32>} : memref<2x1024xf32, #tpu.memory_space<vmem>>, vector<1x16xf32>,
    %get3A_1977 = vector.shape_cast %get3A_1976 : vector<1x16xf32> to vector<16xf32>
    %mul3A_1978 = arith.constant 3.200000e+01 : f32
    %mul3A_1979 = vector.broadcast %mul3A_1978 : f32 to vector<16xf32>
    %mul3A_1980 = arith.mulf %get3A_1977, %mul3A_1979 : vector<16xf32>
    %get3A_1981 = arith.constant 0 : i32
    %get3A_1982 = arith.index_cast %get3A_1981 : i32 to index
    %get3A_1983 = arith.constant 432 : index
    %get3A_1984 = tpu.vector_load %arg11[%get3A_1982, %get3A_1983] {strides = array<i32>} : memref<1x1024xf32, #tpu.memory_space<vmem>>, vector<1x16xf32>,
    %get3A_1985 = vector.shape_cast %get3A_1984 : vector<1x16xf32> to vector<16xf32>
    %mul3A_1986 = arith.mulf %bitcast_convert_type3A, %get3A_1985 : vector<16xf32>
    %add3A_1987 = arith.addf %mul3A_1980, %mul3A_1986 : vector<16xf32>
    %swap3A_1988 = arith.constant 1 : i32
    %swap3A_1989 = arith.index_cast %swap3A_1988 : i32 to index
    %swap3A_1990 = arith.constant 432 : index
    %swap3A_1991 = tpu.vector_load %arg9[%swap3A_1989, %swap3A_1990] {strides = array<i32>} : memref<2x1024xf32, #tpu.memory_space<vmem>>, vector<1x16xf32>,
    %swap3A_1992 = vector.shape_cast %swap3A_1991 : vector<1x16xf32> to vector<16xf32>
    %swap3A_1993 = vector.shape_cast %add3A_1987 : vector<16xf32> to vector<1x16xf32>
    tpu.vector_store %arg9[%swap3A_1989, %swap3A_1990], %swap3A_1993 {strides = array<i32>} : memref<2x1024xf32, #tpu.memory_space<vmem>>, vector<1x16xf32>,
    %get3A_1994 = arith.constant 1 : i32
    %get3A_1995 = arith.index_cast %get3A_1994 : i32 to index
    %get3A_1996 = arith.constant 448 : index
    %get3A_1997 = tpu.vector_load %arg9[%get3A_1995, %get3A_1996] {strides = array<i32>} : memref<2x1024xf32, #tpu.memory_space<vmem>>, vector<1x16xf32>,
    %get3A_1998 = vector.shape_cast %get3A_1997 : vector<1x16xf32> to vector<16xf32>
    %mul3A_1999 = arith.constant 3.200000e+01 : f32
    %mul3A_2000 = vector.broadcast %mul3A_1999 : f32 to vector<16xf32>
    %mul3A_2001 = arith.mulf %get3A_1998, %mul3A_2000 : vector<16xf32>
    %get3A_2002 = arith.constant 0 : i32
    %get3A_2003 = arith.index_cast %get3A_2002 : i32 to index
    %get3A_2004 = arith.constant 448 : index
    %get3A_2005 = tpu.vector_load %arg11[%get3A_2003, %get3A_2004] {strides = array<i32>} : memref<1x1024xf32, #tpu.memory_space<vmem>>, vector<1x16xf32>,
    %get3A_2006 = vector.shape_cast %get3A_2005 : vector<1x16xf32> to vector<16xf32>
    %mul3A_2007 = arith.mulf %bitcast_convert_type3A, %get3A_2006 : vector<16xf32>
    %add3A_2008 = arith.addf %mul3A_2001, %mul3A_2007 : vector<16xf32>
    %swap3A_2009 = arith.constant 1 : i32
    %swap3A_2010 = arith.index_cast %swap3A_2009 : i32 to index
    %swap3A_2011 = arith.constant 448 : index
    %swap3A_2012 = tpu.vector_load %arg9[%swap3A_2010, %swap3A_2011] {strides = array<i32>} : memref<2x1024xf32, #tpu.memory_space<vmem>>, vector<1x16xf32>,
    %swap3A_2013 = vector.shape_cast %swap3A_2012 : vector<1x16xf32> to vector<16xf32>
    %swap3A_2014 = vector.shape_cast %add3A_2008 : vector<16xf32> to vector<1x16xf32>
    tpu.vector_store %arg9[%swap3A_2010, %swap3A_2011], %swap3A_2014 {strides = array<i32>} : memref<2x1024xf32, #tpu.memory_space<vmem>>, vector<1x16xf32>,
    %get3A_2015 = arith.constant 1 : i32
    %get3A_2016 = arith.index_cast %get3A_2015 : i32 to index
    %get3A_2017 = arith.constant 464 : index
    %get3A_2018 = tpu.vector_load %arg9[%get3A_2016, %get3A_2017] {strides = array<i32>} : memref<2x1024xf32, #tpu.memory_space<vmem>>, vector<1x16xf32>,
    %get3A_2019 = vector.shape_cast %get3A_2018 : vector<1x16xf32> to vector<16xf32>
    %mul3A_2020 = arith.constant 3.200000e+01 : f32
    %mul3A_2021 = vector.broadcast %mul3A_2020 : f32 to vector<16xf32>
    %mul3A_2022 = arith.mulf %get3A_2019, %mul3A_2021 : vector<16xf32>
    %get3A_2023 = arith.constant 0 : i32
    %get3A_2024 = arith.index_cast %get3A_2023 : i32 to index
    %get3A_2025 = arith.constant 464 : index
    %get3A_2026 = tpu.vector_load %arg11[%get3A_2024, %get3A_2025] {strides = array<i32>} : memref<1x1024xf32, #tpu.memory_space<vmem>>, vector<1x16xf32>,
    %get3A_2027 = vector.shape_cast %get3A_2026 : vector<1x16xf32> to vector<16xf32>
    %mul3A_2028 = arith.mulf %bitcast_convert_type3A, %get3A_2027 : vector<16xf32>
    %add3A_2029 = arith.addf %mul3A_2022, %mul3A_2028 : vector<16xf32>
    %swap3A_2030 = arith.constant 1 : i32
    %swap3A_2031 = arith.index_cast %swap3A_2030 : i32 to index
    %swap3A_2032 = arith.constant 464 : index
    %swap3A_2033 = tpu.vector_load %arg9[%swap3A_2031, %swap3A_2032] {strides = array<i32>} : memref<2x1024xf32, #tpu.memory_space<vmem>>, vector<1x16xf32>,
    %swap3A_2034 = vector.shape_cast %swap3A_2033 : vector<1x16xf32> to vector<16xf32>
    %swap3A_2035 = vector.shape_cast %add3A_2029 : vector<16xf32> to vector<1x16xf32>
    tpu.vector_store %arg9[%swap3A_2031, %swap3A_2032], %swap3A_2035 {strides = array<i32>} : memref<2x1024xf32, #tpu.memory_space<vmem>>, vector<1x16xf32>,
    %get3A_2036 = arith.constant 1 : i32
    %get3A_2037 = arith.index_cast %get3A_2036 : i32 to index
    %get3A_2038 = arith.constant 480 : index
    %get3A_2039 = tpu.vector_load %arg9[%get3A_2037, %get3A_2038] {strides = array<i32>} : memref<2x1024xf32, #tpu.memory_space<vmem>>, vector<1x16xf32>,
    %get3A_2040 = vector.shape_cast %get3A_2039 : vector<1x16xf32> to vector<16xf32>
    %mul3A_2041 = arith.constant 3.200000e+01 : f32
    %mul3A_2042 = vector.broadcast %mul3A_2041 : f32 to vector<16xf32>
    %mul3A_2043 = arith.mulf %get3A_2040, %mul3A_2042 : vector<16xf32>
    %get3A_2044 = arith.constant 0 : i32
    %get3A_2045 = arith.index_cast %get3A_2044 : i32 to index
    %get3A_2046 = arith.constant 480 : index
    %get3A_2047 = tpu.vector_load %arg11[%get3A_2045, %get3A_2046] {strides = array<i32>} : memref<1x1024xf32, #tpu.memory_space<vmem>>, vector<1x16xf32>,
    %get3A_2048 = vector.shape_cast %get3A_2047 : vector<1x16xf32> to vector<16xf32>
    %mul3A_2049 = arith.mulf %bitcast_convert_type3A, %get3A_2048 : vector<16xf32>
    %add3A_2050 = arith.addf %mul3A_2043, %mul3A_2049 : vector<16xf32>
    %swap3A_2051 = arith.constant 1 : i32
    %swap3A_2052 = arith.index_cast %swap3A_2051 : i32 to index
    %swap3A_2053 = arith.constant 480 : index
    %swap3A_2054 = tpu.vector_load %arg9[%swap3A_2052, %swap3A_2053] {strides = array<i32>} : memref<2x1024xf32, #tpu.memory_space<vmem>>, vector<1x16xf32>,
    %swap3A_2055 = vector.shape_cast %swap3A_2054 : vector<1x16xf32> to vector<16xf32>
    %swap3A_2056 = vector.shape_cast %add3A_2050 : vector<16xf32> to vector<1x16xf32>
    tpu.vector_store %arg9[%swap3A_2052, %swap3A_2053], %swap3A_2056 {strides = array<i32>} : memref<2x1024xf32, #tpu.memory_space<vmem>>, vector<1x16xf32>,
    %get3A_2057 = arith.constant 1 : i32
    %get3A_2058 = arith.index_cast %get3A_2057 : i32 to index
    %get3A_2059 = arith.constant 496 : index
    %get3A_2060 = tpu.vector_load %arg9[%get3A_2058, %get3A_2059] {strides = array<i32>} : memref<2x1024xf32, #tpu.memory_space<vmem>>, vector<1x16xf32>,
    %get3A_2061 = vector.shape_cast %get3A_2060 : vector<1x16xf32> to vector<16xf32>
    %mul3A_2062 = arith.constant 3.200000e+01 : f32
    %mul3A_2063 = vector.broadcast %mul3A_2062 : f32 to vector<16xf32>
    %mul3A_2064 = arith.mulf %get3A_2061, %mul3A_2063 : vector<16xf32>
    %get3A_2065 = arith.constant 0 : i32
    %get3A_2066 = arith.index_cast %get3A_2065 : i32 to index
    %get3A_2067 = arith.constant 496 : index
    %get3A_2068 = tpu.vector_load %arg11[%get3A_2066, %get3A_2067] {strides = array<i32>} : memref<1x1024xf32, #tpu.memory_space<vmem>>, vector<1x16xf32>,
    %get3A_2069 = vector.shape_cast %get3A_2068 : vector<1x16xf32> to vector<16xf32>
    %mul3A_2070 = arith.mulf %bitcast_convert_type3A, %get3A_2069 : vector<16xf32>
    %add3A_2071 = arith.addf %mul3A_2064, %mul3A_2070 : vector<16xf32>
    %swap3A_2072 = arith.constant 1 : i32
    %swap3A_2073 = arith.index_cast %swap3A_2072 : i32 to index
    %swap3A_2074 = arith.constant 496 : index
    %swap3A_2075 = tpu.vector_load %arg9[%swap3A_2073, %swap3A_2074] {strides = array<i32>} : memref<2x1024xf32, #tpu.memory_space<vmem>>, vector<1x16xf32>,
    %swap3A_2076 = vector.shape_cast %swap3A_2075 : vector<1x16xf32> to vector<16xf32>
    %swap3A_2077 = vector.shape_cast %add3A_2071 : vector<16xf32> to vector<1x16xf32>
    tpu.vector_store %arg9[%swap3A_2073, %swap3A_2074], %swap3A_2077 {strides = array<i32>} : memref<2x1024xf32, #tpu.memory_space<vmem>>, vector<1x16xf32>,
    %get3A_2078 = arith.constant 1 : i32
    %get3A_2079 = arith.index_cast %get3A_2078 : i32 to index
    %get3A_2080 = arith.constant 512 : index
    %get3A_2081 = tpu.vector_load %arg9[%get3A_2079, %get3A_2080] {strides = array<i32>} : memref<2x1024xf32, #tpu.memory_space<vmem>>, vector<1x16xf32>,
    %get3A_2082 = vector.shape_cast %get3A_2081 : vector<1x16xf32> to vector<16xf32>
    %mul3A_2083 = arith.constant 3.200000e+01 : f32
    %mul3A_2084 = vector.broadcast %mul3A_2083 : f32 to vector<16xf32>
    %mul3A_2085 = arith.mulf %get3A_2082, %mul3A_2084 : vector<16xf32>
    %get3A_2086 = arith.constant 0 : i32
    %get3A_2087 = arith.index_cast %get3A_2086 : i32 to index
    %get3A_2088 = arith.constant 512 : index
    %get3A_2089 = tpu.vector_load %arg11[%get3A_2087, %get3A_2088] {strides = array<i32>} : memref<1x1024xf32, #tpu.memory_space<vmem>>, vector<1x16xf32>,
    %get3A_2090 = vector.shape_cast %get3A_2089 : vector<1x16xf32> to vector<16xf32>
    %mul3A_2091 = arith.mulf %bitcast_convert_type3A, %get3A_2090 : vector<16xf32>
    %add3A_2092 = arith.addf %mul3A_2085, %mul3A_2091 : vector<16xf32>
    %swap3A_2093 = arith.constant 1 : i32
    %swap3A_2094 = arith.index_cast %swap3A_2093 : i32 to index
    %swap3A_2095 = arith.constant 512 : index
    %swap3A_2096 = tpu.vector_load %arg9[%swap3A_2094, %swap3A_2095] {strides = array<i32>} : memref<2x1024xf32, #tpu.memory_space<vmem>>, vector<1x16xf32>,
    %swap3A_2097 = vector.shape_cast %swap3A_2096 : vector<1x16xf32> to vector<16xf32>
    %swap3A_2098 = vector.shape_cast %add3A_2092 : vector<16xf32> to vector<1x16xf32>
    tpu.vector_store %arg9[%swap3A_2094, %swap3A_2095], %swap3A_2098 {strides = array<i32>} : memref<2x1024xf32, #tpu.memory_space<vmem>>, vector<1x16xf32>,
    %get3A_2099 = arith.constant 1 : i32
    %get3A_2100 = arith.index_cast %get3A_2099 : i32 to index
    %get3A_2101 = arith.constant 528 : index
    %get3A_2102 = tpu.vector_load %arg9[%get3A_2100, %get3A_2101] {strides = array<i32>} : memref<2x1024xf32, #tpu.memory_space<vmem>>, vector<1x16xf32>,
    %get3A_2103 = vector.shape_cast %get3A_2102 : vector<1x16xf32> to vector<16xf32>
    %mul3A_2104 = arith.constant 3.200000e+01 : f32
    %mul3A_2105 = vector.broadcast %mul3A_2104 : f32 to vector<16xf32>
    %mul3A_2106 = arith.mulf %get3A_2103, %mul3A_2105 : vector<16xf32>
    %get3A_2107 = arith.constant 0 : i32
    %get3A_2108 = arith.index_cast %get3A_2107 : i32 to index
    %get3A_2109 = arith.constant 528 : index
    %get3A_2110 = tpu.vector_load %arg11[%get3A_2108, %get3A_2109] {strides = array<i32>} : memref<1x1024xf32, #tpu.memory_space<vmem>>, vector<1x16xf32>,
    %get3A_2111 = vector.shape_cast %get3A_2110 : vector<1x16xf32> to vector<16xf32>
    %mul3A_2112 = arith.mulf %bitcast_convert_type3A, %get3A_2111 : vector<16xf32>
    %add3A_2113 = arith.addf %mul3A_2106, %mul3A_2112 : vector<16xf32>
    %swap3A_2114 = arith.constant 1 : i32
    %swap3A_2115 = arith.index_cast %swap3A_2114 : i32 to index
    %swap3A_2116 = arith.constant 528 : index
    %swap3A_2117 = tpu.vector_load %arg9[%swap3A_2115, %swap3A_2116] {strides = array<i32>} : memref<2x1024xf32, #tpu.memory_space<vmem>>, vector<1x16xf32>,
    %swap3A_2118 = vector.shape_cast %swap3A_2117 : vector<1x16xf32> to vector<16xf32>
    %swap3A_2119 = vector.shape_cast %add3A_2113 : vector<16xf32> to vector<1x16xf32>
    tpu.vector_store %arg9[%swap3A_2115, %swap3A_2116], %swap3A_2119 {strides = array<i32>} : memref<2x1024xf32, #tpu.memory_space<vmem>>, vector<1x16xf32>,
    %get3A_2120 = arith.constant 1 : i32
    %get3A_2121 = arith.index_cast %get3A_2120 : i32 to index
    %get3A_2122 = arith.constant 544 : index
    %get3A_2123 = tpu.vector_load %arg9[%get3A_2121, %get3A_2122] {strides = array<i32>} : memref<2x1024xf32, #tpu.memory_space<vmem>>, vector<1x16xf32>,
    %get3A_2124 = vector.shape_cast %get3A_2123 : vector<1x16xf32> to vector<16xf32>
    %mul3A_2125 = arith.constant 3.200000e+01 : f32
    %mul3A_2126 = vector.broadcast %mul3A_2125 : f32 to vector<16xf32>
    %mul3A_2127 = arith.mulf %get3A_2124, %mul3A_2126 : vector<16xf32>
    %get3A_2128 = arith.constant 0 : i32
    %get3A_2129 = arith.index_cast %get3A_2128 : i32 to index
    %get3A_2130 = arith.constant 544 : index
    %get3A_2131 = tpu.vector_load %arg11[%get3A_2129, %get3A_2130] {strides = array<i32>} : memref<1x1024xf32, #tpu.memory_space<vmem>>, vector<1x16xf32>,
    %get3A_2132 = vector.shape_cast %get3A_2131 : vector<1x16xf32> to vector<16xf32>
    %mul3A_2133 = arith.mulf %bitcast_convert_type3A, %get3A_2132 : vector<16xf32>
    %add3A_2134 = arith.addf %mul3A_2127, %mul3A_2133 : vector<16xf32>
    %swap3A_2135 = arith.constant 1 : i32
    %swap3A_2136 = arith.index_cast %swap3A_2135 : i32 to index
    %swap3A_2137 = arith.constant 544 : index
    %swap3A_2138 = tpu.vector_load %arg9[%swap3A_2136, %swap3A_2137] {strides = array<i32>} : memref<2x1024xf32, #tpu.memory_space<vmem>>, vector<1x16xf32>,
    %swap3A_2139 = vector.shape_cast %swap3A_2138 : vector<1x16xf32> to vector<16xf32>
    %swap3A_2140 = vector.shape_cast %add3A_2134 : vector<16xf32> to vector<1x16xf32>
    tpu.vector_store %arg9[%swap3A_2136, %swap3A_2137], %swap3A_2140 {strides = array<i32>} : memref<2x1024xf32, #tpu.memory_space<vmem>>, vector<1x16xf32>,
    %get3A_2141 = arith.constant 1 : i32
    %get3A_2142 = arith.index_cast %get3A_2141 : i32 to index
    %get3A_2143 = arith.constant 560 : index
    %get3A_2144 = tpu.vector_load %arg9[%get3A_2142, %get3A_2143] {strides = array<i32>} : memref<2x1024xf32, #tpu.memory_space<vmem>>, vector<1x16xf32>,
    %get3A_2145 = vector.shape_cast %get3A_2144 : vector<1x16xf32> to vector<16xf32>
    %mul3A_2146 = arith.constant 3.200000e+01 : f32
    %mul3A_2147 = vector.broadcast %mul3A_2146 : f32 to vector<16xf32>
    %mul3A_2148 = arith.mulf %get3A_2145, %mul3A_2147 : vector<16xf32>
    %get3A_2149 = arith.constant 0 : i32
    %get3A_2150 = arith.index_cast %get3A_2149 : i32 to index
    %get3A_2151 = arith.constant 560 : index
    %get3A_2152 = tpu.vector_load %arg11[%get3A_2150, %get3A_2151] {strides = array<i32>} : memref<1x1024xf32, #tpu.memory_space<vmem>>, vector<1x16xf32>,
    %get3A_2153 = vector.shape_cast %get3A_2152 : vector<1x16xf32> to vector<16xf32>
    %mul3A_2154 = arith.mulf %bitcast_convert_type3A, %get3A_2153 : vector<16xf32>
    %add3A_2155 = arith.addf %mul3A_2148, %mul3A_2154 : vector<16xf32>
    %swap3A_2156 = arith.constant 1 : i32
    %swap3A_2157 = arith.index_cast %swap3A_2156 : i32 to index
    %swap3A_2158 = arith.constant 560 : index
    %swap3A_2159 = tpu.vector_load %arg9[%swap3A_2157, %swap3A_2158] {strides = array<i32>} : memref<2x1024xf32, #tpu.memory_space<vmem>>, vector<1x16xf32>,
    %swap3A_2160 = vector.shape_cast %swap3A_2159 : vector<1x16xf32> to vector<16xf32>
    %swap3A_2161 = vector.shape_cast %add3A_2155 : vector<16xf32> to vector<1x16xf32>
    tpu.vector_store %arg9[%swap3A_2157, %swap3A_2158], %swap3A_2161 {strides = array<i32>} : memref<2x1024xf32, #tpu.memory_space<vmem>>, vector<1x16xf32>,
    %get3A_2162 = arith.constant 1 : i32
    %get3A_2163 = arith.index_cast %get3A_2162 : i32 to index
    %get3A_2164 = arith.constant 576 : index
    %get3A_2165 = tpu.vector_load %arg9[%get3A_2163, %get3A_2164] {strides = array<i32>} : memref<2x1024xf32, #tpu.memory_space<vmem>>, vector<1x16xf32>,
    %get3A_2166 = vector.shape_cast %get3A_2165 : vector<1x16xf32> to vector<16xf32>
    %mul3A_2167 = arith.constant 3.200000e+01 : f32
    %mul3A_2168 = vector.broadcast %mul3A_2167 : f32 to vector<16xf32>
    %mul3A_2169 = arith.mulf %get3A_2166, %mul3A_2168 : vector<16xf32>
    %get3A_2170 = arith.constant 0 : i32
    %get3A_2171 = arith.index_cast %get3A_2170 : i32 to index
    %get3A_2172 = arith.constant 576 : index
    %get3A_2173 = tpu.vector_load %arg11[%get3A_2171, %get3A_2172] {strides = array<i32>} : memref<1x1024xf32, #tpu.memory_space<vmem>>, vector<1x16xf32>,
    %get3A_2174 = vector.shape_cast %get3A_2173 : vector<1x16xf32> to vector<16xf32>
    %mul3A_2175 = arith.mulf %bitcast_convert_type3A, %get3A_2174 : vector<16xf32>
    %add3A_2176 = arith.addf %mul3A_2169, %mul3A_2175 : vector<16xf32>
    %swap3A_2177 = arith.constant 1 : i32
    %swap3A_2178 = arith.index_cast %swap3A_2177 : i32 to index
    %swap3A_2179 = arith.constant 576 : index
    %swap3A_2180 = tpu.vector_load %arg9[%swap3A_2178, %swap3A_2179] {strides = array<i32>} : memref<2x1024xf32, #tpu.memory_space<vmem>>, vector<1x16xf32>,
    %swap3A_2181 = vector.shape_cast %swap3A_2180 : vector<1x16xf32> to vector<16xf32>
    %swap3A_2182 = vector.shape_cast %add3A_2176 : vector<16xf32> to vector<1x16xf32>
    tpu.vector_store %arg9[%swap3A_2178, %swap3A_2179], %swap3A_2182 {strides = array<i32>} : memref<2x1024xf32, #tpu.memory_space<vmem>>, vector<1x16xf32>,
    %get3A_2183 = arith.constant 1 : i32
    %get3A_2184 = arith.index_cast %get3A_2183 : i32 to index
    %get3A_2185 = arith.constant 592 : index
    %get3A_2186 = tpu.vector_load %arg9[%get3A_2184, %get3A_2185] {strides = array<i32>} : memref<2x1024xf32, #tpu.memory_space<vmem>>, vector<1x16xf32>,
    %get3A_2187 = vector.shape_cast %get3A_2186 : vector<1x16xf32> to vector<16xf32>
    %mul3A_2188 = arith.constant 3.200000e+01 : f32
    %mul3A_2189 = vector.broadcast %mul3A_2188 : f32 to vector<16xf32>
    %mul3A_2190 = arith.mulf %get3A_2187, %mul3A_2189 : vector<16xf32>
    %get3A_2191 = arith.constant 0 : i32
    %get3A_2192 = arith.index_cast %get3A_2191 : i32 to index
    %get3A_2193 = arith.constant 592 : index
    %get3A_2194 = tpu.vector_load %arg11[%get3A_2192, %get3A_2193] {strides = array<i32>} : memref<1x1024xf32, #tpu.memory_space<vmem>>, vector<1x16xf32>,
    %get3A_2195 = vector.shape_cast %get3A_2194 : vector<1x16xf32> to vector<16xf32>
    %mul3A_2196 = arith.mulf %bitcast_convert_type3A, %get3A_2195 : vector<16xf32>
    %add3A_2197 = arith.addf %mul3A_2190, %mul3A_2196 : vector<16xf32>
    %swap3A_2198 = arith.constant 1 : i32
    %swap3A_2199 = arith.index_cast %swap3A_2198 : i32 to index
    %swap3A_2200 = arith.constant 592 : index
    %swap3A_2201 = tpu.vector_load %arg9[%swap3A_2199, %swap3A_2200] {strides = array<i32>} : memref<2x1024xf32, #tpu.memory_space<vmem>>, vector<1x16xf32>,
    %swap3A_2202 = vector.shape_cast %swap3A_2201 : vector<1x16xf32> to vector<16xf32>
    %swap3A_2203 = vector.shape_cast %add3A_2197 : vector<16xf32> to vector<1x16xf32>
    tpu.vector_store %arg9[%swap3A_2199, %swap3A_2200], %swap3A_2203 {strides = array<i32>} : memref<2x1024xf32, #tpu.memory_space<vmem>>, vector<1x16xf32>,
    %get3A_2204 = arith.constant 1 : i32
    %get3A_2205 = arith.index_cast %get3A_2204 : i32 to index
    %get3A_2206 = arith.constant 608 : index
    %get3A_2207 = tpu.vector_load %arg9[%get3A_2205, %get3A_2206] {strides = array<i32>} : memref<2x1024xf32, #tpu.memory_space<vmem>>, vector<1x16xf32>,
    %get3A_2208 = vector.shape_cast %get3A_2207 : vector<1x16xf32> to vector<16xf32>
    %mul3A_2209 = arith.constant 3.200000e+01 : f32
    %mul3A_2210 = vector.broadcast %mul3A_2209 : f32 to vector<16xf32>
    %mul3A_2211 = arith.mulf %get3A_2208, %mul3A_2210 : vector<16xf32>
    %get3A_2212 = arith.constant 0 : i32
    %get3A_2213 = arith.index_cast %get3A_2212 : i32 to index
    %get3A_2214 = arith.constant 608 : index
    %get3A_2215 = tpu.vector_load %arg11[%get3A_2213, %get3A_2214] {strides = array<i32>} : memref<1x1024xf32, #tpu.memory_space<vmem>>, vector<1x16xf32>,
    %get3A_2216 = vector.shape_cast %get3A_2215 : vector<1x16xf32> to vector<16xf32>
    %mul3A_2217 = arith.mulf %bitcast_convert_type3A, %get3A_2216 : vector<16xf32>
    %add3A_2218 = arith.addf %mul3A_2211, %mul3A_2217 : vector<16xf32>
    %swap3A_2219 = arith.constant 1 : i32
    %swap3A_2220 = arith.index_cast %swap3A_2219 : i32 to index
    %swap3A_2221 = arith.constant 608 : index
    %swap3A_2222 = tpu.vector_load %arg9[%swap3A_2220, %swap3A_2221] {strides = array<i32>} : memref<2x1024xf32, #tpu.memory_space<vmem>>, vector<1x16xf32>,
    %swap3A_2223 = vector.shape_cast %swap3A_2222 : vector<1x16xf32> to vector<16xf32>
    %swap3A_2224 = vector.shape_cast %add3A_2218 : vector<16xf32> to vector<1x16xf32>
    tpu.vector_store %arg9[%swap3A_2220, %swap3A_2221], %swap3A_2224 {strides = array<i32>} : memref<2x1024xf32, #tpu.memory_space<vmem>>, vector<1x16xf32>,
    %get3A_2225 = arith.constant 1 : i32
    %get3A_2226 = arith.index_cast %get3A_2225 : i32 to index
    %get3A_2227 = arith.constant 624 : index
    %get3A_2228 = tpu.vector_load %arg9[%get3A_2226, %get3A_2227] {strides = array<i32>} : memref<2x1024xf32, #tpu.memory_space<vmem>>, vector<1x16xf32>,
    %get3A_2229 = vector.shape_cast %get3A_2228 : vector<1x16xf32> to vector<16xf32>
    %mul3A_2230 = arith.constant 3.200000e+01 : f32
    %mul3A_2231 = vector.broadcast %mul3A_2230 : f32 to vector<16xf32>
    %mul3A_2232 = arith.mulf %get3A_2229, %mul3A_2231 : vector<16xf32>
    %get3A_2233 = arith.constant 0 : i32
    %get3A_2234 = arith.index_cast %get3A_2233 : i32 to index
    %get3A_2235 = arith.constant 624 : index
    %get3A_2236 = tpu.vector_load %arg11[%get3A_2234, %get3A_2235] {strides = array<i32>} : memref<1x1024xf32, #tpu.memory_space<vmem>>, vector<1x16xf32>,
    %get3A_2237 = vector.shape_cast %get3A_2236 : vector<1x16xf32> to vector<16xf32>
    %mul3A_2238 = arith.mulf %bitcast_convert_type3A, %get3A_2237 : vector<16xf32>
    %add3A_2239 = arith.addf %mul3A_2232, %mul3A_2238 : vector<16xf32>
    %swap3A_2240 = arith.constant 1 : i32
    %swap3A_2241 = arith.index_cast %swap3A_2240 : i32 to index
    %swap3A_2242 = arith.constant 624 : index
    %swap3A_2243 = tpu.vector_load %arg9[%swap3A_2241, %swap3A_2242] {strides = array<i32>} : memref<2x1024xf32, #tpu.memory_space<vmem>>, vector<1x16xf32>,
    %swap3A_2244 = vector.shape_cast %swap3A_2243 : vector<1x16xf32> to vector<16xf32>
    %swap3A_2245 = vector.shape_cast %add3A_2239 : vector<16xf32> to vector<1x16xf32>
    tpu.vector_store %arg9[%swap3A_2241, %swap3A_2242], %swap3A_2245 {strides = array<i32>} : memref<2x1024xf32, #tpu.memory_space<vmem>>, vector<1x16xf32>,
    %get3A_2246 = arith.constant 1 : i32
    %get3A_2247 = arith.index_cast %get3A_2246 : i32 to index
    %get3A_2248 = arith.constant 640 : index
    %get3A_2249 = tpu.vector_load %arg9[%get3A_2247, %get3A_2248] {strides = array<i32>} : memref<2x1024xf32, #tpu.memory_space<vmem>>, vector<1x16xf32>,
    %get3A_2250 = vector.shape_cast %get3A_2249 : vector<1x16xf32> to vector<16xf32>
    %mul3A_2251 = arith.constant 3.200000e+01 : f32
    %mul3A_2252 = vector.broadcast %mul3A_2251 : f32 to vector<16xf32>
    %mul3A_2253 = arith.mulf %get3A_2250, %mul3A_2252 : vector<16xf32>
    %get3A_2254 = arith.constant 0 : i32
    %get3A_2255 = arith.index_cast %get3A_2254 : i32 to index
    %get3A_2256 = arith.constant 640 : index
    %get3A_2257 = tpu.vector_load %arg11[%get3A_2255, %get3A_2256] {strides = array<i32>} : memref<1x1024xf32, #tpu.memory_space<vmem>>, vector<1x16xf32>,
    %get3A_2258 = vector.shape_cast %get3A_2257 : vector<1x16xf32> to vector<16xf32>
    %mul3A_2259 = arith.mulf %bitcast_convert_type3A, %get3A_2258 : vector<16xf32>
    %add3A_2260 = arith.addf %mul3A_2253, %mul3A_2259 : vector<16xf32>
    %swap3A_2261 = arith.constant 1 : i32
    %swap3A_2262 = arith.index_cast %swap3A_2261 : i32 to index
    %swap3A_2263 = arith.constant 640 : index
    %swap3A_2264 = tpu.vector_load %arg9[%swap3A_2262, %swap3A_2263] {strides = array<i32>} : memref<2x1024xf32, #tpu.memory_space<vmem>>, vector<1x16xf32>,
    %swap3A_2265 = vector.shape_cast %swap3A_2264 : vector<1x16xf32> to vector<16xf32>
    %swap3A_2266 = vector.shape_cast %add3A_2260 : vector<16xf32> to vector<1x16xf32>
    tpu.vector_store %arg9[%swap3A_2262, %swap3A_2263], %swap3A_2266 {strides = array<i32>} : memref<2x1024xf32, #tpu.memory_space<vmem>>, vector<1x16xf32>,
    %get3A_2267 = arith.constant 1 : i32
    %get3A_2268 = arith.index_cast %get3A_2267 : i32 to index
    %get3A_2269 = arith.constant 656 : index
    %get3A_2270 = tpu.vector_load %arg9[%get3A_2268, %get3A_2269] {strides = array<i32>} : memref<2x1024xf32, #tpu.memory_space<vmem>>, vector<1x16xf32>,
    %get3A_2271 = vector.shape_cast %get3A_2270 : vector<1x16xf32> to vector<16xf32>
    %mul3A_2272 = arith.constant 3.200000e+01 : f32
    %mul3A_2273 = vector.broadcast %mul3A_2272 : f32 to vector<16xf32>
    %mul3A_2274 = arith.mulf %get3A_2271, %mul3A_2273 : vector<16xf32>
    %get3A_2275 = arith.constant 0 : i32
    %get3A_2276 = arith.index_cast %get3A_2275 : i32 to index
    %get3A_2277 = arith.constant 656 : index
    %get3A_2278 = tpu.vector_load %arg11[%get3A_2276, %get3A_2277] {strides = array<i32>} : memref<1x1024xf32, #tpu.memory_space<vmem>>, vector<1x16xf32>,
    %get3A_2279 = vector.shape_cast %get3A_2278 : vector<1x16xf32> to vector<16xf32>
    %mul3A_2280 = arith.mulf %bitcast_convert_type3A, %get3A_2279 : vector<16xf32>
    %add3A_2281 = arith.addf %mul3A_2274, %mul3A_2280 : vector<16xf32>
    %swap3A_2282 = arith.constant 1 : i32
    %swap3A_2283 = arith.index_cast %swap3A_2282 : i32 to index
    %swap3A_2284 = arith.constant 656 : index
    %swap3A_2285 = tpu.vector_load %arg9[%swap3A_2283, %swap3A_2284] {strides = array<i32>} : memref<2x1024xf32, #tpu.memory_space<vmem>>, vector<1x16xf32>,
    %swap3A_2286 = vector.shape_cast %swap3A_2285 : vector<1x16xf32> to vector<16xf32>
    %swap3A_2287 = vector.shape_cast %add3A_2281 : vector<16xf32> to vector<1x16xf32>
    tpu.vector_store %arg9[%swap3A_2283, %swap3A_2284], %swap3A_2287 {strides = array<i32>} : memref<2x1024xf32, #tpu.memory_space<vmem>>, vector<1x16xf32>,
    %get3A_2288 = arith.constant 1 : i32
    %get3A_2289 = arith.index_cast %get3A_2288 : i32 to index
    %get3A_2290 = arith.constant 672 : index
    %get3A_2291 = tpu.vector_load %arg9[%get3A_2289, %get3A_2290] {strides = array<i32>} : memref<2x1024xf32, #tpu.memory_space<vmem>>, vector<1x16xf32>,
    %get3A_2292 = vector.shape_cast %get3A_2291 : vector<1x16xf32> to vector<16xf32>
    %mul3A_2293 = arith.constant 3.200000e+01 : f32
    %mul3A_2294 = vector.broadcast %mul3A_2293 : f32 to vector<16xf32>
    %mul3A_2295 = arith.mulf %get3A_2292, %mul3A_2294 : vector<16xf32>
    %get3A_2296 = arith.constant 0 : i32
    %get3A_2297 = arith.index_cast %get3A_2296 : i32 to index
    %get3A_2298 = arith.constant 672 : index
    %get3A_2299 = tpu.vector_load %arg11[%get3A_2297, %get3A_2298] {strides = array<i32>} : memref<1x1024xf32, #tpu.memory_space<vmem>>, vector<1x16xf32>,
    %get3A_2300 = vector.shape_cast %get3A_2299 : vector<1x16xf32> to vector<16xf32>
    %mul3A_2301 = arith.mulf %bitcast_convert_type3A, %get3A_2300 : vector<16xf32>
    %add3A_2302 = arith.addf %mul3A_2295, %mul3A_2301 : vector<16xf32>
    %swap3A_2303 = arith.constant 1 : i32
    %swap3A_2304 = arith.index_cast %swap3A_2303 : i32 to index
    %swap3A_2305 = arith.constant 672 : index
    %swap3A_2306 = tpu.vector_load %arg9[%swap3A_2304, %swap3A_2305] {strides = array<i32>} : memref<2x1024xf32, #tpu.memory_space<vmem>>, vector<1x16xf32>,
    %swap3A_2307 = vector.shape_cast %swap3A_2306 : vector<1x16xf32> to vector<16xf32>
    %swap3A_2308 = vector.shape_cast %add3A_2302 : vector<16xf32> to vector<1x16xf32>
    tpu.vector_store %arg9[%swap3A_2304, %swap3A_2305], %swap3A_2308 {strides = array<i32>} : memref<2x1024xf32, #tpu.memory_space<vmem>>, vector<1x16xf32>,
    %get3A_2309 = arith.constant 1 : i32
    %get3A_2310 = arith.index_cast %get3A_2309 : i32 to index
    %get3A_2311 = arith.constant 688 : index
    %get3A_2312 = tpu.vector_load %arg9[%get3A_2310, %get3A_2311] {strides = array<i32>} : memref<2x1024xf32, #tpu.memory_space<vmem>>, vector<1x16xf32>,
    %get3A_2313 = vector.shape_cast %get3A_2312 : vector<1x16xf32> to vector<16xf32>
    %mul3A_2314 = arith.constant 3.200000e+01 : f32
    %mul3A_2315 = vector.broadcast %mul3A_2314 : f32 to vector<16xf32>
    %mul3A_2316 = arith.mulf %get3A_2313, %mul3A_2315 : vector<16xf32>
    %get3A_2317 = arith.constant 0 : i32
    %get3A_2318 = arith.index_cast %get3A_2317 : i32 to index
    %get3A_2319 = arith.constant 688 : index
    %get3A_2320 = tpu.vector_load %arg11[%get3A_2318, %get3A_2319] {strides = array<i32>} : memref<1x1024xf32, #tpu.memory_space<vmem>>, vector<1x16xf32>,
    %get3A_2321 = vector.shape_cast %get3A_2320 : vector<1x16xf32> to vector<16xf32>
    %mul3A_2322 = arith.mulf %bitcast_convert_type3A, %get3A_2321 : vector<16xf32>
    %add3A_2323 = arith.addf %mul3A_2316, %mul3A_2322 : vector<16xf32>
    %swap3A_2324 = arith.constant 1 : i32
    %swap3A_2325 = arith.index_cast %swap3A_2324 : i32 to index
    %swap3A_2326 = arith.constant 688 : index
    %swap3A_2327 = tpu.vector_load %arg9[%swap3A_2325, %swap3A_2326] {strides = array<i32>} : memref<2x1024xf32, #tpu.memory_space<vmem>>, vector<1x16xf32>,
    %swap3A_2328 = vector.shape_cast %swap3A_2327 : vector<1x16xf32> to vector<16xf32>
    %swap3A_2329 = vector.shape_cast %add3A_2323 : vector<16xf32> to vector<1x16xf32>
    tpu.vector_store %arg9[%swap3A_2325, %swap3A_2326], %swap3A_2329 {strides = array<i32>} : memref<2x1024xf32, #tpu.memory_space<vmem>>, vector<1x16xf32>,
    %get3A_2330 = arith.constant 1 : i32
    %get3A_2331 = arith.index_cast %get3A_2330 : i32 to index
    %get3A_2332 = arith.constant 704 : index
    %get3A_2333 = tpu.vector_load %arg9[%get3A_2331, %get3A_2332] {strides = array<i32>} : memref<2x1024xf32, #tpu.memory_space<vmem>>, vector<1x16xf32>,
    %get3A_2334 = vector.shape_cast %get3A_2333 : vector<1x16xf32> to vector<16xf32>
    %mul3A_2335 = arith.constant 3.200000e+01 : f32
    %mul3A_2336 = vector.broadcast %mul3A_2335 : f32 to vector<16xf32>
    %mul3A_2337 = arith.mulf %get3A_2334, %mul3A_2336 : vector<16xf32>
    %get3A_2338 = arith.constant 0 : i32
    %get3A_2339 = arith.index_cast %get3A_2338 : i32 to index
    %get3A_2340 = arith.constant 704 : index
    %get3A_2341 = tpu.vector_load %arg11[%get3A_2339, %get3A_2340] {strides = array<i32>} : memref<1x1024xf32, #tpu.memory_space<vmem>>, vector<1x16xf32>,
    %get3A_2342 = vector.shape_cast %get3A_2341 : vector<1x16xf32> to vector<16xf32>
    %mul3A_2343 = arith.mulf %bitcast_convert_type3A, %get3A_2342 : vector<16xf32>
    %add3A_2344 = arith.addf %mul3A_2337, %mul3A_2343 : vector<16xf32>
    %swap3A_2345 = arith.constant 1 : i32
    %swap3A_2346 = arith.index_cast %swap3A_2345 : i32 to index
    %swap3A_2347 = arith.constant 704 : index
    %swap3A_2348 = tpu.vector_load %arg9[%swap3A_2346, %swap3A_2347] {strides = array<i32>} : memref<2x1024xf32, #tpu.memory_space<vmem>>, vector<1x16xf32>,
    %swap3A_2349 = vector.shape_cast %swap3A_2348 : vector<1x16xf32> to vector<16xf32>
    %swap3A_2350 = vector.shape_cast %add3A_2344 : vector<16xf32> to vector<1x16xf32>
    tpu.vector_store %arg9[%swap3A_2346, %swap3A_2347], %swap3A_2350 {strides = array<i32>} : memref<2x1024xf32, #tpu.memory_space<vmem>>, vector<1x16xf32>,
    %get3A_2351 = arith.constant 1 : i32
    %get3A_2352 = arith.index_cast %get3A_2351 : i32 to index
    %get3A_2353 = arith.constant 720 : index
    %get3A_2354 = tpu.vector_load %arg9[%get3A_2352, %get3A_2353] {strides = array<i32>} : memref<2x1024xf32, #tpu.memory_space<vmem>>, vector<1x16xf32>,
    %get3A_2355 = vector.shape_cast %get3A_2354 : vector<1x16xf32> to vector<16xf32>
    %mul3A_2356 = arith.constant 3.200000e+01 : f32
    %mul3A_2357 = vector.broadcast %mul3A_2356 : f32 to vector<16xf32>
    %mul3A_2358 = arith.mulf %get3A_2355, %mul3A_2357 : vector<16xf32>
    %get3A_2359 = arith.constant 0 : i32
    %get3A_2360 = arith.index_cast %get3A_2359 : i32 to index
    %get3A_2361 = arith.constant 720 : index
    %get3A_2362 = tpu.vector_load %arg11[%get3A_2360, %get3A_2361] {strides = array<i32>} : memref<1x1024xf32, #tpu.memory_space<vmem>>, vector<1x16xf32>,
    %get3A_2363 = vector.shape_cast %get3A_2362 : vector<1x16xf32> to vector<16xf32>
    %mul3A_2364 = arith.mulf %bitcast_convert_type3A, %get3A_2363 : vector<16xf32>
    %add3A_2365 = arith.addf %mul3A_2358, %mul3A_2364 : vector<16xf32>
    %swap3A_2366 = arith.constant 1 : i32
    %swap3A_2367 = arith.index_cast %swap3A_2366 : i32 to index
    %swap3A_2368 = arith.constant 720 : index
    %swap3A_2369 = tpu.vector_load %arg9[%swap3A_2367, %swap3A_2368] {strides = array<i32>} : memref<2x1024xf32, #tpu.memory_space<vmem>>, vector<1x16xf32>,
    %swap3A_2370 = vector.shape_cast %swap3A_2369 : vector<1x16xf32> to vector<16xf32>
    %swap3A_2371 = vector.shape_cast %add3A_2365 : vector<16xf32> to vector<1x16xf32>
    tpu.vector_store %arg9[%swap3A_2367, %swap3A_2368], %swap3A_2371 {strides = array<i32>} : memref<2x1024xf32, #tpu.memory_space<vmem>>, vector<1x16xf32>,
    %get3A_2372 = arith.constant 1 : i32
    %get3A_2373 = arith.index_cast %get3A_2372 : i32 to index
    %get3A_2374 = arith.constant 736 : index
    %get3A_2375 = tpu.vector_load %arg9[%get3A_2373, %get3A_2374] {strides = array<i32>} : memref<2x1024xf32, #tpu.memory_space<vmem>>, vector<1x16xf32>,
    %get3A_2376 = vector.shape_cast %get3A_2375 : vector<1x16xf32> to vector<16xf32>
    %mul3A_2377 = arith.constant 3.200000e+01 : f32
    %mul3A_2378 = vector.broadcast %mul3A_2377 : f32 to vector<16xf32>
    %mul3A_2379 = arith.mulf %get3A_2376, %mul3A_2378 : vector<16xf32>
    %get3A_2380 = arith.constant 0 : i32
    %get3A_2381 = arith.index_cast %get3A_2380 : i32 to index
    %get3A_2382 = arith.constant 736 : index
    %get3A_2383 = tpu.vector_load %arg11[%get3A_2381, %get3A_2382] {strides = array<i32>} : memref<1x1024xf32, #tpu.memory_space<vmem>>, vector<1x16xf32>,
    %get3A_2384 = vector.shape_cast %get3A_2383 : vector<1x16xf32> to vector<16xf32>
    %mul3A_2385 = arith.mulf %bitcast_convert_type3A, %get3A_2384 : vector<16xf32>
    %add3A_2386 = arith.addf %mul3A_2379, %mul3A_2385 : vector<16xf32>
    %swap3A_2387 = arith.constant 1 : i32
    %swap3A_2388 = arith.index_cast %swap3A_2387 : i32 to index
    %swap3A_2389 = arith.constant 736 : index
    %swap3A_2390 = tpu.vector_load %arg9[%swap3A_2388, %swap3A_2389] {strides = array<i32>} : memref<2x1024xf32, #tpu.memory_space<vmem>>, vector<1x16xf32>,
    %swap3A_2391 = vector.shape_cast %swap3A_2390 : vector<1x16xf32> to vector<16xf32>
    %swap3A_2392 = vector.shape_cast %add3A_2386 : vector<16xf32> to vector<1x16xf32>
    tpu.vector_store %arg9[%swap3A_2388, %swap3A_2389], %swap3A_2392 {strides = array<i32>} : memref<2x1024xf32, #tpu.memory_space<vmem>>, vector<1x16xf32>,
    %get3A_2393 = arith.constant 1 : i32
    %get3A_2394 = arith.index_cast %get3A_2393 : i32 to index
    %get3A_2395 = arith.constant 752 : index
    %get3A_2396 = tpu.vector_load %arg9[%get3A_2394, %get3A_2395] {strides = array<i32>} : memref<2x1024xf32, #tpu.memory_space<vmem>>, vector<1x16xf32>,
    %get3A_2397 = vector.shape_cast %get3A_2396 : vector<1x16xf32> to vector<16xf32>
    %mul3A_2398 = arith.constant 3.200000e+01 : f32
    %mul3A_2399 = vector.broadcast %mul3A_2398 : f32 to vector<16xf32>
    %mul3A_2400 = arith.mulf %get3A_2397, %mul3A_2399 : vector<16xf32>
    %get3A_2401 = arith.constant 0 : i32
    %get3A_2402 = arith.index_cast %get3A_2401 : i32 to index
    %get3A_2403 = arith.constant 752 : index
    %get3A_2404 = tpu.vector_load %arg11[%get3A_2402, %get3A_2403] {strides = array<i32>} : memref<1x1024xf32, #tpu.memory_space<vmem>>, vector<1x16xf32>,
    %get3A_2405 = vector.shape_cast %get3A_2404 : vector<1x16xf32> to vector<16xf32>
    %mul3A_2406 = arith.mulf %bitcast_convert_type3A, %get3A_2405 : vector<16xf32>
    %add3A_2407 = arith.addf %mul3A_2400, %mul3A_2406 : vector<16xf32>
    %swap3A_2408 = arith.constant 1 : i32
    %swap3A_2409 = arith.index_cast %swap3A_2408 : i32 to index
    %swap3A_2410 = arith.constant 752 : index
    %swap3A_2411 = tpu.vector_load %arg9[%swap3A_2409, %swap3A_2410] {strides = array<i32>} : memref<2x1024xf32, #tpu.memory_space<vmem>>, vector<1x16xf32>,
    %swap3A_2412 = vector.shape_cast %swap3A_2411 : vector<1x16xf32> to vector<16xf32>
    %swap3A_2413 = vector.shape_cast %add3A_2407 : vector<16xf32> to vector<1x16xf32>
    tpu.vector_store %arg9[%swap3A_2409, %swap3A_2410], %swap3A_2413 {strides = array<i32>} : memref<2x1024xf32, #tpu.memory_space<vmem>>, vector<1x16xf32>,
    %get3A_2414 = arith.constant 1 : i32
    %get3A_2415 = arith.index_cast %get3A_2414 : i32 to index
    %get3A_2416 = arith.constant 768 : index
    %get3A_2417 = tpu.vector_load %arg9[%get3A_2415, %get3A_2416] {strides = array<i32>} : memref<2x1024xf32, #tpu.memory_space<vmem>>, vector<1x16xf32>,
    %get3A_2418 = vector.shape_cast %get3A_2417 : vector<1x16xf32> to vector<16xf32>
    %mul3A_2419 = arith.constant 3.200000e+01 : f32
    %mul3A_2420 = vector.broadcast %mul3A_2419 : f32 to vector<16xf32>
    %mul3A_2421 = arith.mulf %get3A_2418, %mul3A_2420 : vector<16xf32>
    %get3A_2422 = arith.constant 0 : i32
    %get3A_2423 = arith.index_cast %get3A_2422 : i32 to index
    %get3A_2424 = arith.constant 768 : index
    %get3A_2425 = tpu.vector_load %arg11[%get3A_2423, %get3A_2424] {strides = array<i32>} : memref<1x1024xf32, #tpu.memory_space<vmem>>, vector<1x16xf32>,
    %get3A_2426 = vector.shape_cast %get3A_2425 : vector<1x16xf32> to vector<16xf32>
    %mul3A_2427 = arith.mulf %bitcast_convert_type3A, %get3A_2426 : vector<16xf32>
    %add3A_2428 = arith.addf %mul3A_2421, %mul3A_2427 : vector<16xf32>
    %swap3A_2429 = arith.constant 1 : i32
    %swap3A_2430 = arith.index_cast %swap3A_2429 : i32 to index
    %swap3A_2431 = arith.constant 768 : index
    %swap3A_2432 = tpu.vector_load %arg9[%swap3A_2430, %swap3A_2431] {strides = array<i32>} : memref<2x1024xf32, #tpu.memory_space<vmem>>, vector<1x16xf32>,
    %swap3A_2433 = vector.shape_cast %swap3A_2432 : vector<1x16xf32> to vector<16xf32>
    %swap3A_2434 = vector.shape_cast %add3A_2428 : vector<16xf32> to vector<1x16xf32>
    tpu.vector_store %arg9[%swap3A_2430, %swap3A_2431], %swap3A_2434 {strides = array<i32>} : memref<2x1024xf32, #tpu.memory_space<vmem>>, vector<1x16xf32>,
    %get3A_2435 = arith.constant 1 : i32
    %get3A_2436 = arith.index_cast %get3A_2435 : i32 to index
    %get3A_2437 = arith.constant 784 : index
    %get3A_2438 = tpu.vector_load %arg9[%get3A_2436, %get3A_2437] {strides = array<i32>} : memref<2x1024xf32, #tpu.memory_space<vmem>>, vector<1x16xf32>,
    %get3A_2439 = vector.shape_cast %get3A_2438 : vector<1x16xf32> to vector<16xf32>
    %mul3A_2440 = arith.constant 3.200000e+01 : f32
    %mul3A_2441 = vector.broadcast %mul3A_2440 : f32 to vector<16xf32>
    %mul3A_2442 = arith.mulf %get3A_2439, %mul3A_2441 : vector<16xf32>
    %get3A_2443 = arith.constant 0 : i32
    %get3A_2444 = arith.index_cast %get3A_2443 : i32 to index
    %get3A_2445 = arith.constant 784 : index
    %get3A_2446 = tpu.vector_load %arg11[%get3A_2444, %get3A_2445] {strides = array<i32>} : memref<1x1024xf32, #tpu.memory_space<vmem>>, vector<1x16xf32>,
    %get3A_2447 = vector.shape_cast %get3A_2446 : vector<1x16xf32> to vector<16xf32>
    %mul3A_2448 = arith.mulf %bitcast_convert_type3A, %get3A_2447 : vector<16xf32>
    %add3A_2449 = arith.addf %mul3A_2442, %mul3A_2448 : vector<16xf32>
    %swap3A_2450 = arith.constant 1 : i32
    %swap3A_2451 = arith.index_cast %swap3A_2450 : i32 to index
    %swap3A_2452 = arith.constant 784 : index
    %swap3A_2453 = tpu.vector_load %arg9[%swap3A_2451, %swap3A_2452] {strides = array<i32>} : memref<2x1024xf32, #tpu.memory_space<vmem>>, vector<1x16xf32>,
    %swap3A_2454 = vector.shape_cast %swap3A_2453 : vector<1x16xf32> to vector<16xf32>
    %swap3A_2455 = vector.shape_cast %add3A_2449 : vector<16xf32> to vector<1x16xf32>
    tpu.vector_store %arg9[%swap3A_2451, %swap3A_2452], %swap3A_2455 {strides = array<i32>} : memref<2x1024xf32, #tpu.memory_space<vmem>>, vector<1x16xf32>,
    %get3A_2456 = arith.constant 1 : i32
    %get3A_2457 = arith.index_cast %get3A_2456 : i32 to index
    %get3A_2458 = arith.constant 800 : index
    %get3A_2459 = tpu.vector_load %arg9[%get3A_2457, %get3A_2458] {strides = array<i32>} : memref<2x1024xf32, #tpu.memory_space<vmem>>, vector<1x16xf32>,
    %get3A_2460 = vector.shape_cast %get3A_2459 : vector<1x16xf32> to vector<16xf32>
    %mul3A_2461 = arith.constant 3.200000e+01 : f32
    %mul3A_2462 = vector.broadcast %mul3A_2461 : f32 to vector<16xf32>
    %mul3A_2463 = arith.mulf %get3A_2460, %mul3A_2462 : vector<16xf32>
    %get3A_2464 = arith.constant 0 : i32
    %get3A_2465 = arith.index_cast %get3A_2464 : i32 to index
    %get3A_2466 = arith.constant 800 : index
    %get3A_2467 = tpu.vector_load %arg11[%get3A_2465, %get3A_2466] {strides = array<i32>} : memref<1x1024xf32, #tpu.memory_space<vmem>>, vector<1x16xf32>,
    %get3A_2468 = vector.shape_cast %get3A_2467 : vector<1x16xf32> to vector<16xf32>
    %mul3A_2469 = arith.mulf %bitcast_convert_type3A, %get3A_2468 : vector<16xf32>
    %add3A_2470 = arith.addf %mul3A_2463, %mul3A_2469 : vector<16xf32>
    %swap3A_2471 = arith.constant 1 : i32
    %swap3A_2472 = arith.index_cast %swap3A_2471 : i32 to index
    %swap3A_2473 = arith.constant 800 : index
    %swap3A_2474 = tpu.vector_load %arg9[%swap3A_2472, %swap3A_2473] {strides = array<i32>} : memref<2x1024xf32, #tpu.memory_space<vmem>>, vector<1x16xf32>,
    %swap3A_2475 = vector.shape_cast %swap3A_2474 : vector<1x16xf32> to vector<16xf32>
    %swap3A_2476 = vector.shape_cast %add3A_2470 : vector<16xf32> to vector<1x16xf32>
    tpu.vector_store %arg9[%swap3A_2472, %swap3A_2473], %swap3A_2476 {strides = array<i32>} : memref<2x1024xf32, #tpu.memory_space<vmem>>, vector<1x16xf32>,
    %get3A_2477 = arith.constant 1 : i32
    %get3A_2478 = arith.index_cast %get3A_2477 : i32 to index
    %get3A_2479 = arith.constant 816 : index
    %get3A_2480 = tpu.vector_load %arg9[%get3A_2478, %get3A_2479] {strides = array<i32>} : memref<2x1024xf32, #tpu.memory_space<vmem>>, vector<1x16xf32>,
    %get3A_2481 = vector.shape_cast %get3A_2480 : vector<1x16xf32> to vector<16xf32>
    %mul3A_2482 = arith.constant 3.200000e+01 : f32
    %mul3A_2483 = vector.broadcast %mul3A_2482 : f32 to vector<16xf32>
    %mul3A_2484 = arith.mulf %get3A_2481, %mul3A_2483 : vector<16xf32>
    %get3A_2485 = arith.constant 0 : i32
    %get3A_2486 = arith.index_cast %get3A_2485 : i32 to index
    %get3A_2487 = arith.constant 816 : index
    %get3A_2488 = tpu.vector_load %arg11[%get3A_2486, %get3A_2487] {strides = array<i32>} : memref<1x1024xf32, #tpu.memory_space<vmem>>, vector<1x16xf32>,
    %get3A_2489 = vector.shape_cast %get3A_2488 : vector<1x16xf32> to vector<16xf32>
    %mul3A_2490 = arith.mulf %bitcast_convert_type3A, %get3A_2489 : vector<16xf32>
    %add3A_2491 = arith.addf %mul3A_2484, %mul3A_2490 : vector<16xf32>
    %swap3A_2492 = arith.constant 1 : i32
    %swap3A_2493 = arith.index_cast %swap3A_2492 : i32 to index
    %swap3A_2494 = arith.constant 816 : index
    %swap3A_2495 = tpu.vector_load %arg9[%swap3A_2493, %swap3A_2494] {strides = array<i32>} : memref<2x1024xf32, #tpu.memory_space<vmem>>, vector<1x16xf32>,
    %swap3A_2496 = vector.shape_cast %swap3A_2495 : vector<1x16xf32> to vector<16xf32>
    %swap3A_2497 = vector.shape_cast %add3A_2491 : vector<16xf32> to vector<1x16xf32>
    tpu.vector_store %arg9[%swap3A_2493, %swap3A_2494], %swap3A_2497 {strides = array<i32>} : memref<2x1024xf32, #tpu.memory_space<vmem>>, vector<1x16xf32>,
    %get3A_2498 = arith.constant 1 : i32
    %get3A_2499 = arith.index_cast %get3A_2498 : i32 to index
    %get3A_2500 = arith.constant 832 : index
    %get3A_2501 = tpu.vector_load %arg9[%get3A_2499, %get3A_2500] {strides = array<i32>} : memref<2x1024xf32, #tpu.memory_space<vmem>>, vector<1x16xf32>,
    %get3A_2502 = vector.shape_cast %get3A_2501 : vector<1x16xf32> to vector<16xf32>
    %mul3A_2503 = arith.constant 3.200000e+01 : f32
    %mul3A_2504 = vector.broadcast %mul3A_2503 : f32 to vector<16xf32>
    %mul3A_2505 = arith.mulf %get3A_2502, %mul3A_2504 : vector<16xf32>
    %get3A_2506 = arith.constant 0 : i32
    %get3A_2507 = arith.index_cast %get3A_2506 : i32 to index
    %get3A_2508 = arith.constant 832 : index
    %get3A_2509 = tpu.vector_load %arg11[%get3A_2507, %get3A_2508] {strides = array<i32>} : memref<1x1024xf32, #tpu.memory_space<vmem>>, vector<1x16xf32>,
    %get3A_2510 = vector.shape_cast %get3A_2509 : vector<1x16xf32> to vector<16xf32>
    %mul3A_2511 = arith.mulf %bitcast_convert_type3A, %get3A_2510 : vector<16xf32>
    %add3A_2512 = arith.addf %mul3A_2505, %mul3A_2511 : vector<16xf32>
    %swap3A_2513 = arith.constant 1 : i32
    %swap3A_2514 = arith.index_cast %swap3A_2513 : i32 to index
    %swap3A_2515 = arith.constant 832 : index
    %swap3A_2516 = tpu.vector_load %arg9[%swap3A_2514, %swap3A_2515] {strides = array<i32>} : memref<2x1024xf32, #tpu.memory_space<vmem>>, vector<1x16xf32>,
    %swap3A_2517 = vector.shape_cast %swap3A_2516 : vector<1x16xf32> to vector<16xf32>
    %swap3A_2518 = vector.shape_cast %add3A_2512 : vector<16xf32> to vector<1x16xf32>
    tpu.vector_store %arg9[%swap3A_2514, %swap3A_2515], %swap3A_2518 {strides = array<i32>} : memref<2x1024xf32, #tpu.memory_space<vmem>>, vector<1x16xf32>,
    %get3A_2519 = arith.constant 1 : i32
    %get3A_2520 = arith.index_cast %get3A_2519 : i32 to index
    %get3A_2521 = arith.constant 848 : index
    %get3A_2522 = tpu.vector_load %arg9[%get3A_2520, %get3A_2521] {strides = array<i32>} : memref<2x1024xf32, #tpu.memory_space<vmem>>, vector<1x16xf32>,
    %get3A_2523 = vector.shape_cast %get3A_2522 : vector<1x16xf32> to vector<16xf32>
    %mul3A_2524 = arith.constant 3.200000e+01 : f32
    %mul3A_2525 = vector.broadcast %mul3A_2524 : f32 to vector<16xf32>
    %mul3A_2526 = arith.mulf %get3A_2523, %mul3A_2525 : vector<16xf32>
    %get3A_2527 = arith.constant 0 : i32
    %get3A_2528 = arith.index_cast %get3A_2527 : i32 to index
    %get3A_2529 = arith.constant 848 : index
    %get3A_2530 = tpu.vector_load %arg11[%get3A_2528, %get3A_2529] {strides = array<i32>} : memref<1x1024xf32, #tpu.memory_space<vmem>>, vector<1x16xf32>,
    %get3A_2531 = vector.shape_cast %get3A_2530 : vector<1x16xf32> to vector<16xf32>
    %mul3A_2532 = arith.mulf %bitcast_convert_type3A, %get3A_2531 : vector<16xf32>
    %add3A_2533 = arith.addf %mul3A_2526, %mul3A_2532 : vector<16xf32>
    %swap3A_2534 = arith.constant 1 : i32
    %swap3A_2535 = arith.index_cast %swap3A_2534 : i32 to index
    %swap3A_2536 = arith.constant 848 : index
    %swap3A_2537 = tpu.vector_load %arg9[%swap3A_2535, %swap3A_2536] {strides = array<i32>} : memref<2x1024xf32, #tpu.memory_space<vmem>>, vector<1x16xf32>,
    %swap3A_2538 = vector.shape_cast %swap3A_2537 : vector<1x16xf32> to vector<16xf32>
    %swap3A_2539 = vector.shape_cast %add3A_2533 : vector<16xf32> to vector<1x16xf32>
    tpu.vector_store %arg9[%swap3A_2535, %swap3A_2536], %swap3A_2539 {strides = array<i32>} : memref<2x1024xf32, #tpu.memory_space<vmem>>, vector<1x16xf32>,
    %get3A_2540 = arith.constant 1 : i32
    %get3A_2541 = arith.index_cast %get3A_2540 : i32 to index
    %get3A_2542 = arith.constant 864 : index
    %get3A_2543 = tpu.vector_load %arg9[%get3A_2541, %get3A_2542] {strides = array<i32>} : memref<2x1024xf32, #tpu.memory_space<vmem>>, vector<1x16xf32>,
    %get3A_2544 = vector.shape_cast %get3A_2543 : vector<1x16xf32> to vector<16xf32>
    %mul3A_2545 = arith.constant 3.200000e+01 : f32
    %mul3A_2546 = vector.broadcast %mul3A_2545 : f32 to vector<16xf32>
    %mul3A_2547 = arith.mulf %get3A_2544, %mul3A_2546 : vector<16xf32>
    %get3A_2548 = arith.constant 0 : i32
    %get3A_2549 = arith.index_cast %get3A_2548 : i32 to index
    %get3A_2550 = arith.constant 864 : index
    %get3A_2551 = tpu.vector_load %arg11[%get3A_2549, %get3A_2550] {strides = array<i32>} : memref<1x1024xf32, #tpu.memory_space<vmem>>, vector<1x16xf32>,
    %get3A_2552 = vector.shape_cast %get3A_2551 : vector<1x16xf32> to vector<16xf32>
    %mul3A_2553 = arith.mulf %bitcast_convert_type3A, %get3A_2552 : vector<16xf32>
    %add3A_2554 = arith.addf %mul3A_2547, %mul3A_2553 : vector<16xf32>
    %swap3A_2555 = arith.constant 1 : i32
    %swap3A_2556 = arith.index_cast %swap3A_2555 : i32 to index
    %swap3A_2557 = arith.constant 864 : index
    %swap3A_2558 = tpu.vector_load %arg9[%swap3A_2556, %swap3A_2557] {strides = array<i32>} : memref<2x1024xf32, #tpu.memory_space<vmem>>, vector<1x16xf32>,
    %swap3A_2559 = vector.shape_cast %swap3A_2558 : vector<1x16xf32> to vector<16xf32>
    %swap3A_2560 = vector.shape_cast %add3A_2554 : vector<16xf32> to vector<1x16xf32>
    tpu.vector_store %arg9[%swap3A_2556, %swap3A_2557], %swap3A_2560 {strides = array<i32>} : memref<2x1024xf32, #tpu.memory_space<vmem>>, vector<1x16xf32>,
    %get3A_2561 = arith.constant 1 : i32
    %get3A_2562 = arith.index_cast %get3A_2561 : i32 to index
    %get3A_2563 = arith.constant 880 : index
    %get3A_2564 = tpu.vector_load %arg9[%get3A_2562, %get3A_2563] {strides = array<i32>} : memref<2x1024xf32, #tpu.memory_space<vmem>>, vector<1x16xf32>,
    %get3A_2565 = vector.shape_cast %get3A_2564 : vector<1x16xf32> to vector<16xf32>
    %mul3A_2566 = arith.constant 3.200000e+01 : f32
    %mul3A_2567 = vector.broadcast %mul3A_2566 : f32 to vector<16xf32>
    %mul3A_2568 = arith.mulf %get3A_2565, %mul3A_2567 : vector<16xf32>
    %get3A_2569 = arith.constant 0 : i32
    %get3A_2570 = arith.index_cast %get3A_2569 : i32 to index
    %get3A_2571 = arith.constant 880 : index
    %get3A_2572 = tpu.vector_load %arg11[%get3A_2570, %get3A_2571] {strides = array<i32>} : memref<1x1024xf32, #tpu.memory_space<vmem>>, vector<1x16xf32>,
    %get3A_2573 = vector.shape_cast %get3A_2572 : vector<1x16xf32> to vector<16xf32>
    %mul3A_2574 = arith.mulf %bitcast_convert_type3A, %get3A_2573 : vector<16xf32>
    %add3A_2575 = arith.addf %mul3A_2568, %mul3A_2574 : vector<16xf32>
    %swap3A_2576 = arith.constant 1 : i32
    %swap3A_2577 = arith.index_cast %swap3A_2576 : i32 to index
    %swap3A_2578 = arith.constant 880 : index
    %swap3A_2579 = tpu.vector_load %arg9[%swap3A_2577, %swap3A_2578] {strides = array<i32>} : memref<2x1024xf32, #tpu.memory_space<vmem>>, vector<1x16xf32>,
    %swap3A_2580 = vector.shape_cast %swap3A_2579 : vector<1x16xf32> to vector<16xf32>
    %swap3A_2581 = vector.shape_cast %add3A_2575 : vector<16xf32> to vector<1x16xf32>
    tpu.vector_store %arg9[%swap3A_2577, %swap3A_2578], %swap3A_2581 {strides = array<i32>} : memref<2x1024xf32, #tpu.memory_space<vmem>>, vector<1x16xf32>,
    %get3A_2582 = arith.constant 1 : i32
    %get3A_2583 = arith.index_cast %get3A_2582 : i32 to index
    %get3A_2584 = arith.constant 896 : index
    %get3A_2585 = tpu.vector_load %arg9[%get3A_2583, %get3A_2584] {strides = array<i32>} : memref<2x1024xf32, #tpu.memory_space<vmem>>, vector<1x16xf32>,
    %get3A_2586 = vector.shape_cast %get3A_2585 : vector<1x16xf32> to vector<16xf32>
    %mul3A_2587 = arith.constant 3.200000e+01 : f32
    %mul3A_2588 = vector.broadcast %mul3A_2587 : f32 to vector<16xf32>
    %mul3A_2589 = arith.mulf %get3A_2586, %mul3A_2588 : vector<16xf32>
    %get3A_2590 = arith.constant 0 : i32
    %get3A_2591 = arith.index_cast %get3A_2590 : i32 to index
    %get3A_2592 = arith.constant 896 : index
    %get3A_2593 = tpu.vector_load %arg11[%get3A_2591, %get3A_2592] {strides = array<i32>} : memref<1x1024xf32, #tpu.memory_space<vmem>>, vector<1x16xf32>,
    %get3A_2594 = vector.shape_cast %get3A_2593 : vector<1x16xf32> to vector<16xf32>
    %mul3A_2595 = arith.mulf %bitcast_convert_type3A, %get3A_2594 : vector<16xf32>
    %add3A_2596 = arith.addf %mul3A_2589, %mul3A_2595 : vector<16xf32>
    %swap3A_2597 = arith.constant 1 : i32
    %swap3A_2598 = arith.index_cast %swap3A_2597 : i32 to index
    %swap3A_2599 = arith.constant 896 : index
    %swap3A_2600 = tpu.vector_load %arg9[%swap3A_2598, %swap3A_2599] {strides = array<i32>} : memref<2x1024xf32, #tpu.memory_space<vmem>>, vector<1x16xf32>,
    %swap3A_2601 = vector.shape_cast %swap3A_2600 : vector<1x16xf32> to vector<16xf32>
    %swap3A_2602 = vector.shape_cast %add3A_2596 : vector<16xf32> to vector<1x16xf32>
    tpu.vector_store %arg9[%swap3A_2598, %swap3A_2599], %swap3A_2602 {strides = array<i32>} : memref<2x1024xf32, #tpu.memory_space<vmem>>, vector<1x16xf32>,
    %get3A_2603 = arith.constant 1 : i32
    %get3A_2604 = arith.index_cast %get3A_2603 : i32 to index
    %get3A_2605 = arith.constant 912 : index
    %get3A_2606 = tpu.vector_load %arg9[%get3A_2604, %get3A_2605] {strides = array<i32>} : memref<2x1024xf32, #tpu.memory_space<vmem>>, vector<1x16xf32>,
    %get3A_2607 = vector.shape_cast %get3A_2606 : vector<1x16xf32> to vector<16xf32>
    %mul3A_2608 = arith.constant 3.200000e+01 : f32
    %mul3A_2609 = vector.broadcast %mul3A_2608 : f32 to vector<16xf32>
    %mul3A_2610 = arith.mulf %get3A_2607, %mul3A_2609 : vector<16xf32>
    %get3A_2611 = arith.constant 0 : i32
    %get3A_2612 = arith.index_cast %get3A_2611 : i32 to index
    %get3A_2613 = arith.constant 912 : index
    %get3A_2614 = tpu.vector_load %arg11[%get3A_2612, %get3A_2613] {strides = array<i32>} : memref<1x1024xf32, #tpu.memory_space<vmem>>, vector<1x16xf32>,
    %get3A_2615 = vector.shape_cast %get3A_2614 : vector<1x16xf32> to vector<16xf32>
    %mul3A_2616 = arith.mulf %bitcast_convert_type3A, %get3A_2615 : vector<16xf32>
    %add3A_2617 = arith.addf %mul3A_2610, %mul3A_2616 : vector<16xf32>
    %swap3A_2618 = arith.constant 1 : i32
    %swap3A_2619 = arith.index_cast %swap3A_2618 : i32 to index
    %swap3A_2620 = arith.constant 912 : index
    %swap3A_2621 = tpu.vector_load %arg9[%swap3A_2619, %swap3A_2620] {strides = array<i32>} : memref<2x1024xf32, #tpu.memory_space<vmem>>, vector<1x16xf32>,
    %swap3A_2622 = vector.shape_cast %swap3A_2621 : vector<1x16xf32> to vector<16xf32>
    %swap3A_2623 = vector.shape_cast %add3A_2617 : vector<16xf32> to vector<1x16xf32>
    tpu.vector_store %arg9[%swap3A_2619, %swap3A_2620], %swap3A_2623 {strides = array<i32>} : memref<2x1024xf32, #tpu.memory_space<vmem>>, vector<1x16xf32>,
    %get3A_2624 = arith.constant 1 : i32
    %get3A_2625 = arith.index_cast %get3A_2624 : i32 to index
    %get3A_2626 = arith.constant 928 : index
    %get3A_2627 = tpu.vector_load %arg9[%get3A_2625, %get3A_2626] {strides = array<i32>} : memref<2x1024xf32, #tpu.memory_space<vmem>>, vector<1x16xf32>,
    %get3A_2628 = vector.shape_cast %get3A_2627 : vector<1x16xf32> to vector<16xf32>
    %mul3A_2629 = arith.constant 3.200000e+01 : f32
    %mul3A_2630 = vector.broadcast %mul3A_2629 : f32 to vector<16xf32>
    %mul3A_2631 = arith.mulf %get3A_2628, %mul3A_2630 : vector<16xf32>
    %get3A_2632 = arith.constant 0 : i32
    %get3A_2633 = arith.index_cast %get3A_2632 : i32 to index
    %get3A_2634 = arith.constant 928 : index
    %get3A_2635 = tpu.vector_load %arg11[%get3A_2633, %get3A_2634] {strides = array<i32>} : memref<1x1024xf32, #tpu.memory_space<vmem>>, vector<1x16xf32>,
    %get3A_2636 = vector.shape_cast %get3A_2635 : vector<1x16xf32> to vector<16xf32>
    %mul3A_2637 = arith.mulf %bitcast_convert_type3A, %get3A_2636 : vector<16xf32>
    %add3A_2638 = arith.addf %mul3A_2631, %mul3A_2637 : vector<16xf32>
    %swap3A_2639 = arith.constant 1 : i32
    %swap3A_2640 = arith.index_cast %swap3A_2639 : i32 to index
    %swap3A_2641 = arith.constant 928 : index
    %swap3A_2642 = tpu.vector_load %arg9[%swap3A_2640, %swap3A_2641] {strides = array<i32>} : memref<2x1024xf32, #tpu.memory_space<vmem>>, vector<1x16xf32>,
    %swap3A_2643 = vector.shape_cast %swap3A_2642 : vector<1x16xf32> to vector<16xf32>
    %swap3A_2644 = vector.shape_cast %add3A_2638 : vector<16xf32> to vector<1x16xf32>
    tpu.vector_store %arg9[%swap3A_2640, %swap3A_2641], %swap3A_2644 {strides = array<i32>} : memref<2x1024xf32, #tpu.memory_space<vmem>>, vector<1x16xf32>,
    %get3A_2645 = arith.constant 1 : i32
    %get3A_2646 = arith.index_cast %get3A_2645 : i32 to index
    %get3A_2647 = arith.constant 944 : index
    %get3A_2648 = tpu.vector_load %arg9[%get3A_2646, %get3A_2647] {strides = array<i32>} : memref<2x1024xf32, #tpu.memory_space<vmem>>, vector<1x16xf32>,
    %get3A_2649 = vector.shape_cast %get3A_2648 : vector<1x16xf32> to vector<16xf32>
    %mul3A_2650 = arith.constant 3.200000e+01 : f32
    %mul3A_2651 = vector.broadcast %mul3A_2650 : f32 to vector<16xf32>
    %mul3A_2652 = arith.mulf %get3A_2649, %mul3A_2651 : vector<16xf32>
    %get3A_2653 = arith.constant 0 : i32
    %get3A_2654 = arith.index_cast %get3A_2653 : i32 to index
    %get3A_2655 = arith.constant 944 : index
    %get3A_2656 = tpu.vector_load %arg11[%get3A_2654, %get3A_2655] {strides = array<i32>} : memref<1x1024xf32, #tpu.memory_space<vmem>>, vector<1x16xf32>,
    %get3A_2657 = vector.shape_cast %get3A_2656 : vector<1x16xf32> to vector<16xf32>
    %mul3A_2658 = arith.mulf %bitcast_convert_type3A, %get3A_2657 : vector<16xf32>
    %add3A_2659 = arith.addf %mul3A_2652, %mul3A_2658 : vector<16xf32>
    %swap3A_2660 = arith.constant 1 : i32
    %swap3A_2661 = arith.index_cast %swap3A_2660 : i32 to index
    %swap3A_2662 = arith.constant 944 : index
    %swap3A_2663 = tpu.vector_load %arg9[%swap3A_2661, %swap3A_2662] {strides = array<i32>} : memref<2x1024xf32, #tpu.memory_space<vmem>>, vector<1x16xf32>,
    %swap3A_2664 = vector.shape_cast %swap3A_2663 : vector<1x16xf32> to vector<16xf32>
    %swap3A_2665 = vector.shape_cast %add3A_2659 : vector<16xf32> to vector<1x16xf32>
    tpu.vector_store %arg9[%swap3A_2661, %swap3A_2662], %swap3A_2665 {strides = array<i32>} : memref<2x1024xf32, #tpu.memory_space<vmem>>, vector<1x16xf32>,
    %get3A_2666 = arith.constant 1 : i32
    %get3A_2667 = arith.index_cast %get3A_2666 : i32 to index
    %get3A_2668 = arith.constant 960 : index
    %get3A_2669 = tpu.vector_load %arg9[%get3A_2667, %get3A_2668] {strides = array<i32>} : memref<2x1024xf32, #tpu.memory_space<vmem>>, vector<1x16xf32>,
    %get3A_2670 = vector.shape_cast %get3A_2669 : vector<1x16xf32> to vector<16xf32>
    %mul3A_2671 = arith.constant 3.200000e+01 : f32
    %mul3A_2672 = vector.broadcast %mul3A_2671 : f32 to vector<16xf32>
    %mul3A_2673 = arith.mulf %get3A_2670, %mul3A_2672 : vector<16xf32>
    %get3A_2674 = arith.constant 0 : i32
    %get3A_2675 = arith.index_cast %get3A_2674 : i32 to index
    %get3A_2676 = arith.constant 960 : index
    %get3A_2677 = tpu.vector_load %arg11[%get3A_2675, %get3A_2676] {strides = array<i32>} : memref<1x1024xf32, #tpu.memory_space<vmem>>, vector<1x16xf32>,
    %get3A_2678 = vector.shape_cast %get3A_2677 : vector<1x16xf32> to vector<16xf32>
    %mul3A_2679 = arith.mulf %bitcast_convert_type3A, %get3A_2678 : vector<16xf32>
    %add3A_2680 = arith.addf %mul3A_2673, %mul3A_2679 : vector<16xf32>
    %swap3A_2681 = arith.constant 1 : i32
    %swap3A_2682 = arith.index_cast %swap3A_2681 : i32 to index
    %swap3A_2683 = arith.constant 960 : index
    %swap3A_2684 = tpu.vector_load %arg9[%swap3A_2682, %swap3A_2683] {strides = array<i32>} : memref<2x1024xf32, #tpu.memory_space<vmem>>, vector<1x16xf32>,
    %swap3A_2685 = vector.shape_cast %swap3A_2684 : vector<1x16xf32> to vector<16xf32>
    %swap3A_2686 = vector.shape_cast %add3A_2680 : vector<16xf32> to vector<1x16xf32>
    tpu.vector_store %arg9[%swap3A_2682, %swap3A_2683], %swap3A_2686 {strides = array<i32>} : memref<2x1024xf32, #tpu.memory_space<vmem>>, vector<1x16xf32>,
    %get3A_2687 = arith.constant 1 : i32
    %get3A_2688 = arith.index_cast %get3A_2687 : i32 to index
    %get3A_2689 = arith.constant 976 : index
    %get3A_2690 = tpu.vector_load %arg9[%get3A_2688, %get3A_2689] {strides = array<i32>} : memref<2x1024xf32, #tpu.memory_space<vmem>>, vector<1x16xf32>,
    %get3A_2691 = vector.shape_cast %get3A_2690 : vector<1x16xf32> to vector<16xf32>
    %mul3A_2692 = arith.constant 3.200000e+01 : f32
    %mul3A_2693 = vector.broadcast %mul3A_2692 : f32 to vector<16xf32>
    %mul3A_2694 = arith.mulf %get3A_2691, %mul3A_2693 : vector<16xf32>
    %get3A_2695 = arith.constant 0 : i32
    %get3A_2696 = arith.index_cast %get3A_2695 : i32 to index
    %get3A_2697 = arith.constant 976 : index
    %get3A_2698 = tpu.vector_load %arg11[%get3A_2696, %get3A_2697] {strides = array<i32>} : memref<1x1024xf32, #tpu.memory_space<vmem>>, vector<1x16xf32>,
    %get3A_2699 = vector.shape_cast %get3A_2698 : vector<1x16xf32> to vector<16xf32>
    %mul3A_2700 = arith.mulf %bitcast_convert_type3A, %get3A_2699 : vector<16xf32>
    %add3A_2701 = arith.addf %mul3A_2694, %mul3A_2700 : vector<16xf32>
    %swap3A_2702 = arith.constant 1 : i32
    %swap3A_2703 = arith.index_cast %swap3A_2702 : i32 to index
    %swap3A_2704 = arith.constant 976 : index
    %swap3A_2705 = tpu.vector_load %arg9[%swap3A_2703, %swap3A_2704] {strides = array<i32>} : memref<2x1024xf32, #tpu.memory_space<vmem>>, vector<1x16xf32>,
    %swap3A_2706 = vector.shape_cast %swap3A_2705 : vector<1x16xf32> to vector<16xf32>
    %swap3A_2707 = vector.shape_cast %add3A_2701 : vector<16xf32> to vector<1x16xf32>
    tpu.vector_store %arg9[%swap3A_2703, %swap3A_2704], %swap3A_2707 {strides = array<i32>} : memref<2x1024xf32, #tpu.memory_space<vmem>>, vector<1x16xf32>,
    %get3A_2708 = arith.constant 1 : i32
    %get3A_2709 = arith.index_cast %get3A_2708 : i32 to index
    %get3A_2710 = arith.constant 992 : index
    %get3A_2711 = tpu.vector_load %arg9[%get3A_2709, %get3A_2710] {strides = array<i32>} : memref<2x1024xf32, #tpu.memory_space<vmem>>, vector<1x16xf32>,
    %get3A_2712 = vector.shape_cast %get3A_2711 : vector<1x16xf32> to vector<16xf32>
    %mul3A_2713 = arith.constant 3.200000e+01 : f32
    %mul3A_2714 = vector.broadcast %mul3A_2713 : f32 to vector<16xf32>
    %mul3A_2715 = arith.mulf %get3A_2712, %mul3A_2714 : vector<16xf32>
    %get3A_2716 = arith.constant 0 : i32
    %get3A_2717 = arith.index_cast %get3A_2716 : i32 to index
    %get3A_2718 = arith.constant 992 : index
    %get3A_2719 = tpu.vector_load %arg11[%get3A_2717, %get3A_2718] {strides = array<i32>} : memref<1x1024xf32, #tpu.memory_space<vmem>>, vector<1x16xf32>,
    %get3A_2720 = vector.shape_cast %get3A_2719 : vector<1x16xf32> to vector<16xf32>
    %mul3A_2721 = arith.mulf %bitcast_convert_type3A, %get3A_2720 : vector<16xf32>
    %add3A_2722 = arith.addf %mul3A_2715, %mul3A_2721 : vector<16xf32>
    %swap3A_2723 = arith.constant 1 : i32
    %swap3A_2724 = arith.index_cast %swap3A_2723 : i32 to index
    %swap3A_2725 = arith.constant 992 : index
    %swap3A_2726 = tpu.vector_load %arg9[%swap3A_2724, %swap3A_2725] {strides = array<i32>} : memref<2x1024xf32, #tpu.memory_space<vmem>>, vector<1x16xf32>,
    %swap3A_2727 = vector.shape_cast %swap3A_2726 : vector<1x16xf32> to vector<16xf32>
    %swap3A_2728 = vector.shape_cast %add3A_2722 : vector<16xf32> to vector<1x16xf32>
    tpu.vector_store %arg9[%swap3A_2724, %swap3A_2725], %swap3A_2728 {strides = array<i32>} : memref<2x1024xf32, #tpu.memory_space<vmem>>, vector<1x16xf32>,
    %get3A_2729 = arith.constant 1 : i32
    %get3A_2730 = arith.index_cast %get3A_2729 : i32 to index
    %get3A_2731 = arith.constant 1008 : index
    %get3A_2732 = tpu.vector_load %arg9[%get3A_2730, %get3A_2731] {strides = array<i32>} : memref<2x1024xf32, #tpu.memory_space<vmem>>, vector<1x16xf32>,
    %get3A_2733 = vector.shape_cast %get3A_2732 : vector<1x16xf32> to vector<16xf32>
    %mul3A_2734 = arith.constant 3.200000e+01 : f32
    %mul3A_2735 = vector.broadcast %mul3A_2734 : f32 to vector<16xf32>
    %mul3A_2736 = arith.mulf %get3A_2733, %mul3A_2735 : vector<16xf32>
    %get3A_2737 = arith.constant 0 : i32
    %get3A_2738 = arith.index_cast %get3A_2737 : i32 to index
    %get3A_2739 = arith.constant 1008 : index
    %get3A_2740 = tpu.vector_load %arg11[%get3A_2738, %get3A_2739] {strides = array<i32>} : memref<1x1024xf32, #tpu.memory_space<vmem>>, vector<1x16xf32>,
    %get3A_2741 = vector.shape_cast %get3A_2740 : vector<1x16xf32> to vector<16xf32>
    %mul3A_2742 = arith.mulf %bitcast_convert_type3A, %get3A_2741 : vector<16xf32>
    %add3A_2743 = arith.addf %mul3A_2736, %mul3A_2742 : vector<16xf32>
    %swap3A_2744 = arith.constant 1 : i32
    %swap3A_2745 = arith.index_cast %swap3A_2744 : i32 to index
    %swap3A_2746 = arith.constant 1008 : index
    %swap3A_2747 = tpu.vector_load %arg9[%swap3A_2745, %swap3A_2746] {strides = array<i32>} : memref<2x1024xf32, #tpu.memory_space<vmem>>, vector<1x16xf32>,
    %swap3A_2748 = vector.shape_cast %swap3A_2747 : vector<1x16xf32> to vector<16xf32>
    %swap3A_2749 = vector.shape_cast %add3A_2743 : vector<16xf32> to vector<1x16xf32>
    tpu.vector_store %arg9[%swap3A_2745, %swap3A_2746], %swap3A_2749 {strides = array<i32>} : memref<2x1024xf32, #tpu.memory_space<vmem>>, vector<1x16xf32>,
    "tpu.region"() ({
      %run_scoped3A = tpu.sem_alloc : memref<!tpu.dma_semaphore, #tpu.memory_space<semaphore_mem>>
      %dma_start3A_2750 = arith.constant 0 : i32
      %dma_start3A_2751 = tpu.memref_slice %arg5[%mul3A_0, %dma_start3A_2750] : memref<32x1024xf32, #tpu.memory_space<hbm>> -> memref<2x1024xf32, #tpu.memory_space<hbm>>
      %dma_start3A_2752 = arith.constant 0 : i32
      %dma_start3A_2753 = tpu.memref_slice %arg5[%mul3A_0, %dma_start3A_2752] : memref<32x1024xf32, #tpu.memory_space<hbm>> -> memref<2x1024xf32, #tpu.memory_space<hbm>>
      tpu.enqueue_dma source(%arg9 : memref<2x1024xf32, #tpu.memory_space<vmem>>) target(%dma_start3A_2753 : memref<2x1024xf32, #tpu.memory_space<hbm>>) target_semaphore(%run_scoped3A : memref<!tpu.dma_semaphore, #tpu.memory_space<semaphore_mem>>)
      %dma_wait3A_2754 = arith.constant 0 : i32
      %dma_wait3A_2755 = tpu.memref_slice %arg5[%mul3A_0, %dma_wait3A_2754] : memref<32x1024xf32, #tpu.memory_space<hbm>> -> memref<2x1024xf32, #tpu.memory_space<hbm>>
      %dma_wait3A_2756 = arith.constant 0 : i32
      %dma_wait3A_2757 = tpu.memref_slice %arg5[%mul3A_0, %dma_wait3A_2756] : memref<32x1024xf32, #tpu.memory_space<hbm>> -> memref<2x1024xf32, #tpu.memory_space<hbm>>
      tpu.wait_dma2 semaphore(%run_scoped3A : memref<!tpu.dma_semaphore, #tpu.memory_space<semaphore_mem>>) src(%arg9 : memref<2x1024xf32, #tpu.memory_space<vmem>>) dst(%dma_wait3A_2757 : memref<2x1024xf32, #tpu.memory_space<hbm>>)
      tpu.yield
    }) : () -> ()
    return
  }
}

</mosaic_0001>

<sc_bundles>
// kernel: kernel.3.cloned.1.call-start
scs
__scs_entry_jumppad:
0x0: {  	(pc) =	sbr.rel $0x88, $3  }
0x1: {  	(tag) =	ssettag $0x0;
	lr =	simm.s32 $0x1  }
0x2: {  	[smem:$0x3F9D] =	sst lr;
	_ =	strace $0xD0000000  }
0x3: {  	_ = 	snop  }
0x4: {  	_ = 	snop  }
0x5: {  	_ = 	snop  }
0x6: {  	_ = 	snop  }
0x7: {  	_ = 	snop  }
__scs_overlays_trampoline_lowered:
0x8: {  	[smem:$0x3FAC] =	sst s0  }
0x9: {  	[smem:$0x3FAD] =	sst s1  }
0xa: {  	[smem:$0x3FAE] =	sst s2  }
0xb: {  	[smem:$0x3FAF] =	sst s3  }
0xc: {  	[smem:$0x3FB0] =	sst s4  }
0xd: {  	[smem:$0x3FB1] =	sst s5  }
0xe: {  	[smem:$0x3FB2] =	sst s6  }
0xf: {  	[smem:$0x3FB3] =	sst s7  }
0x10: {  	[smem:$0x3FB4] =	sst s8  }
0x11: {  	[smem:$0x3FB5] =	sst s9;
	s0 =	simm.s32 @!p0 $0x0  }
0x12: {  	s1 =	sld [smem:$0x3F9B];
	s0 =	simm.s32 @p0 $0x1  }
0x13: {  	[smem:$0x3FB6] =	sst s0;
	s0 =	simm.s32 @!p1 $0x0  }
0x14: {  	s2 =	sld [smem:$0x3F9A];
	s0 =	simm.s32 @p1 $0x1  }
0x15: {  	[smem:$0x3FB7] =	sst s0;
	s0 =	simm.s32 @!p2 $0x0  }
0x16: {  	s3 =	sld [smem:$0x3FDB];
	s0 =	simm.s32 @p2 $0x1  }
0x17: {  	s4 =	simm.s32 $0x1BF5;
	[smem:$0x3FB9] =	sst s0  }
0x18: {  	s0 =	sld [smem:$0x3F9C];
	_ =	swait.ge [sflag:s4], $0x0  }
0x19: {  	s7 =	sld [smem:$0x3F9D]  }
0x1a: {  	s8 =	sadd.s32 $0xFFFFE003, lr  }
0x1b: {  	s9 =	sadd.s32 $0xFFFFFEF7, lr;
	s5 =	simm.s32 $0xFFFFFFFF;
	p2 =	slt.u32 s8, $0xFFFFF086  }
0x1c: {  	p1 =	slt.u32 s9, $0xF7A;
	s5 =	simm.s32 @!p2 $0x0  }
0x1d: {  	s5 =	simm.s32 @p1 $0x1;
	p0 =	seq.s32 s7, s2  }
0x1e: {  	s7 =	smul.u32 @!p0 $0xF7A, s2;
	p2 =	seq.s32 @!p0 s5, $0x0  }
0x1f: {  	s9 =	smul.u32 $0xF7A, s1;
	s8 =	simm.s32 @!p0 $0x1BF5;
	p2 =	por !p2, p0  }
0x20: {  	[sflag:s8] =	ssyncset.s32 @!p0 $0xFFFFF086;
	s6 =	sadd.s32 @!p0 s3, s7;
	s7 =	simm.s32 @!p0 $0x108  }
0x21: {  	s3 =	sadd.s32 s3, s9;
	s6 =	sadd.s32 @!p0 $0x88, s6;
	s7 =	simm.s32 @p2 $0x1082  }
0x22: {  	[simem:s7], [sflag:s8] =	dma.local @!p0 [hbm:s6], $0xF7A  }
0x23: {  	s9 =	sor.u32 $0xD0000000, s2;
	s6 =	simm.s32 $0x108;
	_ =	swait.ge @!p0 [sflag:s8], $0x0  }
0x24: {  	s3 =	sadd.s32 $0x88, s3;
	s6 =	simm.s32 @!p1 $0x1082;
	[sflag:s4] =	ssyncset.s32 $0xFFFFF086  }
0x25: {  	[simem:s6], [sflag:s4] =	dma.local [hbm:s3], $0xF7A  }
0x26: {  	[smem:$0x3F9D] =	sst s1;
	(tag) =	ssettag s2;
	_ =	strace s9  }
0x27: {  	s1 =	sld [smem:$0x3FAD]  }
0x28: {  	s2 =	sld [smem:$0x3FAE]  }
0x29: {  	s4 =	sld [smem:$0x3FB0]  }
0x2a: {  	p0 =	seq.s32 s5, $0x0;
	s5 =	sld [smem:$0x3FB1]  }
0x2b: {  	s6 =	sld [smem:$0x3FB2]  }
0x2c: {  	s7 =	sld [smem:$0x3FB3]  }
0x2d: {  	s3 =	simm.s32 $0x108;
	s8 =	sld [smem:$0x3FB4]  }
0x2e: {  	s3 =	simm.s32 @!p0 $0x1082;
	s9 =	sld [smem:$0x3FB5]  }
0x2f: {  	lr =	sadd.s32 s0, s3;
	s0 =	sld [smem:$0x3FAC]  }
0x30: {  	s3 =	sld [smem:$0x3FAF]  }
0x31: {  	[smem:$0x3FB8] =	sst s10  }
0x32: {  	s10 =	sld [smem:$0x3FB6];
	_ =	sdelay $0x3  }
0x33: {  	p0 =	seq.s32 s10, $0x1;
	s10 =	sld [smem:$0x3FB8];
	_ =	sdelay $0x3  }
0x34: {  	[smem:$0x3FB8] =	sst s10  }
0x35: {  	s10 =	sld [smem:$0x3FB7];
	_ =	sdelay $0x3  }
0x36: {  	p1 =	seq.s32 s10, $0x1;
	s10 =	sld [smem:$0x3FB8];
	_ =	sdelay $0x3  }
0x37: {  	[smem:$0x3FB8] =	sst s10  }
0x38: {  	s10 =	sld [smem:$0x3FB9]  }
0x39: {  	_ = 	snop;
	(pc) =	sbr.ind lr, $3  }
0x3a: {  	_ = 	snop  }
0x3b: {  	_ = 	snop  }
0x3c: {  	p2 =	seq.s32 s10, $0x1;
	s10 =	sld [smem:$0x3FB8]  }
0x3d: {  	_ =	shalt  }
0x3e: {  	_ =	shalt  }
0x3f: {  	_ =	shalt  }
0x40: {  	_ =	shalt  }
0x41: {  	_ =	shalt  }
0x42: {  	_ =	shalt  }
0x43: {  	_ =	shalt  }
0x44: {  	_ =	shalt  }
0x45: {  	_ =	shalt  }
0x46: {  	_ =	shalt  }
0x47: {  	_ =	shalt  }
0x48: {  	_ =	shalt  }
0x49: {  	_ =	shalt  }
0x4a: {  	_ =	shalt  }
0x4b: {  	_ =	shalt  }
0x4c: {  	_ =	shalt  }
0x4d: {  	_ =	shalt  }
0x4e: {  	_ =	shalt  }
0x4f: {  	_ =	shalt  }
0x50: {  	_ =	shalt  }
0x51: {  	_ =	shalt  }
0x52: {  	_ =	shalt  }
0x53: {  	_ =	shalt  }
0x54: {  	_ =	shalt  }
0x55: {  	_ =	shalt  }
0x56: {  	_ =	shalt  }
0x57: {  	_ =	shalt  }
0x58: {  	_ =	shalt  }
0x59: {  	_ =	shalt  }
0x5a: {  	_ =	shalt  }
0x5b: {  	_ =	shalt  }
0x5c: {  	_ =	shalt  }
0x5d: {  	_ =	shalt  }
0x5e: {  	_ =	shalt  }
0x5f: {  	_ =	shalt  }
0x60: {  	_ =	shalt  }
0x61: {  	_ =	shalt  }
0x62: {  	_ =	shalt  }
0x63: {  	_ =	shalt  }
0x64: {  	_ =	shalt  }
0x65: {  	_ =	shalt  }
0x66: {  	_ =	shalt  }
0x67: {  	_ =	shalt  }
0x68: {  	_ =	shalt  }
0x69: {  	_ =	shalt  }
0x6a: {  	_ =	shalt  }
0x6b: {  	_ =	shalt  }
0x6c: {  	_ =	shalt  }
0x6d: {  	_ =	shalt  }
0x6e: {  	_ =	shalt  }
0x6f: {  	_ =	shalt  }
0x70: {  	_ =	shalt  }
0x71: {  	_ =	shalt  }
0x72: {  	_ =	shalt  }
0x73: {  	_ =	shalt  }
0x74: {  	_ =	shalt  }
0x75: {  	_ =	shalt  }
0x76: {  	_ =	shalt  }
0x77: {  	_ =	shalt  }
0x78: {  	_ =	shalt  }
0x79: {  	_ =	shalt  }
0x7a: {  	_ =	shalt  }
0x7b: {  	_ =	shalt  }
0x7c: {  	_ =	shalt  }
0x7d: {  	_ =	shalt  }
0x7e: {  	_ =	shalt  }
0x7f: {  	_ =	shalt  }
0x80: {  	_ =	shalt  }
0x81: {  	_ =	shalt  }
0x82: {  	_ =	shalt  }
0x83: {  	_ =	shalt  }
0x84: {  	_ =	shalt  }
0x85: {  	_ =	shalt  }
0x86: {  	_ =	shalt  }
0x87: {  	_ =	shalt  }
.Lfunc_end0:
.L_simem_size_0:
called_computation_lowered:
.L_overlay_start_0:
0x88: {  	s0 =	sld [smem:$0x3FD9]  }
0x89: {  	s1 =	sld [smem:$0x3FFE];
	_ =	sdelay $0x3  }
0x8a: {  	s0 =	sadd.s32 s1, s0  }
0x8b: {  	[smem:$0x3FC4] =	sst s0  }
0x8c: {  	_ = 	snop  }
0x8d: {  	s0 =	sld [smem:$0x3FC6]  }
0x8e: {  	s16 =	sld [smem:$0x3FD0];
	(tm) =	ssettm $0x1  }
0x8f: {  	s2 =	sld [smem:$0x3FFB];
	_ =	sdelay $0x3  }
0x90: {  	_ =	strace s2  }
0x91: {  	s2 =	sld [smem:$0x3FFC];
	_ =	sdelay $0x3  }
0x92: {  	_ =	strace s2  }
0x93: {  	s2 =	sld [smem:$0x3FFD];
	_ =	sdelay $0x3  }
0x94: {  	_ =	strace s2  }
0x95: {  	_ =	strace $0x8FFFFFFF  }
0x96: {  	s17 =	sld [smem:$0x3FDB];
	_ =	sdelay $0x1  }
0x97: {  	s3 =	simm.s32 $_scs_section_size  }
0x98: {  	s4 =	simm.s32 $_size__tile_overlayer_lowered;
	s5 =	simm.s32 $_tile_overlayer_lowered  }
0x99: {  	s20 =	simm.s32 $0x1BFF;
	s19 =	sshll.u32 s5, $0x1;
	s2 =	sadd.s32 s3, s17  }
0x9a: {  	s6 =	simm.s32 $0x0;
	s18 =	sshll.u32 s4, $0x1;
	s4 =	sadd.s32 s19, s2  }
0x9b: {  	[timem:s6], [sflag:s20] =	dma.local [hbm:s4], s18  }
0x9c: {  	_ =	swait.ge [sflag:s20], s18  }
0x9d: {  	s3 =	ssub.s32 $0x0, s18;
	[sflag:s20] =	ssyncset.done $0x0  }
0x9e: {  	[sflag:s20] =	ssyncadd.s32 s3;
	_ =	sdelay $0x1  }
0x9f: {  	s21 =	simm.s32 $0x1B8B  }
0xa0: {  	_ =	swait.ge [sflag:s21], $0x1  }
0xa1: {  	[sflag:s21] =	ssyncset.done $0x0  }
0xa2: {  	s23 =	simm.s32 $0x1B8E;
	s22 =	sld [smem:$0x3FFE];
	[sflag:s21] =	ssyncadd.s32 $0xFFFFFFFF  }
0xa3: {  	s24 =	simm.s32 $execute0_lowered;
	[smem:$0x3FD2] =	sst s23  }
0xa4: {  	s4 =	sshll.u32 s24, $0x1;
	_ =	strace $0x80000046;
	[dreg:$0x1] =	wrdreg $0xFFFFFFFF  }
0xa5: {  	s25 =	simm.s32 $_size_execute0_lowered;
	s2 =	sadd.s32 s2, s4;
	[dreg:$0x0] =	wrdreg $0x0  }
0xa6: {  	s4 =	sshll.u32 s25, $0x1;
	[dreg:$0x2] =	wrdreg s2  }
0xa7: {  	[dreg:$0x3] =	wrdreg s4  }
0xa8: {  	[dreg:$0x4] =	wrdreg $0xC0  }
0xa9: {  	_ =	task [dreg:s6], $0x5FFFF  }
0xaa: {  	[dreg:$0x1] =	wrdreg $0xFFFFFFFF  }
0xab: {  	[dreg:$0x0] =	wrdreg $0x60  }
0xac: {  	[dreg:$0x2] =	wrdreg s22  }
0xad: {  	[dreg:$0x3] =	wrdreg s16  }
0xae: {  	[dreg:$0x4] =	wrdreg s0  }
0xaf: {  	[dreg:$0x5] =	wrdreg $0x9  }
0xb0: {  	_ =	task.clear_ibuf [dreg:s6], $0x6FFFF;
	_ =	strace $0x90000046  }
0xb1: {  	s26 =	simm.s32 $0x9;
	_ =	strace $0x80000048  }
0xb2: {  	_ =	swait.ge [sflag:s26], $0x1  }
0xb3: {  	[sflag:s26] =	ssyncadd.s32 $0xFFFFFFFF  }
0xb4: {  	_ =	strace $0x90000048  }
0xb5: {  	_ =	sfence  }
0xb6: {  	s28 =	sld [smem:$0x0];
	_ =	sdelay $0x1  }
0xb7: {  	s29 =	srdreg.scid  }
0xb8: {  	s30 =	sshll.u32 s29, $0xD;
	s31 =	sshrl.u32 s29, $0x2  }
0xb9: {  	s1 =	sand.u32 $0x1, s29;
	s2 =	sand.u32 $0x4000, s30;
	s0 =	sadd.s32 s31, s28  }
0xba: {  	s1 =	sor.u32 s2, s1;
	s0 =	sshll.u32 s0, $0x11  }
0xbb: {  	s0 =	sor.u32 s0, s1  }
0xbc: {  	s0 =	sadd.s32 $0x8F2B, s0  }
0xbd: {  	[sflag:s0] =	ssyncadd.remote.s32 $0x1  }
0xbe: {  	_ =	sfence.sel $0xFFFF  }
0xbf: {  	[dreg:$0x0] =	wrdreg $0xFFFFFFFF;
	(pc) =	sbr.abs _section_cstart, $3  }
0xc0: {  	[dreg:$0x1] =	wrdreg $0xFFFFFFFF  }
0xc1: {  	_ =	task.clear_ibuf [dreg:s6], $0x2FFFF;
	_ =	strace $0x9FFFFFFF  }
0xc2: {  	(tm) =	ssettm $0x7FFFFFFF  }
0xc3: {  	_ =	shalt  }
tec
execute0_lowered:
.L_overlay_start_1:
0x0: {  	(tag) =	ssettag $0x1  }
0x1: {  	s2 =	rddreg [dreg:$0x0]  }
0x2: {  	s4 =	rddreg [dreg:$0x1]  }
0x3: {  	s8 =	rddreg [dreg:$0x2]  }
0x4: {  	s0 =	stileid.u32;
	s1 =	rddreg [dreg:$0x3];
	s9 =	simm.s32 $0x0  }
0x5: {  	s22 =	simm.s32 $0x100;
	s3 =	sshll.u32 s0, $0x8;
	s5 =	sshll.u32 s0, $0x5  }
0x6: {  	s23 =	simm.s32 $0x400;
	s6 =	simm.s32 $0x300;
	s3 =	sor.u32 s5, s3  }
0x7: {  	[smem:$0x7FF] =	sst s9;
	s21 =	sshll.u32 s0, $0x6;
	s3 =	sand.u32 $0xC60, s3  }
0x8: {  	_ =	strace $0x80000047;
	s7 =	sadd.s32 s21, s2;
	s10 =	sadd.s32 s4, s3  }
0x9: {  	[tilespmem:s6], [sflag:$0x1] =	stream.strided.gather [hbm4b:s10+s22], $0x800, s23, s22, $0x38;
	[tilespmem:$0x1300] =	vst v63  }
0xa: {  	s24 =	simm.s32 $0x4;
	s7 =	sadd.s32 $0x600, s7  }
0xb: {  	[tilespmem:s9], [sflag:$0x4] =	stream.linear.gather [hbm4b:s7+s9], $0x200, $0x38;
	[tilespmem:$0x1300] =	vst v63  }
0xc: {  	_ =	swait.ge [sflag:s24], $0x200  }
0xd: {  	[sflag:s24] =	ssyncset.done $0x0  }
0xe: {  	[sflag:s24] =	ssyncadd.s32 $0xFFFFFE00  }
0xf: {  	v0 =	vld [tilespmem:$0x0];
	_ =	sdelay $0x2  }
0x10: {  	s25 =	sshll.u32 s0, $0xC  }
0x11: {  	s11 =	sadd.s32 $0xFFFFFFFF, s25  }
0x12: {  	v0 =	vadd.s32 s11, v0  }
0x13: {  	[tilespmem:$0x200] =	vst v0  }
0x14: {  	v0 =	vld.msk [tilespmem:$0x200], $0x1;
	_ =	sdelay $0x4  }
0x15: {  	v1 =	vshll.u32 v0, $0x3  }
0x16: {  	v0 =	vand.u32 $0x7, v0;
	v1 =	vand.u32 $0xFFFFFFC0, v1  }
0x17: {  	v25 =	vimm.s32 $0x0;
	v2 =	vlaneseq.u32;
	v0 =	vor.u32 v0, v1  }
0x18: {  	v2 =	vmul.u32 $0x8, v2;
	v3 =	vld [tilespmem:$0x100];
	v0 =	vperm.xlane v0, v25;
	_ =	sdelay $0x1  }
0x19: {  	v4 =	vadd.s32 v2, v0;
	_ =	sdelay $0x1  }
0x1a: {  	s10 =	sor.u32 $0x7FF, s25  }
0x1b: {  	v26 =	vadd.s32 s10, v3  }
0x1c: {  	vm0 =	vmmov $0xff;
	s26 =	simm.s32 $0xB00;
	[tilespmem:$0x280] =	vst v26  }
0x1d: {  	v0 =	vld [tilespmem:$0x80];
	[tilespmem:s26], [sflag:$0x2] =	stream.indirect_vreg.gather [hbm4b:s8+s9], $0x80, v4, vm0, $0xb8  }
0x1e: {  	v27 =	vld.msk [tilespmem:$0x280], $0x1;
	_ =	sdelay $0x4  }
0x1f: {  	v28 =	vshll.u32 v27, $0x3  }
0x20: {  	v3 =	vand.u32 $0x7, v27;
	v4 =	vand.u32 $0xFFFFFFC0, v28  }
0x21: {  	v3 =	vor.u32 v3, v4  }
0x22: {  	v1 =	vperm.xlane v3, v25;
	_ =	sdelay $0x1  }
0x23: {  	v1 =	vadd.s32 v2, v1;
	_ =	sdelay $0x3  }
0x24: {  	s28 =	simm.s32 $0xF00;
	s29 =	simm.s32 $0x1  }
0x25: {  	[tilespmem:s28], [sflag:$0x3] =	stream.indirect_vreg.gather [hbm4b:s8+s9], $0x80, v1, vm0, $0xb8;
	[tilespmem:$0x1300] =	vst v63  }
0x26: {  	_ =	swait.ge [sflag:s29], $0x800  }
0x27: {  	[sflag:s29] =	ssyncset.done $0x0  }
0x28: {  	s30 =	simm.s32 $0x2;
	[sflag:s29] =	ssyncadd.s32 $0xFFFFF800  }
0x29: {  	_ =	swait.ge [sflag:s30], $0x400  }
0x2a: {  	[sflag:s30] =	ssyncset.done $0x0  }
0x2b: {  	[sflag:s30] =	ssyncadd.s32 $0xFFFFFC00  }
0x2c: {  	v2 =	vld [tilespmem:$0x300]  }
0x2d: {  	v3 =	vld [tilespmem:$0xB00]  }
0x2e: {  	v6 =	vld [tilespmem:$0x310]  }
0x2f: {  	v7 =	vld [tilespmem:$0xB10]  }
0x30: {  	v10 =	vld [tilespmem:$0x320]  }
0x31: {  	v13 =	vld [tilespmem:$0xB20]  }
0x32: {  	v16 =	vld [tilespmem:$0x330]  }
0x33: {  	v17 =	vld [tilespmem:$0xB30]  }
0x34: {  	v22 =	vld [tilespmem:$0x340]  }
0x35: {  	v23 =	vld [tilespmem:$0xB40]  }
0x36: {  	v26 =	vld [tilespmem:$0x350]  }
0x37: {  	v29 =	vld [tilespmem:$0xB50]  }
0x38: {  	v32 =	vld [tilespmem:$0x360]  }
0x39: {  	v33 =	vld [tilespmem:$0xB60]  }
0x3a: {  	v38 =	vld [tilespmem:$0x370]  }
0x3b: {  	v39 =	vld [tilespmem:$0xB70]  }
0x3c: {  	v42 =	vld [tilespmem:$0x400]  }
0x3d: {  	v43 =	vld [tilespmem:$0xB80]  }
0x3e: {  	v44 =	vld [tilespmem:$0x410]  }
0x3f: {  	v45 =	vld [tilespmem:$0xB90]  }
0x40: {  	v46 =	vld [tilespmem:$0x420]  }
0x41: {  	v47 =	vld [tilespmem:$0xBA0]  }
0x42: {  	v48 =	vld [tilespmem:$0x430]  }
0x43: {  	v49 =	vld [tilespmem:$0xBB0]  }
0x44: {  	v50 =	vld [tilespmem:$0x440]  }
0x45: {  	v51 =	vld [tilespmem:$0xBC0]  }
0x46: {  	v52 =	vld [tilespmem:$0x450]  }
0x47: {  	v53 =	vld [tilespmem:$0xBD0]  }
0x48: {  	v54 =	vld [tilespmem:$0x460]  }
0x49: {  	v55 =	vld [tilespmem:$0xBE0]  }
0x4a: {  	v56 =	vld [tilespmem:$0x470]  }
0x4b: {  	v1 =	vld [tilespmem:$0x670]  }
0x4c: {  	v57 =	vld [tilespmem:$0xBF0]  }
0x4d: {  	v58 =	vld [tilespmem:$0x500]  }
0x4e: {  	v59 =	vld [tilespmem:$0xC00]  }
0x4f: {  	v60 =	vld [tilespmem:$0x510]  }
0x50: {  	[tilespmem:$0x1FEE0] =	vst v1;
	v1 =	vld [tilespmem:$0xCF0]  }
0x51: {  	v61 =	vld [tilespmem:$0xC10]  }
0x52: {  	v62 =	vld [tilespmem:$0x520]  }
0x53: {  	v63 =	vld [tilespmem:$0xC20]  }
0x54: {  	v5 =	vld [tilespmem:$0x530]  }
0x55: {  	[tilespmem:$0x1FEF0] =	vst v1;
	v1 =	vld [tilespmem:$0x700]  }
0x56: {  	v4 =	vld [tilespmem:$0xC30]  }
0x57: {  	v9 =	vld [tilespmem:$0x540]  }
0x58: {  	v8 =	vld [tilespmem:$0xC40]  }
0x59: {  	v12 =	vld [tilespmem:$0x550]  }
0x5a: {  	[tilespmem:$0x1FF00] =	vst v1;
	v1 =	vld [tilespmem:$0xD00]  }
0x5b: {  	v11 =	vld [tilespmem:$0xC50]  }
0x5c: {  	v40 =	vld [tilespmem:$0x560]  }
0x5d: {  	v41 =	vld [tilespmem:$0xC60]  }
0x5e: {  	v36 =	vld [tilespmem:$0x570]  }
0x5f: {  	[tilespmem:$0x1FF10] =	vst v1;
	v1 =	vld [tilespmem:$0x710]  }
0x60: {  	v37 =	vld [tilespmem:$0xC70]  }
0x61: {  	v34 =	vld [tilespmem:$0x600]  }
0x62: {  	v35 =	vld [tilespmem:$0xC80]  }
0x63: {  	v30 =	vld [tilespmem:$0x610]  }
0x64: {  	[tilespmem:$0x1FF20] =	vst v1;
	v1 =	vld [tilespmem:$0xD10]  }
0x65: {  	v31 =	vld [tilespmem:$0xC90]  }
0x66: {  	v27 =	vld [tilespmem:$0x620]  }
0x67: {  	v28 =	vld [tilespmem:$0xCA0]  }
0x68: {  	v24 =	vld [tilespmem:$0x630]  }
0x69: {  	[tilespmem:$0x1FF30] =	vst v1;
	v1 =	vld [tilespmem:$0x720]  }
0x6a: {  	v25 =	vld [tilespmem:$0xCB0]  }
0x6b: {  	v20 =	vld [tilespmem:$0x640]  }
0x6c: {  	v21 =	vld [tilespmem:$0xCC0]  }
0x6d: {  	v18 =	vld [tilespmem:$0x650]  }
0x6e: {  	v19 =	vld [tilespmem:$0xCD0];
	v2 =	vmul.f32 $3.200000000e+01, v2;
	[tilespmem:$0x1FF40] =	vst v1;
	v1 =	vmul.f32 v3, v0  }
0x6f: {  	v3 =	vld [tilespmem:$0xD20]  }
0x70: {  	v14 =	vld [tilespmem:$0x660];
	v1 =	vadd.f32 v1, v2;
	v2 =	vmul.f32 $3.200000000e+01, v10  }
0x71: {  	v15 =	vld [tilespmem:$0xCE0];
	v10 =	vmul.f32 v13, v0;
	v13 =	vmul.f32 $3.200000000e+01, v16  }
0x72: {  	v16 =	vmul.f32 v17, v0;
	v17 =	vmul.f32 v23, v0;
	v23 =	vld [tilespmem:$0x770]  }
0x73: {  	v7 =	vmul.f32 v7, v0;
	[tilespmem:$0x300] =	vst v1;
	v1 =	vadd.f32 v10, v2;
	v2 =	vmul.f32 $3.200000000e+01, v22;
	v10 =	vld [tilespmem:$0xD40]  }
0x74: {  	v22 =	vmul.f32 $3.200000000e+01, v26;
	[tilespmem:$0x1FF50] =	vst v3;
	v3 =	vmul.f32 $3.200000000e+01, v6;
	v6 =	vld [tilespmem:$0x730]  }
0x75: {  	v26 =	vmul.f32 v33, v0;
	[tilespmem:$0x320] =	vst v1;
	v1 =	vadd.f32 v17, v2;
	v2 =	vmul.f32 $3.200000000e+01, v32;
	v17 =	vld [tilespmem:$0x760]  }
0x76: {  	v33 =	vmul.f32 v39, v0;
	v32 =	vmul.f32 $3.200000000e+01, v38;
	v3 =	vadd.f32 v7, v3;
	v7 =	vld [tilespmem:$0x740]  }
0x77: {  	[tilespmem:$0x340] =	vst v1;
	v1 =	vadd.f32 v26, v2;
	v26 =	vld [tilespmem:$0xD70]  }
0x78: {  	v39 =	vmul.f32 v43, v0;
	v38 =	vmul.f32 $3.200000000e+01, v42;
	v42 =	vadd.f32 v33, v32;
	v32 =	vld [tilespmem:$0xD80]  }
0x79: {  	v33 =	vld [tilespmem:$0x810]  }
0x7a: {  	v43 =	vmul.f32 $3.200000000e+01, v44;
	v44 =	vmul.f32 v45, v0;
	v45 =	vadd.f32 v39, v38;
	v38 =	vld [tilespmem:$0xD90]  }
0x7b: {  	v39 =	vld [tilespmem:$0x820]  }
0x7c: {  	v46 =	vmul.f32 $3.200000000e+01, v46;
	v47 =	vmul.f32 v47, v0;
	[tilespmem:$0x310] =	vst v3;
	v3 =	vadd.f32 v16, v13;
	v13 =	vld [tilespmem:$0x750]  }
0x7d: {  	v48 =	vmul.f32 $3.200000000e+01, v48;
	v49 =	vmul.f32 v49, v0;
	v16 =	vld [tilespmem:$0xD50];
	[tilespmem:$0x1FF60] =	vst v6  }
0x7e: {  	v29 =	vmul.f32 v29, v0;
	v58 =	vmul.f32 $3.200000000e+01, v58;
	v6 =	vld [tilespmem:$0xD30];
	[tilespmem:$0x370] =	vst v42  }
0x7f: {  	v48 =	vadd.f32 v49, v48;
	v49 =	vmul.f32 $3.200000000e+01, v52;
	[tilespmem:$0x400] =	vst v45;
	v45 =	vadd.f32 v47, v46;
	v42 =	vld [tilespmem:$0xDA0]  }
0x80: {  	v46 =	vmul.f32 $3.200000000e+01, v50;
	v47 =	vmul.f32 v51, v0;
	[tilespmem:$0x330] =	vst v3;
	v3 =	vadd.f32 v29, v22;
	v22 =	vld [tilespmem:$0xD60]  }
0x81: {  	v50 =	vmul.f32 v53, v0;
	v53 =	vmul.f32 v55, v0;
	v29 =	vld [tilespmem:$0x800]  }
0x82: {  	v55 =	vmul.f32 $3.200000000e+01, v56;
	v56 =	vmul.f32 v57, v0;
	v51 =	vadd.f32 v47, v46;
	v46 =	vld [tilespmem:$0x830]  }
0x83: {  	v59 =	vmul.f32 v59, v0;
	v52 =	vmul.f32 $3.200000000e+01, v54;
	v54 =	vadd.f32 v50, v49;
	v47 =	vld [tilespmem:$0xDB0]  }
0x84: {  	[tilespmem:$0x430] =	vst v48;
	v48 =	vadd.f32 v56, v55;
	v50 =	vmul.f32 v61, v0;
	v56 =	vmul.f32 $3.200000000e+01, v9;
	v9 =	vld [tilespmem:$0xDC0]  }
0x85: {  	v61 =	vmul.f32 $3.200000000e+01, v40;
	v40 =	vmul.f32 $3.200000000e+01, v36;
	v36 =	vld [tilespmem:$0x860]  }
0x86: {  	v5 =	vmul.f32 $3.200000000e+01, v5;
	[tilespmem:$0x420] =	vst v45;
	v45 =	vmul.f32 $3.200000000e+01, v34;
	v34 =	vld [tilespmem:$0xDE0]  }
0x87: {  	v57 =	vadd.f32 v53, v52;
	v49 =	vmul.f32 $3.200000000e+01, v60;
	[tilespmem:$0x350] =	vst v3;
	v3 =	vadd.f32 v44, v43;
	v43 =	vld [tilespmem:$0x840]  }
0x88: {  	v52 =	vmul.f32 $3.200000000e+01, v62;
	[tilespmem:$0x440] =	vst v51;
	v51 =	vadd.f32 v59, v58;
	v59 =	vmul.f32 v11, v0;
	v11 =	vld [tilespmem:$0x850]  }
0x89: {  	[tilespmem:$0x360] =	vst v1;
	v53 =	vmul.f32 v63, v0;
	v58 =	vmul.f32 $3.200000000e+01, v12;
	v12 =	vld [tilespmem:$0xDD0]  }
0x8a: {  	v8 =	vmul.f32 v8, v0;
	[tilespmem:$0x450] =	vst v54;
	v54 =	vadd.f32 v50, v49;
	v50 =	vmul.f32 $3.200000000e+01, v30;
	v30 =	vld [tilespmem:$0x870]  }
0x8b: {  	v62 =	vmul.f32 v41, v0;
	[tilespmem:$0x460] =	vst v57;
	v55 =	vadd.f32 v53, v52;
	v53 =	vmul.f32 $3.200000000e+01, v27;
	v27 =	vld [tilespmem:$0xDF0]  }
0x8c: {  	v4 =	vmul.f32 v4, v0;
	[tilespmem:$0x470] =	vst v48;
	v60 =	vadd.f32 v8, v56;
	v56 =	vmul.f32 $3.200000000e+01, v24;
	v24 =	vld [tilespmem:$0x900]  }
0x8d: {  	v41 =	vmul.f32 v37, v0;
	v44 =	vadd.f32 v62, v61;
	v62 =	vmul.f32 $3.200000000e+01, v18;
	v18 =	vld [tilespmem:$0x910];
	[tilespmem:$0x410] =	vst v3  }
0x8e: {  	v48 =	vmul.f32 v35, v0;
	v35 =	vld [tilespmem:$0x1FEF0];
	[tilespmem:$0x500] =	vst v51  }
0x8f: {  	v57 =	vadd.f32 v4, v5;
	v49 =	vadd.f32 v41, v40;
	v40 =	vld [tilespmem:$0x1FF00];
	[tilespmem:$0x510] =	vst v54  }
0x90: {  	v41 =	vld [tilespmem:$0x1FF10];
	[tilespmem:$0x520] =	vst v55  }
0x91: {  	[tilespmem:$0x530] =	vst v57;
	v63 =	vadd.f32 v59, v58;
	v59 =	vmul.f32 $3.200000000e+01, v20;
	v20 =	vld [tilespmem:$0xE00]  }
0x92: {  	[tilespmem:$0x540] =	vst v60;
	v60 =	vmul.f32 v21, v0;
	v21 =	vmul.f32 $3.200000000e+01, v14;
	v14 =	vld [tilespmem:$0xE10]  }
0x93: {  	v51 =	vmul.f32 v31, v0;
	[tilespmem:$0x560] =	vst v44;
	v54 =	vmul.f32 v28, v0;
	v31 =	vld [tilespmem:$0x1FEE0]  }
0x94: {  	v52 =	vadd.f32 v48, v45;
	[tilespmem:$0x570] =	vst v49;
	v57 =	vmul.f32 v25, v0;
	v25 =	vmul.f32 v15, v0;
	v15 =	vld [tilespmem:$0x920]  }
0x95: {  	v45 =	vld [tilespmem:$0x1FF20];
	[tilespmem:$0x550] =	vst v63;
	v55 =	vadd.f32 v51, v50  }
0x96: {  	v23 =	vmul.f32 $3.200000000e+01, v23;
	v26 =	vmul.f32 v26, v0;
	v48 =	vld [tilespmem:$0x1FF30];
	[tilespmem:$0x600] =	vst v52;
	v58 =	vadd.f32 v54, v53  }
0x97: {  	v61 =	vadd.f32 v57, v56;
	v63 =	vmul.f32 v19, v0;
	v37 =	vadd.f32 v25, v21;
	v21 =	vld [tilespmem:$0x930];
	[tilespmem:$0x610] =	vst v55  }
0x98: {  	v19 =	vadd.f32 v60, v59;
	v50 =	vld [tilespmem:$0x1FF40];
	v54 =	vmul.f32 v6, v0;
	v56 =	vmul.f32 $3.200000000e+01, v7;
	[tilespmem:$0x620] =	vst v58  }
0x99: {  	v51 =	vld [tilespmem:$0x1FF50];
	v57 =	vmul.f32 v10, v0;
	v59 =	vmul.f32 $3.200000000e+01, v13;
	[tilespmem:$0x630] =	vst v61  }
0x9a: {  	v25 =	vld [tilespmem:$0xE30];
	v60 =	vmul.f32 v16, v0;
	v5 =	vmul.f32 v35, v0;
	v28 =	vadd.f32 v63, v62;
	[tilespmem:$0x640] =	vst v19  }
0x9b: {  	v53 =	vld [tilespmem:$0x1FF60];
	v2 =	vmul.f32 $3.200000000e+01, v40;
	v8 =	vmul.f32 v41, v0;
	[tilespmem:$0x660] =	vst v37;
	v61 =	vadd.f32 v57, v56  }
0x9c: {  	v6 =	vld [tilespmem:$0x940];
	v35 =	vmul.f32 $3.200000000e+01, v33;
	v63 =	vmul.f32 v22, v0;
	v22 =	vadd.f32 v60, v59;
	[tilespmem:$0x650] =	vst v28  }
0x9d: {  	v10 =	vld [tilespmem:$0x950];
	v62 =	vmul.f32 $3.200000000e+01, v17;
	v37 =	vmul.f32 v38, v0;
	v49 =	vadd.f32 v8, v2;
	[tilespmem:$0x740] =	vst v61  }
0x9e: {  	v13 =	vld [tilespmem:$0xE50];
	v4 =	vmul.f32 $3.200000000e+01, v31;
	v31 =	vmul.f32 v32, v0;
	v32 =	vadd.f32 v26, v23;
	[tilespmem:$0x750] =	vst v22  }
0x9f: {  	v39 =	vmul.f32 $3.200000000e+01, v39;
	v16 =	vld [tilespmem:$0x960];
	v28 =	vadd.f32 v63, v62;
	[tilespmem:$0x700] =	vst v49  }
0xa0: {  	v29 =	vmul.f32 $3.200000000e+01, v29;
	v40 =	vmul.f32 v42, v0;
	v33 =	vld [tilespmem:$0xA40];
	v41 =	vadd.f32 v37, v35;
	[tilespmem:$0x770] =	vst v32  }
0xa1: {  	v42 =	vmul.f32 $3.200000000e+01, v46;
	v19 =	vld [tilespmem:$0xE20];
	v56 =	vmul.f32 v27, v0;
	v44 =	vadd.f32 v5, v4;
	[tilespmem:$0x760] =	vst v28  }
0xa2: {  	v17 =	vld [tilespmem:$0xE60];
	v4 =	vmul.f32 $3.200000000e+01, v45;
	v5 =	vmul.f32 v48, v0;
	v38 =	vadd.f32 v31, v29;
	[tilespmem:$0x810] =	vst v41  }
0xa3: {  	v27 =	vld [tilespmem:$0xA20];
	v2 =	vmul.f32 $3.200000000e+01, v50;
	v8 =	vmul.f32 v51, v0;
	v45 =	vadd.f32 v40, v39;
	[tilespmem:$0x670] =	vst v44  }
0xa4: {  	v23 =	vld [tilespmem:$0xE70];
	v31 =	vmul.f32 $3.200000000e+01, v21;
	v32 =	vmul.f32 v25, v0;
	v52 =	vadd.f32 v5, v4;
	[tilespmem:$0x800] =	vst v38  }
0xa5: {  	v46 =	vmul.f32 $3.200000000e+01, v43;
	v26 =	vld [tilespmem:$0xA00];
	v4 =	vmul.f32 $3.200000000e+01, v53;
	v55 =	vadd.f32 v8, v2;
	[tilespmem:$0x820] =	vst v45  }
0xa6: {  	v59 =	vmul.f32 v20, v0;
	v20 =	vld [tilespmem:$0xEA0];
	v44 =	vmul.f32 v47, v0;
	v38 =	vadd.f32 v32, v31;
	[tilespmem:$0x710] =	vst v52  }
0xa7: {  	v22 =	vld [tilespmem:$0x970];
	v62 =	vmul.f32 v14, v0;
	v47 =	vmul.f32 v9, v0;
	v58 =	vadd.f32 v54, v4;
	[tilespmem:$0x720] =	vst v55  }
0xa8: {  	v14 =	vld [tilespmem:$0xA30];
	v49 =	vmul.f32 $3.200000000e+01, v11;
	v50 =	vmul.f32 v12, v0;
	v48 =	vadd.f32 v44, v42;
	[tilespmem:$0x930] =	vst v38  }
0xa9: {  	v61 =	vmul.f32 $3.200000000e+01, v18;
	v37 =	vld [tilespmem:$0xEC0];
	v39 =	vmul.f32 $3.200000000e+01, v10;
	v51 =	vadd.f32 v47, v46;
	[tilespmem:$0x730] =	vst v58  }
0xaa: {  	v11 =	vld [tilespmem:$0xA10];
	v40 =	vmul.f32 v13, v0;
	v53 =	vmul.f32 v34, v0;
	v54 =	vadd.f32 v50, v49;
	[tilespmem:$0x830] =	vst v48  }
0xab: {  	v12 =	vld [tilespmem:$0xE90];
	v52 =	vmul.f32 $3.200000000e+01, v36;
	v55 =	vmul.f32 $3.200000000e+01, v30;
	v30 =	vadd.f32 v62, v61;
	[tilespmem:$0x840] =	vst v51  }
0xac: {  	v29 =	vld [tilespmem:$0xEB0];
	v46 =	vadd.f32 v40, v39;
	[tilespmem:$0x850] =	vst v54  }
0xad: {  	v43 =	vmul.f32 $3.200000000e+01, v16;
	v41 =	vld [tilespmem:$0xA50];
	v44 =	vmul.f32 v17, v0;
	v57 =	vadd.f32 v53, v52;
	[tilespmem:$0x910] =	vst v30  }
0xae: {  	v16 =	vmul.f32 $3.200000000e+01, v33;
	v8 =	vld [tilespmem:$0xE40];
	v17 =	vmul.f32 v37, v0;
	v60 =	vadd.f32 v56, v55;
	[tilespmem:$0x950] =	vst v46  }
0xaf: {  	v9 =	vld [tilespmem:$0xE80];
	v58 =	vmul.f32 $3.200000000e+01, v24;
	v50 =	vadd.f32 v44, v43;
	[tilespmem:$0x860] =	vst v57  }
0xb0: {  	v28 =	vmul.f32 v19, v0;
	v45 =	vld [tilespmem:$0xED0];
	v24 =	vmul.f32 $3.200000000e+01, v15;
	v21 =	vadd.f32 v17, v16;
	[tilespmem:$0x870] =	vst v60  }
0xb1: {  	v47 =	vmul.f32 $3.200000000e+01, v22;
	v49 =	vld [tilespmem:$0xA60];
	v48 =	vmul.f32 v23, v0;
	v63 =	vadd.f32 v59, v58;
	[tilespmem:$0x960] =	vst v50  }
0xb2: {  	v61 =	vld [tilespmem:$0xEF0];
	v55 =	vmul.f32 $3.200000000e+01, v11;
	v56 =	vmul.f32 v12, v0;
	v34 =	vadd.f32 v28, v24;
	[tilespmem:$0xA40] =	vst v21  }
0xb3: {  	v35 =	vmul.f32 $3.200000000e+01, v6;
	v53 =	vld [tilespmem:$0xEE0];
	v36 =	vmul.f32 v8, v0;
	v54 =	vadd.f32 v48, v47;
	[tilespmem:$0x900] =	vst v63  }
0xb4: {  	v51 =	vmul.f32 $3.200000000e+01, v26;
	v52 =	vmul.f32 v9, v0;
	v57 =	vld [tilespmem:$0xA70];
	v62 =	vadd.f32 v56, v55;
	[tilespmem:$0x920] =	vst v34  }
0xb5: {  	v59 =	vmul.f32 $3.200000000e+01, v27;
	v60 =	vmul.f32 v20, v0;
	v42 =	vadd.f32 v36, v35;
	[tilespmem:$0x970] =	vst v54  }
0xb6: {  	v19 =	vmul.f32 $3.200000000e+01, v41;
	v20 =	vmul.f32 v45, v0;
	v58 =	vadd.f32 v52, v51;
	[tilespmem:$0xA10] =	vst v62  }
0xb7: {  	v63 =	vmul.f32 $3.200000000e+01, v14;
	v14 =	vmul.f32 v29, v0;
	v15 =	vadd.f32 v60, v59;
	[tilespmem:$0x940] =	vst v42  }
0xb8: {  	v22 =	vmul.f32 $3.200000000e+01, v49;
	v24 =	vadd.f32 v20, v19;
	[tilespmem:$0xA00] =	vst v58;
	v23 =	vmul.f32 v53, v0  }
0xb9: {  	v26 =	vmul.f32 v61, v0;
	v18 =	vadd.f32 v14, v63;
	[tilespmem:$0xA20] =	vst v15;
	v25 =	vmul.f32 $3.200000000e+01, v57  }
0xba: {  	[tilespmem:$0xA50] =	vst v24;
	v27 =	vadd.f32 v23, v22  }
0xbb: {  	[tilespmem:$0xA30] =	vst v18;
	v28 =	vadd.f32 v26, v25  }
0xbc: {  	[tilespmem:$0xA60] =	vst v27  }
0xbd: {  	s31 =	simm.s32 $0x3;
	[tilespmem:$0xA70] =	vst v28  }
0xbe: {  	_ =	swait.ge [sflag:s31], $0x400  }
0xbf: {  	[sflag:s31] =	ssyncset.done $0x0  }
0xc0: {  	[sflag:s31] =	ssyncadd.s32 $0xFFFFFC00  }
0xc1: {  	v2 =	vld [tilespmem:$0x380]  }
0xc2: {  	v3 =	vld [tilespmem:$0xF00]  }
0xc3: {  	v6 =	vld [tilespmem:$0x390]  }
0xc4: {  	v7 =	vld [tilespmem:$0xF10]  }
0xc5: {  	v10 =	vld [tilespmem:$0x3A0]  }
0xc6: {  	v13 =	vld [tilespmem:$0xF20]  }
0xc7: {  	v16 =	vld [tilespmem:$0x3B0]  }
0xc8: {  	v17 =	vld [tilespmem:$0xF30]  }
0xc9: {  	v22 =	vld [tilespmem:$0x3C0]  }
0xca: {  	v23 =	vld [tilespmem:$0xF40]  }
0xcb: {  	v26 =	vld [tilespmem:$0x3D0]  }
0xcc: {  	v29 =	vld [tilespmem:$0xF50]  }
0xcd: {  	v32 =	vld [tilespmem:$0x3E0]  }
0xce: {  	v33 =	vld [tilespmem:$0xF60]  }
0xcf: {  	v38 =	vld [tilespmem:$0x3F0]  }
0xd0: {  	v39 =	vld [tilespmem:$0xF70]  }
0xd1: {  	v42 =	vld [tilespmem:$0x480]  }
0xd2: {  	v43 =	vld [tilespmem:$0xF80]  }
0xd3: {  	v44 =	vld [tilespmem:$0x490]  }
0xd4: {  	v45 =	vld [tilespmem:$0xF90]  }
0xd5: {  	v46 =	vld [tilespmem:$0x4A0]  }
0xd6: {  	v47 =	vld [tilespmem:$0xFA0]  }
0xd7: {  	v48 =	vld [tilespmem:$0x4B0]  }
0xd8: {  	v49 =	vld [tilespmem:$0xFB0]  }
0xd9: {  	v50 =	vld [tilespmem:$0x4C0]  }
0xda: {  	v51 =	vld [tilespmem:$0xFC0]  }
0xdb: {  	v52 =	vld [tilespmem:$0x4D0]  }
0xdc: {  	v53 =	vld [tilespmem:$0xFD0]  }
0xdd: {  	v54 =	vld [tilespmem:$0x4E0]  }
0xde: {  	v55 =	vld [tilespmem:$0xFE0]  }
0xdf: {  	v56 =	vld [tilespmem:$0x4F0]  }
0xe0: {  	v57 =	vld [tilespmem:$0xFF0]  }
0xe1: {  	v1 =	vld [tilespmem:$0x6F0]  }
0xe2: {  	v58 =	vld [tilespmem:$0x580]  }
0xe3: {  	v59 =	vld [tilespmem:$0x1000]  }
0xe4: {  	v60 =	vld [tilespmem:$0x590]  }
0xe5: {  	v61 =	vld [tilespmem:$0x1010]  }
0xe6: {  	[tilespmem:$0x1FF70] =	vst v1;
	v1 =	vld [tilespmem:$0x10F0]  }
0xe7: {  	v62 =	vld [tilespmem:$0x5A0]  }
0xe8: {  	v63 =	vld [tilespmem:$0x1020]  }
0xe9: {  	v5 =	vld [tilespmem:$0x5B0]  }
0xea: {  	v4 =	vld [tilespmem:$0x1030]  }
0xeb: {  	[tilespmem:$0x1FF80] =	vst v1;
	v1 =	vld [tilespmem:$0x780]  }
0xec: {  	v9 =	vld [tilespmem:$0x5C0]  }
0xed: {  	v8 =	vld [tilespmem:$0x1040]  }
0xee: {  	v12 =	vld [tilespmem:$0x5D0]  }
0xef: {  	v11 =	vld [tilespmem:$0x1050]  }
0xf0: {  	[tilespmem:$0x1FF90] =	vst v1;
	v1 =	vld [tilespmem:$0x1100]  }
0xf1: {  	v40 =	vld [tilespmem:$0x5E0]  }
0xf2: {  	v41 =	vld [tilespmem:$0x1060]  }
0xf3: {  	v36 =	vld [tilespmem:$0x5F0]  }
0xf4: {  	v37 =	vld [tilespmem:$0x1070]  }
0xf5: {  	[tilespmem:$0x1FFA0] =	vst v1;
	v1 =	vld [tilespmem:$0x790]  }
0xf6: {  	v34 =	vld [tilespmem:$0x680]  }
0xf7: {  	v35 =	vld [tilespmem:$0x1080]  }
0xf8: {  	v30 =	vld [tilespmem:$0x690]  }
0xf9: {  	v31 =	vld [tilespmem:$0x1090]  }
0xfa: {  	[tilespmem:$0x1FFB0] =	vst v1;
	v1 =	vld [tilespmem:$0x1110]  }
0xfb: {  	v27 =	vld [tilespmem:$0x6A0]  }
0xfc: {  	v28 =	vld [tilespmem:$0x10A0]  }
0xfd: {  	v24 =	vld [tilespmem:$0x6B0]  }
0xfe: {  	v25 =	vld [tilespmem:$0x10B0]  }
0xff: {  	[tilespmem:$0x1FFC0] =	vst v1;
	v1 =	vld [tilespmem:$0x7A0]  }
0x100: {  	v20 =	vld [tilespmem:$0x6C0]  }
0x101: {  	v21 =	vld [tilespmem:$0x10C0]  }
0x102: {  	v18 =	vld [tilespmem:$0x6D0]  }
0x103: {  	v19 =	vld [tilespmem:$0x10D0];
	v42 =	vmul.f32 $3.200000000e+01, v42;
	v43 =	vmul.f32 v43, v0  }
0x104: {  	v14 =	vld [tilespmem:$0x6E0];
	v2 =	vmul.f32 $3.200000000e+01, v2;
	[tilespmem:$0x1FFD0] =	vst v1;
	v1 =	vmul.f32 v3, v0  }
0x105: {  	v15 =	vld [tilespmem:$0x10E0];
	v42 =	vadd.f32 v43, v42  }
0x106: {  	v3 =	vld [tilespmem:$0x1120];
	v1 =	vadd.f32 v1, v2;
	v2 =	vmul.f32 $3.200000000e+01, v10  }
0x107: {  	[tilespmem:$0x480] =	vst v42;
	v42 =	vld [tilespmem:$0x11A0];
	v10 =	vmul.f32 v13, v0;
	v13 =	vmul.f32 $3.200000000e+01, v16  }
0x108: {  	v16 =	vmul.f32 v17, v0;
	v17 =	vmul.f32 v23, v0;
	v23 =	vld [tilespmem:$0x7F0]  }
0x109: {  	[tilespmem:$0x380] =	vst v1;
	v1 =	vadd.f32 v10, v2;
	v10 =	vld [tilespmem:$0x1140]  }
0x10a: {  	v2 =	vmul.f32 $3.200000000e+01, v22;
	v22 =	vmul.f32 $3.200000000e+01, v26;
	v26 =	vld [tilespmem:$0x1170]  }
0x10b: {  	v29 =	vmul.f32 v29, v0;
	[tilespmem:$0x1FFE0] =	vst v3;
	v3 =	vmul.f32 $3.200000000e+01, v6;
	v6 =	vld [tilespmem:$0x7B0]  }
0x10c: {  	v7 =	vmul.f32 v7, v0;
	[tilespmem:$0x3A0] =	vst v1;
	v1 =	vadd.f32 v17, v2;
	v17 =	vld [tilespmem:$0x7E0]  }
0x10d: {  	v2 =	vmul.f32 $3.200000000e+01, v32;
	v32 =	vmul.f32 v33, v0;
	v33 =	vadd.f32 v29, v22;
	v22 =	vld [tilespmem:$0x1160]  }
0x10e: {  	v29 =	vld [tilespmem:$0x880]  }
0x10f: {  	v3 =	vadd.f32 v7, v3;
	v7 =	vld [tilespmem:$0x7C0];
	[tilespmem:$0x3C0] =	vst v1  }
0x110: {  	v38 =	vmul.f32 $3.200000000e+01, v38;
	v39 =	vmul.f32 v39, v0;
	v1 =	vadd.f32 v32, v2;
	[tilespmem:$0x3D0] =	vst v33;
	v32 =	vld [tilespmem:$0x1180]  }
0x111: {  	v54 =	vmul.f32 $3.200000000e+01, v54;
	v55 =	vmul.f32 v55, v0;
	v33 =	vld [tilespmem:$0x890];
	[tilespmem:$0x390] =	vst v3;
	v3 =	vadd.f32 v16, v13  }
0x112: {  	v43 =	vmul.f32 $3.200000000e+01, v46;
	v46 =	vmul.f32 v49, v0;
	v13 =	vld [tilespmem:$0x7D0]  }
0x113: {  	v16 =	vld [tilespmem:$0x1150];
	[tilespmem:$0x3B0] =	vst v3;
	v3 =	vadd.f32 v39, v38;
	v38 =	vmul.f32 $3.200000000e+01, v44;
	v39 =	vmul.f32 v45, v0  }
0x114: {  	v49 =	vmul.f32 v51, v0;
	[tilespmem:$0x1FFF0] =	vst v6;
	v6 =	vld [tilespmem:$0x1130];
	v44 =	vmul.f32 v47, v0  }
0x115: {  	v45 =	vmul.f32 $3.200000000e+01, v48;
	v48 =	vmul.f32 $3.200000000e+01, v50;
	[tilespmem:$0x3F0] =	vst v3;
	v3 =	vadd.f32 v39, v38;
	v38 =	vld [tilespmem:$0x1190]  }
0x116: {  	v51 =	vmul.f32 $3.200000000e+01, v52;
	v52 =	vmul.f32 v53, v0;
	v47 =	vadd.f32 v44, v43;
	v39 =	vld [tilespmem:$0x8A0]  }
0x117: {  	v5 =	vmul.f32 $3.200000000e+01, v5;
	v50 =	vadd.f32 v46, v45;
	v53 =	vadd.f32 v49, v48;
	v46 =	vld [tilespmem:$0x8B0]  }
0x118: {  	v48 =	vadd.f32 v52, v51;
	v49 =	vmul.f32 $3.200000000e+01, v56;
	v52 =	vmul.f32 $3.200000000e+01, v58;
	v43 =	vld [tilespmem:$0x8C0]  }
0x119: {  	v58 =	vmul.f32 $3.200000000e+01, v62;
	v62 =	vmul.f32 $3.200000000e+01, v9;
	v9 =	vld [tilespmem:$0x11C0]  }
0x11a: {  	v51 =	vadd.f32 v55, v54;
	v55 =	vmul.f32 $3.200000000e+01, v60;
	v45 =	vmul.f32 v11, v0;
	v11 =	vld [tilespmem:$0x8D0]  }
0x11b: {  	v56 =	vmul.f32 v61, v0;
	v44 =	vmul.f32 $3.200000000e+01, v12;
	v12 =	vld [tilespmem:$0x11D0];
	[tilespmem:$0x4A0] =	vst v47  }
0x11c: {  	v4 =	vmul.f32 v4, v0;
	v8 =	vmul.f32 v8, v0;
	[tilespmem:$0x4B0] =	vst v50;
	v47 =	vld [tilespmem:$0x11B0]  }
0x11d: {  	v50 =	vmul.f32 v57, v0;
	[tilespmem:$0x4C0] =	vst v53;
	v60 =	vadd.f32 v56, v55;
	v55 =	vmul.f32 $3.200000000e+01, v34;
	v34 =	vld [tilespmem:$0x11E0]  }
0x11e: {  	[tilespmem:$0x4D0] =	vst v48;
	v48 =	vadd.f32 v8, v62;
	v62 =	vmul.f32 v28, v0;
	v28 =	vmul.f32 $3.200000000e+01, v24;
	v24 =	vld [tilespmem:$0x980]  }
0x11f: {  	v53 =	vmul.f32 v59, v0;
	[tilespmem:$0x4E0] =	vst v51;
	v51 =	vadd.f32 v45, v44;
	v44 =	vmul.f32 $3.200000000e+01, v18;
	v18 =	vld [tilespmem:$0x990]  }
0x120: {  	[tilespmem:$0x3E0] =	vst v1;
	v59 =	vmul.f32 v63, v0;
	v45 =	vmul.f32 v19, v0;
	v19 =	vld [tilespmem:$0x1220]  }
0x121: {  	[tilespmem:$0x490] =	vst v3;
	v63 =	vadd.f32 v4, v5;
	v57 =	vadd.f32 v53, v52;
	v52 =	vmul.f32 $3.200000000e+01, v36;
	v36 =	vld [tilespmem:$0x8E0]  }
0x122: {  	v56 =	vmul.f32 v35, v0;
	v61 =	vadd.f32 v59, v58;
	[tilespmem:$0x590] =	vst v60;
	v58 =	vmul.f32 $3.200000000e+01, v30;
	v30 =	vld [tilespmem:$0x8F0]  }
0x123: {  	[tilespmem:$0x5B0] =	vst v63;
	v53 =	vmul.f32 v37, v0;
	v37 =	vmul.f32 $3.200000000e+01, v20;
	v20 =	vld [tilespmem:$0x1200]  }
0x124: {  	v54 =	vadd.f32 v50, v49;
	[tilespmem:$0x5C0] =	vst v48;
	v60 =	vadd.f32 v56, v55;
	v55 =	vld [tilespmem:$0x1FF90]  }
0x125: {  	v49 =	vmul.f32 $3.200000000e+01, v40;
	[tilespmem:$0x5D0] =	vst v51;
	v56 =	vld [tilespmem:$0x1FFA0]  }
0x126: {  	v50 =	vmul.f32 v41, v0;
	v40 =	vmul.f32 v21, v0;
	v21 =	vld [tilespmem:$0x9B0];
	[tilespmem:$0x4F0] =	vst v54  }
0x127: {  	v59 =	vmul.f32 v31, v0;
	v31 =	vmul.f32 v25, v0;
	v25 =	vld [tilespmem:$0x1230];
	[tilespmem:$0x580] =	vst v57  }
0x128: {  	v51 =	vadd.f32 v45, v44;
	v44 =	vmul.f32 $3.200000000e+01, v13;
	v13 =	vld [tilespmem:$0x1250];
	[tilespmem:$0x5A0] =	vst v61  }
0x129: {  	v45 =	vmul.f32 v16, v0;
	v16 =	vld [tilespmem:$0x9E0];
	v54 =	vadd.f32 v50, v49;
	[tilespmem:$0x680] =	vst v60  }
0x12a: {  	v57 =	vadd.f32 v53, v52;
	v61 =	vmul.f32 $3.200000000e+01, v27;
	v27 =	vld [tilespmem:$0x11F0];
	[tilespmem:$0x6D0] =	vst v51  }
0x12b: {  	v63 =	vadd.f32 v59, v58;
	v41 =	vadd.f32 v31, v28;
	v49 =	vmul.f32 $3.200000000e+01, v14;
	v14 =	vld [tilespmem:$0x1210];
	[tilespmem:$0x5E0] =	vst v54  }
0x12c: {  	v48 =	vadd.f32 v40, v37;
	v50 =	vmul.f32 v15, v0;
	v52 =	vld [tilespmem:$0x1FF70];
	v31 =	vmul.f32 v6, v0;
	[tilespmem:$0x5F0] =	vst v57  }
0x12d: {  	v53 =	vld [tilespmem:$0x1FF80];
	v37 =	vmul.f32 $3.200000000e+01, v7;
	v40 =	vmul.f32 v10, v0;
	v51 =	vadd.f32 v45, v44;
	[tilespmem:$0x690] =	vst v63  }
0x12e: {  	v58 =	vld [tilespmem:$0x1FFB0];
	v35 =	vadd.f32 v62, v61;
	[tilespmem:$0x6B0] =	vst v41;
	v54 =	vadd.f32 v50, v49;
	v49 =	vmul.f32 $3.200000000e+01, v17  }
0x12f: {  	v59 =	vld [tilespmem:$0x1FFC0];
	[tilespmem:$0x6C0] =	vst v48;
	v48 =	vadd.f32 v40, v37;
	v50 =	vmul.f32 v22, v0;
	v37 =	vmul.f32 $3.200000000e+01, v11  }
0x130: {  	v61 =	vld [tilespmem:$0x1FFD0];
	[tilespmem:$0x7D0] =	vst v51;
	v2 =	vmul.f32 $3.200000000e+01, v55;
	v8 =	vmul.f32 v56, v0  }
0x131: {  	v62 =	vld [tilespmem:$0x1FFE0];
	v55 =	vmul.f32 $3.200000000e+01, v29;
	v56 =	vmul.f32 v32, v0;
	[tilespmem:$0x6A0] =	vst v35  }
0x132: {  	v15 =	vld [tilespmem:$0x9A0];
	[tilespmem:$0x6E0] =	vst v54;
	v54 =	vadd.f32 v50, v49;
	v4 =	vmul.f32 $3.200000000e+01, v52;
	v5 =	vmul.f32 v53, v0  }
0x133: {  	v28 =	vld [tilespmem:$0x1FFF0];
	v32 =	vmul.f32 $3.200000000e+01, v43;
	v40 =	vmul.f32 $3.200000000e+01, v36;
	[tilespmem:$0x7C0] =	vst v48;
	v60 =	vadd.f32 v8, v2  }
0x134: {  	v6 =	vld [tilespmem:$0x9C0];
	v43 =	vmul.f32 $3.200000000e+01, v30;
	v44 =	vmul.f32 v27, v0;
	[tilespmem:$0x7E0] =	vst v54;
	v57 =	vadd.f32 v5, v4  }
0x135: {  	v10 =	vld [tilespmem:$0x9D0];
	v4 =	vmul.f32 $3.200000000e+01, v58;
	v5 =	vmul.f32 v59, v0;
	[tilespmem:$0x780] =	vst v60;
	v60 =	vadd.f32 v56, v55  }
0x136: {  	v17 =	vld [tilespmem:$0x1260];
	v2 =	vmul.f32 $3.200000000e+01, v61;
	v8 =	vmul.f32 v62, v0;
	v49 =	vadd.f32 v44, v43;
	[tilespmem:$0x6F0] =	vst v57  }
0x137: {  	v22 =	vld [tilespmem:$0x9F0];
	v52 =	vmul.f32 $3.200000000e+01, v23;
	v53 =	vmul.f32 v26, v0;
	v63 =	vadd.f32 v5, v4;
	[tilespmem:$0x880] =	vst v60  }
0x138: {  	v11 =	vld [tilespmem:$0xA90];
	v58 =	vmul.f32 $3.200000000e+01, v33;
	v33 =	vmul.f32 v9, v0;
	v35 =	vadd.f32 v8, v2;
	[tilespmem:$0x8F0] =	vst v49  }
0x139: {  	v36 =	vld [tilespmem:$0xAE0];
	v59 =	vmul.f32 v38, v0;
	v38 =	vmul.f32 v12, v0;
	v57 =	vadd.f32 v53, v52;
	[tilespmem:$0x790] =	vst v63  }
0x13a: {  	v48 =	vld [tilespmem:$0x12A0];
	v61 =	vmul.f32 $3.200000000e+01, v39;
	v4 =	vmul.f32 $3.200000000e+01, v28;
	v39 =	vadd.f32 v33, v32;
	[tilespmem:$0x7A0] =	vst v35  }
0x13b: {  	v23 =	vld [tilespmem:$0x1270];
	v62 =	vmul.f32 v42, v0;
	v42 =	vadd.f32 v38, v37;
	[tilespmem:$0x7F0] =	vst v57  }
0x13c: {  	v26 =	vld [tilespmem:$0xA80];
	v41 =	vadd.f32 v31, v4;
	[tilespmem:$0x8C0] =	vst v39  }
0x13d: {  	v29 =	vmul.f32 v47, v0;
	v27 =	vld [tilespmem:$0xAA0];
	v28 =	vmul.f32 $3.200000000e+01, v46;
	v63 =	vadd.f32 v59, v58;
	[tilespmem:$0x8D0] =	vst v42  }
0x13e: {  	v47 =	vmul.f32 v20, v0;
	v12 =	vld [tilespmem:$0x1290];
	v46 =	vmul.f32 $3.200000000e+01, v24;
	v31 =	vadd.f32 v62, v61;
	[tilespmem:$0x7B0] =	vst v41  }
0x13f: {  	v50 =	vmul.f32 $3.200000000e+01, v18;
	v51 =	vmul.f32 v14, v0;
	v9 =	vld [tilespmem:$0x1280];
	v35 =	vadd.f32 v29, v28;
	[tilespmem:$0x890] =	vst v63  }
0x140: {  	v54 =	vmul.f32 $3.200000000e+01, v15;
	v55 =	vmul.f32 v19, v0;
	v56 =	vld [tilespmem:$0x12B0];
	v53 =	vadd.f32 v47, v46;
	[tilespmem:$0x8A0] =	vst v31  }
0x141: {  	v52 =	vld [tilespmem:$0xAB0];
	v57 =	vadd.f32 v51, v50;
	v58 =	vmul.f32 $3.200000000e+01, v21;
	v59 =	vmul.f32 v25, v0;
	[tilespmem:$0x8B0] =	vst v35  }
0x142: {  	v19 =	vld [tilespmem:$0x12C0];
	v24 =	vmul.f32 $3.200000000e+01, v10;
	v61 =	vadd.f32 v55, v54;
	v25 =	vmul.f32 v13, v0;
	[tilespmem:$0x980] =	vst v53  }
0x143: {  	v8 =	vld [tilespmem:$0x1240];
	v42 =	vmul.f32 $3.200000000e+01, v11;
	v43 =	vmul.f32 v12, v0;
	[tilespmem:$0x990] =	vst v57;
	v21 =	vadd.f32 v59, v58  }
0x144: {  	v44 =	vld [tilespmem:$0xAF0];
	v46 =	vmul.f32 $3.200000000e+01, v27;
	v47 =	vmul.f32 v48, v0;
	[tilespmem:$0x9A0] =	vst v61;
	v33 =	vadd.f32 v25, v24  }
0x145: {  	v30 =	vmul.f32 $3.200000000e+01, v16;
	v60 =	vld [tilespmem:$0xAC0];
	v41 =	vmul.f32 v34, v0;
	v49 =	vadd.f32 v43, v42;
	[tilespmem:$0x9B0] =	vst v21  }
0x146: {  	v32 =	vld [tilespmem:$0x12D0];
	v31 =	vmul.f32 v17, v0;
	v50 =	vmul.f32 $3.200000000e+01, v52;
	v52 =	vadd.f32 v47, v46;
	[tilespmem:$0x9D0] =	vst v33  }
0x147: {  	v28 =	vld [tilespmem:$0xAD0];
	v34 =	vmul.f32 $3.200000000e+01, v22;
	v35 =	vmul.f32 v23, v0;
	v45 =	vadd.f32 v41, v40;
	[tilespmem:$0xA90] =	vst v49  }
0x148: {  	v62 =	vmul.f32 $3.200000000e+01, v6;
	v63 =	vmul.f32 v8, v0;
	v37 =	vadd.f32 v31, v30;
	v40 =	vld [tilespmem:$0x12E0];
	[tilespmem:$0xAA0] =	vst v52  }
0x149: {  	v48 =	vld [tilespmem:$0x12F0];
	v51 =	vmul.f32 v56, v0;
	v41 =	vadd.f32 v35, v34;
	[tilespmem:$0x8E0] =	vst v45  }
0x14a: {  	v54 =	vmul.f32 v19, v0;
	v53 =	vmul.f32 $3.200000000e+01, v60;
	v29 =	vadd.f32 v63, v62;
	[tilespmem:$0x9E0] =	vst v37  }
0x14b: {  	v38 =	vmul.f32 $3.200000000e+01, v26;
	v39 =	vmul.f32 v9, v0;
	v55 =	vadd.f32 v51, v50;
	[tilespmem:$0x9F0] =	vst v41  }
0x14c: {  	v57 =	vmul.f32 v32, v0;
	v56 =	vmul.f32 $3.200000000e+01, v28;
	v58 =	vadd.f32 v54, v53;
	[tilespmem:$0x9C0] =	vst v29  }
0x14d: {  	v59 =	vmul.f32 $3.200000000e+01, v36;
	v45 =	vadd.f32 v39, v38;
	[tilespmem:$0xAB0] =	vst v55;
	v60 =	vmul.f32 v40, v0  }
0x14e: {  	v62 =	vmul.f32 $3.200000000e+01, v44;
	v61 =	vadd.f32 v57, v56;
	[tilespmem:$0xAC0] =	vst v58;
	v0 =	vmul.f32 v48, v0  }
0x14f: {  	[tilespmem:$0xA80] =	vst v45;
	v63 =	vadd.f32 v60, v59  }
0x150: {  	[tilespmem:$0xAD0] =	vst v61;
	v0 =	vadd.f32 v0, v62  }
0x151: {  	s2 =	sadd.s32 s3, s2;
	[tilespmem:$0xAE0] =	vst v63  }
0x152: {  	s2 =	sadd.s32 $0xA00, s2;
	[tilespmem:$0xAF0] =	vst v0  }
0x153: {  	[hbm4b:s2+s22] =	stream.strided.scatter [tilespmem:s6], [sflag:$0x4], $0x800, s23, s22, $0x38;
	[tilespmem:$0x1300] =	vst v63  }
0x154: {  	_ =	swait.ge [sflag:s24], $0x800  }
0x155: {  	[sflag:s24] =	ssyncset.done $0x0  }
0x156: {  	[sflag:s24] =	ssyncadd.s32 $0xFFFFF800  }
0x157: {  	_ =	sfence.sel $0x180000  }
0x158: {  	[bflag:$0x0] =	sbarrier.arrive $0xFFFF  }
0x159: {  	p0 =	sne.s32 s0, $0x0;
	_ =	strace $0x90000047  }
0x15a: {  	s0 =	sadd.s32 @!p0 $0x100000, s1;
	[bflag:$0x2] =	sbarrier.arrive $0xFFFF  }
0x15b: {  	[sflag:s0] =	ssyncadd.tile.s32 @!p0 $0x1;
	_ =	shalt  }
.Lfunc_end2:
_tile_overlayer_lowered:
.L_overlay_start_2:
0x15c: {  	(tag) =	ssettag $0x2  }
0x15d: {  	s0 =	rddreg [dreg:$0x0];
	s2 =	stileid.u32  }
0x15e: {  	s1 =	rddreg [dreg:$0x1];
	p0 =	sne.s32 s2, $0x0  }
0x15f: {  	s3 =	rddreg [dreg:$0x2];
	[bflag:$0x3] =	sbarrier.arrive $0xFFFF;
	s2 =	simm.s32 @!p0 $0x1C04  }
0x160: {  	[timem:s3], [sflag:s2] =	dma.local @!p0 [hbm:s0], s1  }
0x161: {  	s0 =	simm.s32 @!p0 $0x4  }
0x162: {  	_ =	swait.ge @!p0 [sflag:s0], s1  }
0x163: {  	s1 =	ssub.s32 @!p0 $0x0, s1;
	[sflag:s0] =	ssyncset.done @!p0 $0x0  }
0x164: {  	[sflag:s0] =	ssyncadd.s32 @!p0 s1  }
0x165: {  	[bflag:$0x3] =	sbarrier.arrive $0xFFFF  }
0x166: {  	_ =	shalt  }

</sc_bundles>
